<compile_context>
chip_gen: v7x
topology: tpu7x:2x2x1
jax: 0.10.2.dev20260603
libtpu: 0.0.44.dev20260713+nightly
codegen_flags: <defaults>
</compile_context>

<pallas_src>
import functools

import jax
import jax.numpy as jnp
from jax import lax
from jax.experimental import pallas as pl
from jax.experimental.pallas import tpu as pltpu
from jax.experimental.pallas import tpu_sc as plsc

NN = 10000
DD = 128
EE = 320000
NC = 2
NS = 16
NW = NC * NS
EPT = EE // NW
CH = 128
IB = 8
NCHUNK = 80
EPAD = NCHUNK * CH
NBLK = NCHUNK // IB
NP = 10240
RPT = NP // NS

_mesh = plsc.VectorSubcoreMesh(
    core_axis_name="c", subcore_axis_name="s", num_cores=NC, num_subcores=NS
)
_sc_params = pltpu.CompilerParams(needs_layout_passes=False)


def _zero_rows(ref, nrows):
    z = jnp.zeros((16,), jnp.float32)

    def body(i, _):
        for k in range(8):
            ref[i, pl.ds(k * 16, 16)] = z
        return 0

    lax.fori_loop(0, nrows, body, 0)


def _deg_body(dst_hbm, deg_hbm, dst_v, part_v, tmp_v, obuf_v, sh):
    c = lax.axis_index("c")
    s = lax.axis_index("s")
    w = c * NS + s
    pltpu.sync_copy(dst_hbm.at[w], dst_v)

    z = jnp.zeros((16,), jnp.float32)

    def zbody(i, _):
        part_v[pl.ds(i * 16, 16)] = z
        return 0

    lax.fori_loop(0, NP // 16, zbody, 0)

    ones = jnp.ones((16,), jnp.float32)

    def body(t, _):
        d = dst_v[pl.ds(t * 16, 16)]
        plsc.addupdate_scatter(part_v, [d], ones)
        return 0

    lax.fori_loop(0, EPAD // 16, body, 0)
    pltpu.sync_copy(part_v, sh.at[s])
    plsc.subcore_barrier()
    for p in range(NS):
        pltpu.sync_copy(sh.at[p, pl.ds(s * RPT, RPT)], tmp_v.at[p])

    def rbody(k, _):
        acc = tmp_v[0, pl.ds(k * 16, 16)]
        for p in range(1, NS):
            acc = acc + tmp_v[p, pl.ds(k * 16, 16)]
        obuf_v[pl.ds(k * 16, 16)] = acc
        return 0

    lax.fori_loop(0, RPT // 16, rbody, 0)
    pltpu.sync_copy(obuf_v, deg_hbm.at[c, pl.ds(s * RPT, RPT)])


_deg_call = pl.kernel(
    _deg_body,
    out_type=jax.ShapeDtypeStruct((NC, NP), jnp.float32),
    mesh=_mesh,
    scratch_types=[
        pltpu.VMEM((EPAD,), jnp.int32),
        pltpu.VMEM((NP,), jnp.float32),
        pltpu.VMEM((NS, RPT), jnp.float32),
        pltpu.VMEM((RPT,), jnp.float32),
        pltpu.VMEM_SHARED((NS, NP), jnp.float32),
    ],
    compiler_params=_sc_params,
)


def _agg_body(g_hbm, src_hbm, dst_hbm, out_hbm,
              src_v, dst_v, rows0_v, sem0, acc_sh):
    c = lax.axis_index("c")
    s = lax.axis_index("s")
    w = c * NS + s
    pltpu.sync_copy(src_hbm.at[w], src_v)
    pltpu.sync_copy(dst_hbm.at[w], dst_v)
    _zero_rows(rows0_v, CH)
    for t in range(RPT // CH):
        pltpu.sync_copy(rows0_v, acc_sh.at[pl.ds(s * RPT + t * CH, CH)])
    plsc.subcore_barrier()

    def body(j, _):
        cpa = pltpu.async_copy(g_hbm.at[src_v.at[j]], rows0_v, sem0)
        cpa.wait()
        pltpu.sync_copy(rows0_v, acc_sh.at[dst_v.at[j]], add=True)
        return 0

    lax.fori_loop(0, NCHUNK, body, 0)

    plsc.subcore_barrier()
    for t in range(RPT // CH):
        r = s * RPT + t * CH
        pltpu.sync_copy(acc_sh.at[pl.ds(r, CH)], rows0_v)
        pltpu.sync_copy(rows0_v, out_hbm.at[c, pl.ds(r, CH)])


_agg_call = pl.kernel(
    _agg_body,
    out_type=jax.ShapeDtypeStruct((NC, NP, DD), jnp.float32),
    mesh=_mesh,
    scratch_types=[
        pltpu.VMEM((NCHUNK, CH), jnp.int32),
        pltpu.VMEM((NCHUNK, CH), jnp.int32),
        pltpu.VMEM((CH, DD), jnp.float32),
        pltpu.SemaphoreType.DMA,
        pltpu.VMEM_SHARED((NP, DD), jnp.float32),
    ],
    compiler_params=_sc_params,
)



_RB = 1000
_GRID = NN // _RB

_row_spec = pl.BlockSpec((_RB, DD), lambda i: (i, 0))
_col_spec = pl.BlockSpec((_RB, 1), lambda i: (i, 0))
_w_spec = pl.BlockSpec((DD, DD), lambda i: (0, 0))
_b_spec = pl.BlockSpec((1, DD), lambda i: (0, 0))
_p_spec = pl.BlockSpec((NC, _RB, DD), lambda i: (0, i, 0))
_deg_spec = pl.BlockSpec((NC, _RB, 1), lambda i: (0, i, 0))

_PREC = jax.lax.Precision.HIGHEST


def _mm2_body(x_ref, wl_ref, bl_ref, w1_ref, b1_ref, deg_ref,
              t1_ref, rs_ref, g1_ref):
    h0 = jnp.dot(x_ref[...], wl_ref[...], precision=_PREC,
                 preferred_element_type=jnp.float32) + bl_ref[...]
    t1 = jnp.dot(h0, w1_ref[...], precision=_PREC,
                 preferred_element_type=jnp.float32) + b1_ref[...]
    t1_ref[...] = t1
    rs = lax.rsqrt(deg_ref[0] + deg_ref[1] + 1.0)
    rs_ref[...] = rs
    g1_ref[...] = t1 * rs


_mm2 = pl.pallas_call(
    _mm2_body,
    grid=(_GRID,),
    in_specs=[_row_spec, _w_spec, _b_spec, _w_spec, _b_spec, _deg_spec],
    out_specs=[_row_spec, _col_spec, _row_spec],
    out_shape=[jax.ShapeDtypeStruct((NN, DD), jnp.float32),
               jax.ShapeDtypeStruct((NN, 1), jnp.float32),
               jax.ShapeDtypeStruct((NN, DD), jnp.float32)],
)


def _layer2_body(p_ref, rs_ref, t1_ref, w2_ref, b2_ref, t2_ref, g2_ref):
    rs = rs_ref[...]
    h1 = jnp.maximum(rs * (p_ref[0] + p_ref[1]) + t1_ref[...], 0.0)
    t2 = jnp.dot(h1, w2_ref[...], precision=_PREC,
                 preferred_element_type=jnp.float32) + b2_ref[...]
    t2_ref[...] = t2
    g2_ref[...] = t2 * rs


_layer2 = pl.pallas_call(
    _layer2_body,
    grid=(_GRID,),
    in_specs=[_p_spec, _col_spec, _row_spec, _w_spec, _b_spec],
    out_specs=[_row_spec, _row_spec],
    out_shape=[jax.ShapeDtypeStruct((NN, DD), jnp.float32),
               jax.ShapeDtypeStruct((NN, DD), jnp.float32)],
)


def _final_body(q_ref, rs_ref, t2_ref, wih_ref, whh_ref, b_ref, ch_ref, o_ref):
    h2 = jnp.maximum(rs_ref[...] * (q_ref[0] + q_ref[1]) + t2_ref[...], 0.0)
    o_ref[...] = jnp.tanh(
        jnp.dot(h2, wih_ref[...], precision=_PREC,
                preferred_element_type=jnp.float32)
        + jnp.dot(ch_ref[...], whh_ref[...], precision=_PREC,
                  preferred_element_type=jnp.float32)
        + b_ref[...])


_final = pl.pallas_call(
    _final_body,
    grid=(_GRID,),
    in_specs=[_p_spec, _col_spec, _row_spec, _w_spec, _w_spec, _b_spec,
              _row_spec],
    out_specs=_row_spec,
    out_shape=jax.ShapeDtypeStruct((NN, DD), jnp.float32),
)


def kernel(x, edge_index, W_lin, b_lin, W1, b1, W2, b2, Wih, Whh, bih, bhh,
           cell_hidden):
    ei = edge_index.astype(jnp.int32)
    src = ei[0].reshape(NW, EPT)
    dst = ei[1].reshape(NW, EPT)
    pad = EPAD - EPT
    srcp = jnp.pad(src, ((0, 0), (0, pad))).reshape(NW, NCHUNK, CH)
    dstp = jnp.pad(dst, ((0, 0), (0, pad)),
                   constant_values=NN).reshape(NW, NCHUNK, CH)

    degp = _deg_call(dstp.reshape(NW, EPAD))
    t1, rs, g1 = _mm2(x, W_lin, b_lin.reshape(1, DD), W1, b1.reshape(1, DD),
                      degp.reshape(NC, NP, 1))
    p = _agg_call(g1, srcp, dstp)
    t2, g2 = _layer2(p, rs, t1, W2, b2.reshape(1, DD))
    q = _agg_call(g2, srcp, dstp)
    out = _final(q, rs, t2, Wih.T, Whh.T,
                 (bih + bhh).reshape(1, DD), cell_hidden)
    return out

# --- scband reference (transcript-rebuilt; emitter-appended) ---
"""Pipeline reference for scband-dynhat-29832842838623 (READ-ONLY COPY).

The authoritative reference and input builder live on the scoring server;
editing this copy changes nothing except your own understanding.
"""

import jax, jax.numpy as jnp
import numpy as np

N = 10000
E = 320000
D = 128


def _hgcn_conv(h_in, src, dst, W, b):
    # Reconstructed HGCNConv with Euclidean manifold (all manifold maps are identity):
    # linear transform in tangent space, symmetric degree-normalized neighbor aggregation,
    # self-connection, ReLU nonlinearity.
    h = h_in @ W + b
    ones_e = jnp.ones((src.shape[0],), dtype=h.dtype)
    deg = jax.ops.segment_sum(ones_e, dst, num_segments=N) + 1.0
    norm = jax.lax.rsqrt(deg[src]) * jax.lax.rsqrt(deg[dst])
    msgs = h[src] * norm[:, None]
    agg = jax.ops.segment_sum(msgs, dst, num_segments=N)
    return jax.nn.relu(agg + h)


def setup_inputs(seed: int = 0) -> dict:
    key = jax.random.key(seed)
    ks = jax.random.split(key, 16)
    s = 0.05
    inp = {}
    inp['x'] = jax.random.normal(ks[0], (N, D), dtype=jnp.float32)
    inp['edge_index'] = jax.random.randint(ks[1], (2, E), 0, N, dtype=jnp.int64)
    # nn.Linear(nfeat=128, nout=128)
    inp['W_lin'] = jax.random.normal(ks[2], (D, D), dtype=jnp.float32) * s
    inp['b_lin'] = jnp.zeros((D,), dtype=jnp.float32)
    # HGCNConv layer1 / layer2 weights (agg_feat_size=nhid=128 for Euclidean)
    inp['W1'] = jax.random.normal(ks[3], (D, D), dtype=jnp.float32) * s
    inp['b1'] = jnp.zeros((D,), dtype=jnp.float32)
    inp['W2'] = jax.random.normal(ks[4], (D, D), dtype=jnp.float32) * s
    inp['b2'] = jnp.zeros((D,), dtype=jnp.float32)
    # nn.RNNCell(128, 128): h' = tanh(x Wih^T + bih + h Whh^T + bhh)
    inp['Wih'] = jax.random.normal(ks[5], (D, D), dtype=jnp.float32) * s
    inp['Whh'] = jax.random.normal(ks[6], (D, D), dtype=jnp.float32) * s
    inp['bih'] = jnp.zeros((D,), dtype=jnp.float32)
    inp['bhh'] = jnp.zeros((D,), dtype=jnp.float32)
    # persistent cell hidden state (plain tensor buffer in torch, glorot-initialized)
    inp['cell_hidden'] = jax.random.normal(ks[7], (N, D), dtype=jnp.float32) * s
    return inp


def reference(x, edge_index, W_lin, b_lin, W1, b1, W2, b2, Wih, Whh, bih, bhh, cell_hidden):
    # Euclidean manifold: proj_tan0, expmap0, proj, logmap0 are identity maps,
    # so initHyperX / toHyperX / toTangentX are no-ops.
    src = edge_index[0]
    dst = edge_index[1]
    h = x @ W_lin + b_lin            # self.linear(x)
    h = _hgcn_conv(h, src, dst, W1, b1)   # layer1
    h = _hgcn_conv(h, src, dst, W2, b2)   # layer2
    # RNNCell applied with nodes as the batch dimension
    h = jnp.tanh(h @ Wih.T + bih + cell_hidden @ Whh.T + bhh)
    return h

if __name__ == "__main__":
    import jax
    _d = setup_inputs()
    print(jax.jit(kernel)(*tuple(_d.values())))

</pallas_src>

<mosaic_0001>
#map = affine_map<(d0, d1) -> (0, 0)>
module attributes {stable_mosaic.version = 14 : i64} {
  func.func @_deg_body(%arg0: i32, %arg1: i32, %arg2: memref<32x10240xi32, #tpu.memory_space<hbm>>, %arg3: memref<2x10240xf32, #tpu.memory_space<hbm>>, %arg4: memref<10240xi32, #tpu.memory_space<vmem>>, %arg5: memref<10240xf32, #tpu.memory_space<vmem>>, %arg6: memref<16x640xf32, #tpu.memory_space<vmem>>, %arg7: memref<640xf32, #tpu.memory_space<vmem>>, %arg8: memref<16x10240xf32, #tpu.memory_space<vmem_shared>>) attributes {dimension_semantics = [#tpu.dimension_semantics<core_parallel>, #tpu.dimension_semantics<subcore_parallel>], iteration_bounds = array<i64: 2, 16>, scalar_prefetch = 0 : i64, scratch_operands = 5 : i64, tpu.core_type = #tpu.core_type<sc_vector_subcore>, window_params = [{transform_indices = #map}, {transform_indices = #map}]} {
    %mul3A = arith.constant 16 : i32
    %mul3A_0 = arith.muli %arg0, %mul3A : i32
    %add3A = arith.addi %mul3A_0, %arg1 : i32
    "tpu.region"() ({
      %run_scoped3A_89 = tpu.sem_alloc : memref<!tpu.dma_semaphore, #tpu.memory_space<semaphore_mem>>
      %dma_start3A = arith.constant 0 : i32
      %dma_start3A_90 = tpu.memref_slice %arg2[%add3A, %dma_start3A] : memref<32x10240xi32, #tpu.memory_space<hbm>> -> memref<1x10240xi32, #tpu.memory_space<hbm>>
      %dma_start3A_91 = tpu.memref_squeeze %dma_start3A_90 : memref<1x10240xi32, #tpu.memory_space<hbm>> -> memref<10240xi32, #tpu.memory_space<hbm>>
      %dma_start3A_92 = arith.constant 0 : i32
      %dma_start3A_93 = tpu.memref_slice %arg2[%add3A, %dma_start3A_92] : memref<32x10240xi32, #tpu.memory_space<hbm>> -> memref<1x10240xi32, #tpu.memory_space<hbm>>
      %dma_start3A_94 = tpu.memref_squeeze %dma_start3A_93 : memref<1x10240xi32, #tpu.memory_space<hbm>> -> memref<10240xi32, #tpu.memory_space<hbm>>
      tpu.enqueue_dma source(%dma_start3A_94 : memref<10240xi32, #tpu.memory_space<hbm>>) target(%arg4 : memref<10240xi32, #tpu.memory_space<vmem>>) target_semaphore(%run_scoped3A_89 : memref<!tpu.dma_semaphore, #tpu.memory_space<semaphore_mem>>)
      %dma_wait3A = arith.constant 0 : i32
      %dma_wait3A_95 = tpu.memref_slice %arg2[%add3A, %dma_wait3A] : memref<32x10240xi32, #tpu.memory_space<hbm>> -> memref<1x10240xi32, #tpu.memory_space<hbm>>
      %dma_wait3A_96 = tpu.memref_squeeze %dma_wait3A_95 : memref<1x10240xi32, #tpu.memory_space<hbm>> -> memref<10240xi32, #tpu.memory_space<hbm>>
      %dma_wait3A_97 = arith.constant 0 : i32
      %dma_wait3A_98 = tpu.memref_slice %arg2[%add3A, %dma_wait3A_97] : memref<32x10240xi32, #tpu.memory_space<hbm>> -> memref<1x10240xi32, #tpu.memory_space<hbm>>
      %dma_wait3A_99 = tpu.memref_squeeze %dma_wait3A_98 : memref<1x10240xi32, #tpu.memory_space<hbm>> -> memref<10240xi32, #tpu.memory_space<hbm>>
      tpu.wait_dma2 semaphore(%run_scoped3A_89 : memref<!tpu.dma_semaphore, #tpu.memory_space<semaphore_mem>>) src(%dma_wait3A_99 : memref<10240xi32, #tpu.memory_space<hbm>>) dst(%arg4 : memref<10240xi32, #tpu.memory_space<vmem>>)
      tpu.yield
    }) : () -> ()
    %broadcast_in_dim3A = arith.constant 0.000000e+00 : f32
    %broadcast_in_dim3A_1 = vector.broadcast %broadcast_in_dim3A : f32 to vector<16xf32>
    %scan3A = arith.constant 0 : i32
    %scan3A_2 = arith.constant 0 : i32
    %scan3A_3 = arith.constant 640 : i32
    %scan3A_4 = arith.addi %scan3A_2, %scan3A_3 : i32
    %scan3A_5 = arith.constant 1 : i32
    %scan3A_6 = scf.for %scan3A_89 = %scan3A_2 to %scan3A_4 step %scan3A_5 iter_args(%scan3A_90 = %scan3A) -> (i32)  : i32 {
      %mul3A_91 = arith.constant 16 : i32
      %mul3A_92 = arith.muli %scan3A_89, %mul3A_91 : i32
      %swap3A = arith.index_cast %mul3A_92 : i32 to index
      %swap3A_93 = tpu.vector_load %arg5[%swap3A] {strides = array<i32>} : memref<10240xf32, #tpu.memory_space<vmem>>, vector<16xf32>,
      tpu.vector_store %arg5[%swap3A], %broadcast_in_dim3A_1 {strides = array<i32>} : memref<10240xf32, #tpu.memory_space<vmem>>, vector<16xf32>,
      %scan3A_94 = arith.constant 0 : i32
      scf.yield %scan3A_94 : i32
    }
    %scan3A_7 = arith.constant 640 : i32
    %broadcast_in_dim3A_8 = arith.constant 1.000000e+00 : f32
    %broadcast_in_dim3A_9 = vector.broadcast %broadcast_in_dim3A_8 : f32 to vector<16xf32>
    %scan3A_10 = arith.constant 0 : i32
    %scan3A_11 = arith.constant 0 : i32
    %scan3A_12 = arith.constant 640 : i32
    %scan3A_13 = arith.addi %scan3A_11, %scan3A_12 : i32
    %scan3A_14 = arith.constant 1 : i32
    %scan3A_15 = scf.for %scan3A_89 = %scan3A_11 to %scan3A_13 step %scan3A_14 iter_args(%scan3A_90 = %scan3A_10) -> (i32)  : i32 {
      %mul3A_91 = arith.constant 16 : i32
      %mul3A_92 = arith.muli %scan3A_89, %mul3A_91 : i32
      %get3A = arith.index_cast %mul3A_92 : i32 to index
      %get3A_93 = tpu.vector_load %arg4[%get3A] {strides = array<i32>} : memref<10240xi32, #tpu.memory_space<vmem>>, vector<16xi32>,
      tpu.vector_store_idx %arg5[%get3A_93], %broadcast_in_dim3A_9 {add = true} : memref<10240xf32, #tpu.memory_space<vmem>>[vector<16xi32>], vector<16xf32>,
      %scan3A_94 = arith.constant 0 : i32
      scf.yield %scan3A_94 : i32
    }
    %scan3A_16 = arith.constant 640 : i32
    "tpu.region"() ({
      %run_scoped3A_89 = tpu.sem_alloc : memref<!tpu.dma_semaphore, #tpu.memory_space<semaphore_mem>>
      %dma_start3A = arith.constant 0 : i32
      %dma_start3A_90 = tpu.memref_slice %arg8[%arg1, %dma_start3A] : memref<16x10240xf32, #tpu.memory_space<vmem_shared>> -> memref<1x10240xf32, #tpu.memory_space<vmem_shared>>
      %dma_start3A_91 = tpu.memref_squeeze %dma_start3A_90 : memref<1x10240xf32, #tpu.memory_space<vmem_shared>> -> memref<10240xf32, #tpu.memory_space<vmem_shared>>
      %dma_start3A_92 = arith.constant 0 : i32
      %dma_start3A_93 = tpu.memref_slice %arg8[%arg1, %dma_start3A_92] : memref<16x10240xf32, #tpu.memory_space<vmem_shared>> -> memref<1x10240xf32, #tpu.memory_space<vmem_shared>>
      %dma_start3A_94 = tpu.memref_squeeze %dma_start3A_93 : memref<1x10240xf32, #tpu.memory_space<vmem_shared>> -> memref<10240xf32, #tpu.memory_space<vmem_shared>>
      tpu.enqueue_dma source(%arg5 : memref<10240xf32, #tpu.memory_space<vmem>>) target(%dma_start3A_94 : memref<10240xf32, #tpu.memory_space<vmem_shared>>) target_semaphore(%run_scoped3A_89 : memref<!tpu.dma_semaphore, #tpu.memory_space<semaphore_mem>>)
      %dma_wait3A = arith.constant 0 : i32
      %dma_wait3A_95 = tpu.memref_slice %arg8[%arg1, %dma_wait3A] : memref<16x10240xf32, #tpu.memory_space<vmem_shared>> -> memref<1x10240xf32, #tpu.memory_space<vmem_shared>>
      %dma_wait3A_96 = tpu.memref_squeeze %dma_wait3A_95 : memref<1x10240xf32, #tpu.memory_space<vmem_shared>> -> memref<10240xf32, #tpu.memory_space<vmem_shared>>
      %dma_wait3A_97 = arith.constant 0 : i32
      %dma_wait3A_98 = tpu.memref_slice %arg8[%arg1, %dma_wait3A_97] : memref<16x10240xf32, #tpu.memory_space<vmem_shared>> -> memref<1x10240xf32, #tpu.memory_space<vmem_shared>>
      %dma_wait3A_99 = tpu.memref_squeeze %dma_wait3A_98 : memref<1x10240xf32, #tpu.memory_space<vmem_shared>> -> memref<10240xf32, #tpu.memory_space<vmem_shared>>
      tpu.wait_dma2 semaphore(%run_scoped3A_89 : memref<!tpu.dma_semaphore, #tpu.memory_space<semaphore_mem>>) src(%arg5 : memref<10240xf32, #tpu.memory_space<vmem>>) dst(%dma_wait3A_99 : memref<10240xf32, #tpu.memory_space<vmem_shared>>)
      tpu.yield
    }) : () -> ()
    %barrier3A = arith.constant 0 : index
    tpu.barrier barrier_id(%barrier3A)
    %mul3A_17 = arith.constant 640 : i32
    %mul3A_18 = arith.muli %arg1, %mul3A_17 : i32
    %run_scoped3A = arith.constant 0 : i32
    %run_scoped3A_19 = arith.constant 0 : i32
    "tpu.region"() ({
      %run_scoped3A_89 = tpu.sem_alloc : memref<!tpu.dma_semaphore, #tpu.memory_space<semaphore_mem>>
      %dma_start3A = arith.constant 0 : i32
      %dma_start3A_90 = tpu.memref_slice %arg6[%run_scoped3A_19, %dma_start3A] : memref<16x640xf32, #tpu.memory_space<vmem>> -> memref<1x640xf32, #tpu.memory_space<vmem>>
      %dma_start3A_91 = tpu.memref_squeeze %dma_start3A_90 : memref<1x640xf32, #tpu.memory_space<vmem>> -> memref<640xf32, #tpu.memory_space<vmem>>
      %dma_start3A_92 = tpu.memref_slice %arg8[%run_scoped3A, %mul3A_18] : memref<16x10240xf32, #tpu.memory_space<vmem_shared>> -> memref<1x640xf32, #tpu.memory_space<vmem_shared>>
      %dma_start3A_93 = tpu.memref_squeeze %dma_start3A_92 : memref<1x640xf32, #tpu.memory_space<vmem_shared>> -> memref<640xf32, #tpu.memory_space<vmem_shared>>
      %dma_start3A_94 = arith.constant 0 : i32
      %dma_start3A_95 = tpu.memref_slice %arg6[%run_scoped3A_19, %dma_start3A_94] : memref<16x640xf32, #tpu.memory_space<vmem>> -> memref<1x640xf32, #tpu.memory_space<vmem>>
      %dma_start3A_96 = tpu.memref_squeeze %dma_start3A_95 : memref<1x640xf32, #tpu.memory_space<vmem>> -> memref<640xf32, #tpu.memory_space<vmem>>
      %dma_start3A_97 = tpu.memref_slice %arg8[%run_scoped3A, %mul3A_18] : memref<16x10240xf32, #tpu.memory_space<vmem_shared>> -> memref<1x640xf32, #tpu.memory_space<vmem_shared>>
      %dma_start3A_98 = tpu.memref_squeeze %dma_start3A_97 : memref<1x640xf32, #tpu.memory_space<vmem_shared>> -> memref<640xf32, #tpu.memory_space<vmem_shared>>
      tpu.enqueue_dma source(%dma_start3A_98 : memref<640xf32, #tpu.memory_space<vmem_shared>>) target(%dma_start3A_96 : memref<640xf32, #tpu.memory_space<vmem>>) target_semaphore(%run_scoped3A_89 : memref<!tpu.dma_semaphore, #tpu.memory_space<semaphore_mem>>)
      %dma_wait3A = arith.constant 0 : i32
      %dma_wait3A_99 = tpu.memref_slice %arg6[%run_scoped3A_19, %dma_wait3A] : memref<16x640xf32, #tpu.memory_space<vmem>> -> memref<1x640xf32, #tpu.memory_space<vmem>>
      %dma_wait3A_100 = tpu.memref_squeeze %dma_wait3A_99 : memref<1x640xf32, #tpu.memory_space<vmem>> -> memref<640xf32, #tpu.memory_space<vmem>>
      %dma_wait3A_101 = tpu.memref_slice %arg8[%run_scoped3A, %mul3A_18] : memref<16x10240xf32, #tpu.memory_space<vmem_shared>> -> memref<1x640xf32, #tpu.memory_space<vmem_shared>>
      %dma_wait3A_102 = tpu.memref_squeeze %dma_wait3A_101 : memref<1x640xf32, #tpu.memory_space<vmem_shared>> -> memref<640xf32, #tpu.memory_space<vmem_shared>>
      %dma_wait3A_103 = arith.constant 0 : i32
      %dma_wait3A_104 = tpu.memref_slice %arg6[%run_scoped3A_19, %dma_wait3A_103] : memref<16x640xf32, #tpu.memory_space<vmem>> -> memref<1x640xf32, #tpu.memory_space<vmem>>
      %dma_wait3A_105 = tpu.memref_squeeze %dma_wait3A_104 : memref<1x640xf32, #tpu.memory_space<vmem>> -> memref<640xf32, #tpu.memory_space<vmem>>
      %dma_wait3A_106 = tpu.memref_slice %arg8[%run_scoped3A, %mul3A_18] : memref<16x10240xf32, #tpu.memory_space<vmem_shared>> -> memref<1x640xf32, #tpu.memory_space<vmem_shared>>
      %dma_wait3A_107 = tpu.memref_squeeze %dma_wait3A_106 : memref<1x640xf32, #tpu.memory_space<vmem_shared>> -> memref<640xf32, #tpu.memory_space<vmem_shared>>
      tpu.wait_dma2 semaphore(%run_scoped3A_89 : memref<!tpu.dma_semaphore, #tpu.memory_space<semaphore_mem>>) src(%dma_wait3A_107 : memref<640xf32, #tpu.memory_space<vmem_shared>>) dst(%dma_wait3A_105 : memref<640xf32, #tpu.memory_space<vmem>>)
      tpu.yield
    }) : () -> ()
    %mul3A_20 = arith.constant 640 : i32
    %mul3A_21 = arith.muli %arg1, %mul3A_20 : i32
    %run_scoped3A_22 = arith.constant 1 : i32
    %run_scoped3A_23 = arith.constant 1 : i32
    "tpu.region"() ({
      %run_scoped3A_89 = tpu.sem_alloc : memref<!tpu.dma_semaphore, #tpu.memory_space<semaphore_mem>>
      %dma_start3A = arith.constant 0 : i32
      %dma_start3A_90 = tpu.memref_slice %arg6[%run_scoped3A_23, %dma_start3A] : memref<16x640xf32, #tpu.memory_space<vmem>> -> memref<1x640xf32, #tpu.memory_space<vmem>>
      %dma_start3A_91 = tpu.memref_squeeze %dma_start3A_90 : memref<1x640xf32, #tpu.memory_space<vmem>> -> memref<640xf32, #tpu.memory_space<vmem>>
      %dma_start3A_92 = tpu.memref_slice %arg8[%run_scoped3A_22, %mul3A_21] : memref<16x10240xf32, #tpu.memory_space<vmem_shared>> -> memref<1x640xf32, #tpu.memory_space<vmem_shared>>
      %dma_start3A_93 = tpu.memref_squeeze %dma_start3A_92 : memref<1x640xf32, #tpu.memory_space<vmem_shared>> -> memref<640xf32, #tpu.memory_space<vmem_shared>>
      %dma_start3A_94 = arith.constant 0 : i32
      %dma_start3A_95 = tpu.memref_slice %arg6[%run_scoped3A_23, %dma_start3A_94] : memref<16x640xf32, #tpu.memory_space<vmem>> -> memref<1x640xf32, #tpu.memory_space<vmem>>
      %dma_start3A_96 = tpu.memref_squeeze %dma_start3A_95 : memref<1x640xf32, #tpu.memory_space<vmem>> -> memref<640xf32, #tpu.memory_space<vmem>>
      %dma_start3A_97 = tpu.memref_slice %arg8[%run_scoped3A_22, %mul3A_21] : memref<16x10240xf32, #tpu.memory_space<vmem_shared>> -> memref<1x640xf32, #tpu.memory_space<vmem_shared>>
      %dma_start3A_98 = tpu.memref_squeeze %dma_start3A_97 : memref<1x640xf32, #tpu.memory_space<vmem_shared>> -> memref<640xf32, #tpu.memory_space<vmem_shared>>
      tpu.enqueue_dma source(%dma_start3A_98 : memref<640xf32, #tpu.memory_space<vmem_shared>>) target(%dma_start3A_96 : memref<640xf32, #tpu.memory_space<vmem>>) target_semaphore(%run_scoped3A_89 : memref<!tpu.dma_semaphore, #tpu.memory_space<semaphore_mem>>)
      %dma_wait3A = arith.constant 0 : i32
      %dma_wait3A_99 = tpu.memref_slice %arg6[%run_scoped3A_23, %dma_wait3A] : memref<16x640xf32, #tpu.memory_space<vmem>> -> memref<1x640xf32, #tpu.memory_space<vmem>>
      %dma_wait3A_100 = tpu.memref_squeeze %dma_wait3A_99 : memref<1x640xf32, #tpu.memory_space<vmem>> -> memref<640xf32, #tpu.memory_space<vmem>>
      %dma_wait3A_101 = tpu.memref_slice %arg8[%run_scoped3A_22, %mul3A_21] : memref<16x10240xf32, #tpu.memory_space<vmem_shared>> -> memref<1x640xf32, #tpu.memory_space<vmem_shared>>
      %dma_wait3A_102 = tpu.memref_squeeze %dma_wait3A_101 : memref<1x640xf32, #tpu.memory_space<vmem_shared>> -> memref<640xf32, #tpu.memory_space<vmem_shared>>
      %dma_wait3A_103 = arith.constant 0 : i32
      %dma_wait3A_104 = tpu.memref_slice %arg6[%run_scoped3A_23, %dma_wait3A_103] : memref<16x640xf32, #tpu.memory_space<vmem>> -> memref<1x640xf32, #tpu.memory_space<vmem>>
      %dma_wait3A_105 = tpu.memref_squeeze %dma_wait3A_104 : memref<1x640xf32, #tpu.memory_space<vmem>> -> memref<640xf32, #tpu.memory_space<vmem>>
      %dma_wait3A_106 = tpu.memref_slice %arg8[%run_scoped3A_22, %mul3A_21] : memref<16x10240xf32, #tpu.memory_space<vmem_shared>> -> memref<1x640xf32, #tpu.memory_space<vmem_shared>>
      %dma_wait3A_107 = tpu.memref_squeeze %dma_wait3A_106 : memref<1x640xf32, #tpu.memory_space<vmem_shared>> -> memref<640xf32, #tpu.memory_space<vmem_shared>>
      tpu.wait_dma2 semaphore(%run_scoped3A_89 : memref<!tpu.dma_semaphore, #tpu.memory_space<semaphore_mem>>) src(%dma_wait3A_107 : memref<640xf32, #tpu.memory_space<vmem_shared>>) dst(%dma_wait3A_105 : memref<640xf32, #tpu.memory_space<vmem>>)
      tpu.yield
    }) : () -> ()
    %mul3A_24 = arith.constant 640 : i32
    %mul3A_25 = arith.muli %arg1, %mul3A_24 : i32
    %run_scoped3A_26 = arith.constant 2 : i32
    %run_scoped3A_27 = arith.constant 2 : i32
    "tpu.region"() ({
      %run_scoped3A_89 = tpu.sem_alloc : memref<!tpu.dma_semaphore, #tpu.memory_space<semaphore_mem>>
      %dma_start3A = arith.constant 0 : i32
      %dma_start3A_90 = tpu.memref_slice %arg6[%run_scoped3A_27, %dma_start3A] : memref<16x640xf32, #tpu.memory_space<vmem>> -> memref<1x640xf32, #tpu.memory_space<vmem>>
      %dma_start3A_91 = tpu.memref_squeeze %dma_start3A_90 : memref<1x640xf32, #tpu.memory_space<vmem>> -> memref<640xf32, #tpu.memory_space<vmem>>
      %dma_start3A_92 = tpu.memref_slice %arg8[%run_scoped3A_26, %mul3A_25] : memref<16x10240xf32, #tpu.memory_space<vmem_shared>> -> memref<1x640xf32, #tpu.memory_space<vmem_shared>>
      %dma_start3A_93 = tpu.memref_squeeze %dma_start3A_92 : memref<1x640xf32, #tpu.memory_space<vmem_shared>> -> memref<640xf32, #tpu.memory_space<vmem_shared>>
      %dma_start3A_94 = arith.constant 0 : i32
      %dma_start3A_95 = tpu.memref_slice %arg6[%run_scoped3A_27, %dma_start3A_94] : memref<16x640xf32, #tpu.memory_space<vmem>> -> memref<1x640xf32, #tpu.memory_space<vmem>>
      %dma_start3A_96 = tpu.memref_squeeze %dma_start3A_95 : memref<1x640xf32, #tpu.memory_space<vmem>> -> memref<640xf32, #tpu.memory_space<vmem>>
      %dma_start3A_97 = tpu.memref_slice %arg8[%run_scoped3A_26, %mul3A_25] : memref<16x10240xf32, #tpu.memory_space<vmem_shared>> -> memref<1x640xf32, #tpu.memory_space<vmem_shared>>
      %dma_start3A_98 = tpu.memref_squeeze %dma_start3A_97 : memref<1x640xf32, #tpu.memory_space<vmem_shared>> -> memref<640xf32, #tpu.memory_space<vmem_shared>>
      tpu.enqueue_dma source(%dma_start3A_98 : memref<640xf32, #tpu.memory_space<vmem_shared>>) target(%dma_start3A_96 : memref<640xf32, #tpu.memory_space<vmem>>) target_semaphore(%run_scoped3A_89 : memref<!tpu.dma_semaphore, #tpu.memory_space<semaphore_mem>>)
      %dma_wait3A = arith.constant 0 : i32
      %dma_wait3A_99 = tpu.memref_slice %arg6[%run_scoped3A_27, %dma_wait3A] : memref<16x640xf32, #tpu.memory_space<vmem>> -> memref<1x640xf32, #tpu.memory_space<vmem>>
      %dma_wait3A_100 = tpu.memref_squeeze %dma_wait3A_99 : memref<1x640xf32, #tpu.memory_space<vmem>> -> memref<640xf32, #tpu.memory_space<vmem>>
      %dma_wait3A_101 = tpu.memref_slice %arg8[%run_scoped3A_26, %mul3A_25] : memref<16x10240xf32, #tpu.memory_space<vmem_shared>> -> memref<1x640xf32, #tpu.memory_space<vmem_shared>>
      %dma_wait3A_102 = tpu.memref_squeeze %dma_wait3A_101 : memref<1x640xf32, #tpu.memory_space<vmem_shared>> -> memref<640xf32, #tpu.memory_space<vmem_shared>>
      %dma_wait3A_103 = arith.constant 0 : i32
      %dma_wait3A_104 = tpu.memref_slice %arg6[%run_scoped3A_27, %dma_wait3A_103] : memref<16x640xf32, #tpu.memory_space<vmem>> -> memref<1x640xf32, #tpu.memory_space<vmem>>
      %dma_wait3A_105 = tpu.memref_squeeze %dma_wait3A_104 : memref<1x640xf32, #tpu.memory_space<vmem>> -> memref<640xf32, #tpu.memory_space<vmem>>
      %dma_wait3A_106 = tpu.memref_slice %arg8[%run_scoped3A_26, %mul3A_25] : memref<16x10240xf32, #tpu.memory_space<vmem_shared>> -> memref<1x640xf32, #tpu.memory_space<vmem_shared>>
      %dma_wait3A_107 = tpu.memref_squeeze %dma_wait3A_106 : memref<1x640xf32, #tpu.memory_space<vmem_shared>> -> memref<640xf32, #tpu.memory_space<vmem_shared>>
      tpu.wait_dma2 semaphore(%run_scoped3A_89 : memref<!tpu.dma_semaphore, #tpu.memory_space<semaphore_mem>>) src(%dma_wait3A_107 : memref<640xf32, #tpu.memory_space<vmem_shared>>) dst(%dma_wait3A_105 : memref<640xf32, #tpu.memory_space<vmem>>)
      tpu.yield
    }) : () -> ()
    %mul3A_28 = arith.constant 640 : i32
    %mul3A_29 = arith.muli %arg1, %mul3A_28 : i32
    %run_scoped3A_30 = arith.constant 3 : i32
    %run_scoped3A_31 = arith.constant 3 : i32
    "tpu.region"() ({
      %run_scoped3A_89 = tpu.sem_alloc : memref<!tpu.dma_semaphore, #tpu.memory_space<semaphore_mem>>
      %dma_start3A = arith.constant 0 : i32
      %dma_start3A_90 = tpu.memref_slice %arg6[%run_scoped3A_31, %dma_start3A] : memref<16x640xf32, #tpu.memory_space<vmem>> -> memref<1x640xf32, #tpu.memory_space<vmem>>
      %dma_start3A_91 = tpu.memref_squeeze %dma_start3A_90 : memref<1x640xf32, #tpu.memory_space<vmem>> -> memref<640xf32, #tpu.memory_space<vmem>>
      %dma_start3A_92 = tpu.memref_slice %arg8[%run_scoped3A_30, %mul3A_29] : memref<16x10240xf32, #tpu.memory_space<vmem_shared>> -> memref<1x640xf32, #tpu.memory_space<vmem_shared>>
      %dma_start3A_93 = tpu.memref_squeeze %dma_start3A_92 : memref<1x640xf32, #tpu.memory_space<vmem_shared>> -> memref<640xf32, #tpu.memory_space<vmem_shared>>
      %dma_start3A_94 = arith.constant 0 : i32
      %dma_start3A_95 = tpu.memref_slice %arg6[%run_scoped3A_31, %dma_start3A_94] : memref<16x640xf32, #tpu.memory_space<vmem>> -> memref<1x640xf32, #tpu.memory_space<vmem>>
      %dma_start3A_96 = tpu.memref_squeeze %dma_start3A_95 : memref<1x640xf32, #tpu.memory_space<vmem>> -> memref<640xf32, #tpu.memory_space<vmem>>
      %dma_start3A_97 = tpu.memref_slice %arg8[%run_scoped3A_30, %mul3A_29] : memref<16x10240xf32, #tpu.memory_space<vmem_shared>> -> memref<1x640xf32, #tpu.memory_space<vmem_shared>>
      %dma_start3A_98 = tpu.memref_squeeze %dma_start3A_97 : memref<1x640xf32, #tpu.memory_space<vmem_shared>> -> memref<640xf32, #tpu.memory_space<vmem_shared>>
      tpu.enqueue_dma source(%dma_start3A_98 : memref<640xf32, #tpu.memory_space<vmem_shared>>) target(%dma_start3A_96 : memref<640xf32, #tpu.memory_space<vmem>>) target_semaphore(%run_scoped3A_89 : memref<!tpu.dma_semaphore, #tpu.memory_space<semaphore_mem>>)
      %dma_wait3A = arith.constant 0 : i32
      %dma_wait3A_99 = tpu.memref_slice %arg6[%run_scoped3A_31, %dma_wait3A] : memref<16x640xf32, #tpu.memory_space<vmem>> -> memref<1x640xf32, #tpu.memory_space<vmem>>
      %dma_wait3A_100 = tpu.memref_squeeze %dma_wait3A_99 : memref<1x640xf32, #tpu.memory_space<vmem>> -> memref<640xf32, #tpu.memory_space<vmem>>
      %dma_wait3A_101 = tpu.memref_slice %arg8[%run_scoped3A_30, %mul3A_29] : memref<16x10240xf32, #tpu.memory_space<vmem_shared>> -> memref<1x640xf32, #tpu.memory_space<vmem_shared>>
      %dma_wait3A_102 = tpu.memref_squeeze %dma_wait3A_101 : memref<1x640xf32, #tpu.memory_space<vmem_shared>> -> memref<640xf32, #tpu.memory_space<vmem_shared>>
      %dma_wait3A_103 = arith.constant 0 : i32
      %dma_wait3A_104 = tpu.memref_slice %arg6[%run_scoped3A_31, %dma_wait3A_103] : memref<16x640xf32, #tpu.memory_space<vmem>> -> memref<1x640xf32, #tpu.memory_space<vmem>>
      %dma_wait3A_105 = tpu.memref_squeeze %dma_wait3A_104 : memref<1x640xf32, #tpu.memory_space<vmem>> -> memref<640xf32, #tpu.memory_space<vmem>>
      %dma_wait3A_106 = tpu.memref_slice %arg8[%run_scoped3A_30, %mul3A_29] : memref<16x10240xf32, #tpu.memory_space<vmem_shared>> -> memref<1x640xf32, #tpu.memory_space<vmem_shared>>
      %dma_wait3A_107 = tpu.memref_squeeze %dma_wait3A_106 : memref<1x640xf32, #tpu.memory_space<vmem_shared>> -> memref<640xf32, #tpu.memory_space<vmem_shared>>
      tpu.wait_dma2 semaphore(%run_scoped3A_89 : memref<!tpu.dma_semaphore, #tpu.memory_space<semaphore_mem>>) src(%dma_wait3A_107 : memref<640xf32, #tpu.memory_space<vmem_shared>>) dst(%dma_wait3A_105 : memref<640xf32, #tpu.memory_space<vmem>>)
      tpu.yield
    }) : () -> ()
    %mul3A_32 = arith.constant 640 : i32
    %mul3A_33 = arith.muli %arg1, %mul3A_32 : i32
    %run_scoped3A_34 = arith.constant 4 : i32
    %run_scoped3A_35 = arith.constant 4 : i32
    "tpu.region"() ({
      %run_scoped3A_89 = tpu.sem_alloc : memref<!tpu.dma_semaphore, #tpu.memory_space<semaphore_mem>>
      %dma_start3A = arith.constant 0 : i32
      %dma_start3A_90 = tpu.memref_slice %arg6[%run_scoped3A_35, %dma_start3A] : memref<16x640xf32, #tpu.memory_space<vmem>> -> memref<1x640xf32, #tpu.memory_space<vmem>>
      %dma_start3A_91 = tpu.memref_squeeze %dma_start3A_90 : memref<1x640xf32, #tpu.memory_space<vmem>> -> memref<640xf32, #tpu.memory_space<vmem>>
      %dma_start3A_92 = tpu.memref_slice %arg8[%run_scoped3A_34, %mul3A_33] : memref<16x10240xf32, #tpu.memory_space<vmem_shared>> -> memref<1x640xf32, #tpu.memory_space<vmem_shared>>
      %dma_start3A_93 = tpu.memref_squeeze %dma_start3A_92 : memref<1x640xf32, #tpu.memory_space<vmem_shared>> -> memref<640xf32, #tpu.memory_space<vmem_shared>>
      %dma_start3A_94 = arith.constant 0 : i32
      %dma_start3A_95 = tpu.memref_slice %arg6[%run_scoped3A_35, %dma_start3A_94] : memref<16x640xf32, #tpu.memory_space<vmem>> -> memref<1x640xf32, #tpu.memory_space<vmem>>
      %dma_start3A_96 = tpu.memref_squeeze %dma_start3A_95 : memref<1x640xf32, #tpu.memory_space<vmem>> -> memref<640xf32, #tpu.memory_space<vmem>>
      %dma_start3A_97 = tpu.memref_slice %arg8[%run_scoped3A_34, %mul3A_33] : memref<16x10240xf32, #tpu.memory_space<vmem_shared>> -> memref<1x640xf32, #tpu.memory_space<vmem_shared>>
      %dma_start3A_98 = tpu.memref_squeeze %dma_start3A_97 : memref<1x640xf32, #tpu.memory_space<vmem_shared>> -> memref<640xf32, #tpu.memory_space<vmem_shared>>
      tpu.enqueue_dma source(%dma_start3A_98 : memref<640xf32, #tpu.memory_space<vmem_shared>>) target(%dma_start3A_96 : memref<640xf32, #tpu.memory_space<vmem>>) target_semaphore(%run_scoped3A_89 : memref<!tpu.dma_semaphore, #tpu.memory_space<semaphore_mem>>)
      %dma_wait3A = arith.constant 0 : i32
      %dma_wait3A_99 = tpu.memref_slice %arg6[%run_scoped3A_35, %dma_wait3A] : memref<16x640xf32, #tpu.memory_space<vmem>> -> memref<1x640xf32, #tpu.memory_space<vmem>>
      %dma_wait3A_100 = tpu.memref_squeeze %dma_wait3A_99 : memref<1x640xf32, #tpu.memory_space<vmem>> -> memref<640xf32, #tpu.memory_space<vmem>>
      %dma_wait3A_101 = tpu.memref_slice %arg8[%run_scoped3A_34, %mul3A_33] : memref<16x10240xf32, #tpu.memory_space<vmem_shared>> -> memref<1x640xf32, #tpu.memory_space<vmem_shared>>
      %dma_wait3A_102 = tpu.memref_squeeze %dma_wait3A_101 : memref<1x640xf32, #tpu.memory_space<vmem_shared>> -> memref<640xf32, #tpu.memory_space<vmem_shared>>
      %dma_wait3A_103 = arith.constant 0 : i32
      %dma_wait3A_104 = tpu.memref_slice %arg6[%run_scoped3A_35, %dma_wait3A_103] : memref<16x640xf32, #tpu.memory_space<vmem>> -> memref<1x640xf32, #tpu.memory_space<vmem>>
      %dma_wait3A_105 = tpu.memref_squeeze %dma_wait3A_104 : memref<1x640xf32, #tpu.memory_space<vmem>> -> memref<640xf32, #tpu.memory_space<vmem>>
      %dma_wait3A_106 = tpu.memref_slice %arg8[%run_scoped3A_34, %mul3A_33] : memref<16x10240xf32, #tpu.memory_space<vmem_shared>> -> memref<1x640xf32, #tpu.memory_space<vmem_shared>>
      %dma_wait3A_107 = tpu.memref_squeeze %dma_wait3A_106 : memref<1x640xf32, #tpu.memory_space<vmem_shared>> -> memref<640xf32, #tpu.memory_space<vmem_shared>>
      tpu.wait_dma2 semaphore(%run_scoped3A_89 : memref<!tpu.dma_semaphore, #tpu.memory_space<semaphore_mem>>) src(%dma_wait3A_107 : memref<640xf32, #tpu.memory_space<vmem_shared>>) dst(%dma_wait3A_105 : memref<640xf32, #tpu.memory_space<vmem>>)
      tpu.yield
    }) : () -> ()
    %mul3A_36 = arith.constant 640 : i32
    %mul3A_37 = arith.muli %arg1, %mul3A_36 : i32
    %run_scoped3A_38 = arith.constant 5 : i32
    %run_scoped3A_39 = arith.constant 5 : i32
    "tpu.region"() ({
      %run_scoped3A_89 = tpu.sem_alloc : memref<!tpu.dma_semaphore, #tpu.memory_space<semaphore_mem>>
      %dma_start3A = arith.constant 0 : i32
      %dma_start3A_90 = tpu.memref_slice %arg6[%run_scoped3A_39, %dma_start3A] : memref<16x640xf32, #tpu.memory_space<vmem>> -> memref<1x640xf32, #tpu.memory_space<vmem>>
      %dma_start3A_91 = tpu.memref_squeeze %dma_start3A_90 : memref<1x640xf32, #tpu.memory_space<vmem>> -> memref<640xf32, #tpu.memory_space<vmem>>
      %dma_start3A_92 = tpu.memref_slice %arg8[%run_scoped3A_38, %mul3A_37] : memref<16x10240xf32, #tpu.memory_space<vmem_shared>> -> memref<1x640xf32, #tpu.memory_space<vmem_shared>>
      %dma_start3A_93 = tpu.memref_squeeze %dma_start3A_92 : memref<1x640xf32, #tpu.memory_space<vmem_shared>> -> memref<640xf32, #tpu.memory_space<vmem_shared>>
      %dma_start3A_94 = arith.constant 0 : i32
      %dma_start3A_95 = tpu.memref_slice %arg6[%run_scoped3A_39, %dma_start3A_94] : memref<16x640xf32, #tpu.memory_space<vmem>> -> memref<1x640xf32, #tpu.memory_space<vmem>>
      %dma_start3A_96 = tpu.memref_squeeze %dma_start3A_95 : memref<1x640xf32, #tpu.memory_space<vmem>> -> memref<640xf32, #tpu.memory_space<vmem>>
      %dma_start3A_97 = tpu.memref_slice %arg8[%run_scoped3A_38, %mul3A_37] : memref<16x10240xf32, #tpu.memory_space<vmem_shared>> -> memref<1x640xf32, #tpu.memory_space<vmem_shared>>
      %dma_start3A_98 = tpu.memref_squeeze %dma_start3A_97 : memref<1x640xf32, #tpu.memory_space<vmem_shared>> -> memref<640xf32, #tpu.memory_space<vmem_shared>>
      tpu.enqueue_dma source(%dma_start3A_98 : memref<640xf32, #tpu.memory_space<vmem_shared>>) target(%dma_start3A_96 : memref<640xf32, #tpu.memory_space<vmem>>) target_semaphore(%run_scoped3A_89 : memref<!tpu.dma_semaphore, #tpu.memory_space<semaphore_mem>>)
      %dma_wait3A = arith.constant 0 : i32
      %dma_wait3A_99 = tpu.memref_slice %arg6[%run_scoped3A_39, %dma_wait3A] : memref<16x640xf32, #tpu.memory_space<vmem>> -> memref<1x640xf32, #tpu.memory_space<vmem>>
      %dma_wait3A_100 = tpu.memref_squeeze %dma_wait3A_99 : memref<1x640xf32, #tpu.memory_space<vmem>> -> memref<640xf32, #tpu.memory_space<vmem>>
      %dma_wait3A_101 = tpu.memref_slice %arg8[%run_scoped3A_38, %mul3A_37] : memref<16x10240xf32, #tpu.memory_space<vmem_shared>> -> memref<1x640xf32, #tpu.memory_space<vmem_shared>>
      %dma_wait3A_102 = tpu.memref_squeeze %dma_wait3A_101 : memref<1x640xf32, #tpu.memory_space<vmem_shared>> -> memref<640xf32, #tpu.memory_space<vmem_shared>>
      %dma_wait3A_103 = arith.constant 0 : i32
      %dma_wait3A_104 = tpu.memref_slice %arg6[%run_scoped3A_39, %dma_wait3A_103] : memref<16x640xf32, #tpu.memory_space<vmem>> -> memref<1x640xf32, #tpu.memory_space<vmem>>
      %dma_wait3A_105 = tpu.memref_squeeze %dma_wait3A_104 : memref<1x640xf32, #tpu.memory_space<vmem>> -> memref<640xf32, #tpu.memory_space<vmem>>
      %dma_wait3A_106 = tpu.memref_slice %arg8[%run_scoped3A_38, %mul3A_37] : memref<16x10240xf32, #tpu.memory_space<vmem_shared>> -> memref<1x640xf32, #tpu.memory_space<vmem_shared>>
      %dma_wait3A_107 = tpu.memref_squeeze %dma_wait3A_106 : memref<1x640xf32, #tpu.memory_space<vmem_shared>> -> memref<640xf32, #tpu.memory_space<vmem_shared>>
      tpu.wait_dma2 semaphore(%run_scoped3A_89 : memref<!tpu.dma_semaphore, #tpu.memory_space<semaphore_mem>>) src(%dma_wait3A_107 : memref<640xf32, #tpu.memory_space<vmem_shared>>) dst(%dma_wait3A_105 : memref<640xf32, #tpu.memory_space<vmem>>)
      tpu.yield
    }) : () -> ()
    %mul3A_40 = arith.constant 640 : i32
    %mul3A_41 = arith.muli %arg1, %mul3A_40 : i32
    %run_scoped3A_42 = arith.constant 6 : i32
    %run_scoped3A_43 = arith.constant 6 : i32
    "tpu.region"() ({
      %run_scoped3A_89 = tpu.sem_alloc : memref<!tpu.dma_semaphore, #tpu.memory_space<semaphore_mem>>
      %dma_start3A = arith.constant 0 : i32
      %dma_start3A_90 = tpu.memref_slice %arg6[%run_scoped3A_43, %dma_start3A] : memref<16x640xf32, #tpu.memory_space<vmem>> -> memref<1x640xf32, #tpu.memory_space<vmem>>
      %dma_start3A_91 = tpu.memref_squeeze %dma_start3A_90 : memref<1x640xf32, #tpu.memory_space<vmem>> -> memref<640xf32, #tpu.memory_space<vmem>>
      %dma_start3A_92 = tpu.memref_slice %arg8[%run_scoped3A_42, %mul3A_41] : memref<16x10240xf32, #tpu.memory_space<vmem_shared>> -> memref<1x640xf32, #tpu.memory_space<vmem_shared>>
      %dma_start3A_93 = tpu.memref_squeeze %dma_start3A_92 : memref<1x640xf32, #tpu.memory_space<vmem_shared>> -> memref<640xf32, #tpu.memory_space<vmem_shared>>
      %dma_start3A_94 = arith.constant 0 : i32
      %dma_start3A_95 = tpu.memref_slice %arg6[%run_scoped3A_43, %dma_start3A_94] : memref<16x640xf32, #tpu.memory_space<vmem>> -> memref<1x640xf32, #tpu.memory_space<vmem>>
      %dma_start3A_96 = tpu.memref_squeeze %dma_start3A_95 : memref<1x640xf32, #tpu.memory_space<vmem>> -> memref<640xf32, #tpu.memory_space<vmem>>
      %dma_start3A_97 = tpu.memref_slice %arg8[%run_scoped3A_42, %mul3A_41] : memref<16x10240xf32, #tpu.memory_space<vmem_shared>> -> memref<1x640xf32, #tpu.memory_space<vmem_shared>>
      %dma_start3A_98 = tpu.memref_squeeze %dma_start3A_97 : memref<1x640xf32, #tpu.memory_space<vmem_shared>> -> memref<640xf32, #tpu.memory_space<vmem_shared>>
      tpu.enqueue_dma source(%dma_start3A_98 : memref<640xf32, #tpu.memory_space<vmem_shared>>) target(%dma_start3A_96 : memref<640xf32, #tpu.memory_space<vmem>>) target_semaphore(%run_scoped3A_89 : memref<!tpu.dma_semaphore, #tpu.memory_space<semaphore_mem>>)
      %dma_wait3A = arith.constant 0 : i32
      %dma_wait3A_99 = tpu.memref_slice %arg6[%run_scoped3A_43, %dma_wait3A] : memref<16x640xf32, #tpu.memory_space<vmem>> -> memref<1x640xf32, #tpu.memory_space<vmem>>
      %dma_wait3A_100 = tpu.memref_squeeze %dma_wait3A_99 : memref<1x640xf32, #tpu.memory_space<vmem>> -> memref<640xf32, #tpu.memory_space<vmem>>
      %dma_wait3A_101 = tpu.memref_slice %arg8[%run_scoped3A_42, %mul3A_41] : memref<16x10240xf32, #tpu.memory_space<vmem_shared>> -> memref<1x640xf32, #tpu.memory_space<vmem_shared>>
      %dma_wait3A_102 = tpu.memref_squeeze %dma_wait3A_101 : memref<1x640xf32, #tpu.memory_space<vmem_shared>> -> memref<640xf32, #tpu.memory_space<vmem_shared>>
      %dma_wait3A_103 = arith.constant 0 : i32
      %dma_wait3A_104 = tpu.memref_slice %arg6[%run_scoped3A_43, %dma_wait3A_103] : memref<16x640xf32, #tpu.memory_space<vmem>> -> memref<1x640xf32, #tpu.memory_space<vmem>>
      %dma_wait3A_105 = tpu.memref_squeeze %dma_wait3A_104 : memref<1x640xf32, #tpu.memory_space<vmem>> -> memref<640xf32, #tpu.memory_space<vmem>>
      %dma_wait3A_106 = tpu.memref_slice %arg8[%run_scoped3A_42, %mul3A_41] : memref<16x10240xf32, #tpu.memory_space<vmem_shared>> -> memref<1x640xf32, #tpu.memory_space<vmem_shared>>
      %dma_wait3A_107 = tpu.memref_squeeze %dma_wait3A_106 : memref<1x640xf32, #tpu.memory_space<vmem_shared>> -> memref<640xf32, #tpu.memory_space<vmem_shared>>
      tpu.wait_dma2 semaphore(%run_scoped3A_89 : memref<!tpu.dma_semaphore, #tpu.memory_space<semaphore_mem>>) src(%dma_wait3A_107 : memref<640xf32, #tpu.memory_space<vmem_shared>>) dst(%dma_wait3A_105 : memref<640xf32, #tpu.memory_space<vmem>>)
      tpu.yield
    }) : () -> ()
    %mul3A_44 = arith.constant 640 : i32
    %mul3A_45 = arith.muli %arg1, %mul3A_44 : i32
    %run_scoped3A_46 = arith.constant 7 : i32
    %run_scoped3A_47 = arith.constant 7 : i32
    "tpu.region"() ({
      %run_scoped3A_89 = tpu.sem_alloc : memref<!tpu.dma_semaphore, #tpu.memory_space<semaphore_mem>>
      %dma_start3A = arith.constant 0 : i32
      %dma_start3A_90 = tpu.memref_slice %arg6[%run_scoped3A_47, %dma_start3A] : memref<16x640xf32, #tpu.memory_space<vmem>> -> memref<1x640xf32, #tpu.memory_space<vmem>>
      %dma_start3A_91 = tpu.memref_squeeze %dma_start3A_90 : memref<1x640xf32, #tpu.memory_space<vmem>> -> memref<640xf32, #tpu.memory_space<vmem>>
      %dma_start3A_92 = tpu.memref_slice %arg8[%run_scoped3A_46, %mul3A_45] : memref<16x10240xf32, #tpu.memory_space<vmem_shared>> -> memref<1x640xf32, #tpu.memory_space<vmem_shared>>
      %dma_start3A_93 = tpu.memref_squeeze %dma_start3A_92 : memref<1x640xf32, #tpu.memory_space<vmem_shared>> -> memref<640xf32, #tpu.memory_space<vmem_shared>>
      %dma_start3A_94 = arith.constant 0 : i32
      %dma_start3A_95 = tpu.memref_slice %arg6[%run_scoped3A_47, %dma_start3A_94] : memref<16x640xf32, #tpu.memory_space<vmem>> -> memref<1x640xf32, #tpu.memory_space<vmem>>
      %dma_start3A_96 = tpu.memref_squeeze %dma_start3A_95 : memref<1x640xf32, #tpu.memory_space<vmem>> -> memref<640xf32, #tpu.memory_space<vmem>>
      %dma_start3A_97 = tpu.memref_slice %arg8[%run_scoped3A_46, %mul3A_45] : memref<16x10240xf32, #tpu.memory_space<vmem_shared>> -> memref<1x640xf32, #tpu.memory_space<vmem_shared>>
      %dma_start3A_98 = tpu.memref_squeeze %dma_start3A_97 : memref<1x640xf32, #tpu.memory_space<vmem_shared>> -> memref<640xf32, #tpu.memory_space<vmem_shared>>
      tpu.enqueue_dma source(%dma_start3A_98 : memref<640xf32, #tpu.memory_space<vmem_shared>>) target(%dma_start3A_96 : memref<640xf32, #tpu.memory_space<vmem>>) target_semaphore(%run_scoped3A_89 : memref<!tpu.dma_semaphore, #tpu.memory_space<semaphore_mem>>)
      %dma_wait3A = arith.constant 0 : i32
      %dma_wait3A_99 = tpu.memref_slice %arg6[%run_scoped3A_47, %dma_wait3A] : memref<16x640xf32, #tpu.memory_space<vmem>> -> memref<1x640xf32, #tpu.memory_space<vmem>>
      %dma_wait3A_100 = tpu.memref_squeeze %dma_wait3A_99 : memref<1x640xf32, #tpu.memory_space<vmem>> -> memref<640xf32, #tpu.memory_space<vmem>>
      %dma_wait3A_101 = tpu.memref_slice %arg8[%run_scoped3A_46, %mul3A_45] : memref<16x10240xf32, #tpu.memory_space<vmem_shared>> -> memref<1x640xf32, #tpu.memory_space<vmem_shared>>
      %dma_wait3A_102 = tpu.memref_squeeze %dma_wait3A_101 : memref<1x640xf32, #tpu.memory_space<vmem_shared>> -> memref<640xf32, #tpu.memory_space<vmem_shared>>
      %dma_wait3A_103 = arith.constant 0 : i32
      %dma_wait3A_104 = tpu.memref_slice %arg6[%run_scoped3A_47, %dma_wait3A_103] : memref<16x640xf32, #tpu.memory_space<vmem>> -> memref<1x640xf32, #tpu.memory_space<vmem>>
      %dma_wait3A_105 = tpu.memref_squeeze %dma_wait3A_104 : memref<1x640xf32, #tpu.memory_space<vmem>> -> memref<640xf32, #tpu.memory_space<vmem>>
      %dma_wait3A_106 = tpu.memref_slice %arg8[%run_scoped3A_46, %mul3A_45] : memref<16x10240xf32, #tpu.memory_space<vmem_shared>> -> memref<1x640xf32, #tpu.memory_space<vmem_shared>>
      %dma_wait3A_107 = tpu.memref_squeeze %dma_wait3A_106 : memref<1x640xf32, #tpu.memory_space<vmem_shared>> -> memref<640xf32, #tpu.memory_space<vmem_shared>>
      tpu.wait_dma2 semaphore(%run_scoped3A_89 : memref<!tpu.dma_semaphore, #tpu.memory_space<semaphore_mem>>) src(%dma_wait3A_107 : memref<640xf32, #tpu.memory_space<vmem_shared>>) dst(%dma_wait3A_105 : memref<640xf32, #tpu.memory_space<vmem>>)
      tpu.yield
    }) : () -> ()
    %mul3A_48 = arith.constant 640 : i32
    %mul3A_49 = arith.muli %arg1, %mul3A_48 : i32
    %run_scoped3A_50 = arith.constant 8 : i32
    %run_scoped3A_51 = arith.constant 8 : i32
    "tpu.region"() ({
      %run_scoped3A_89 = tpu.sem_alloc : memref<!tpu.dma_semaphore, #tpu.memory_space<semaphore_mem>>
      %dma_start3A = arith.constant 0 : i32
      %dma_start3A_90 = tpu.memref_slice %arg6[%run_scoped3A_51, %dma_start3A] : memref<16x640xf32, #tpu.memory_space<vmem>> -> memref<1x640xf32, #tpu.memory_space<vmem>>
      %dma_start3A_91 = tpu.memref_squeeze %dma_start3A_90 : memref<1x640xf32, #tpu.memory_space<vmem>> -> memref<640xf32, #tpu.memory_space<vmem>>
      %dma_start3A_92 = tpu.memref_slice %arg8[%run_scoped3A_50, %mul3A_49] : memref<16x10240xf32, #tpu.memory_space<vmem_shared>> -> memref<1x640xf32, #tpu.memory_space<vmem_shared>>
      %dma_start3A_93 = tpu.memref_squeeze %dma_start3A_92 : memref<1x640xf32, #tpu.memory_space<vmem_shared>> -> memref<640xf32, #tpu.memory_space<vmem_shared>>
      %dma_start3A_94 = arith.constant 0 : i32
      %dma_start3A_95 = tpu.memref_slice %arg6[%run_scoped3A_51, %dma_start3A_94] : memref<16x640xf32, #tpu.memory_space<vmem>> -> memref<1x640xf32, #tpu.memory_space<vmem>>
      %dma_start3A_96 = tpu.memref_squeeze %dma_start3A_95 : memref<1x640xf32, #tpu.memory_space<vmem>> -> memref<640xf32, #tpu.memory_space<vmem>>
      %dma_start3A_97 = tpu.memref_slice %arg8[%run_scoped3A_50, %mul3A_49] : memref<16x10240xf32, #tpu.memory_space<vmem_shared>> -> memref<1x640xf32, #tpu.memory_space<vmem_shared>>
      %dma_start3A_98 = tpu.memref_squeeze %dma_start3A_97 : memref<1x640xf32, #tpu.memory_space<vmem_shared>> -> memref<640xf32, #tpu.memory_space<vmem_shared>>
      tpu.enqueue_dma source(%dma_start3A_98 : memref<640xf32, #tpu.memory_space<vmem_shared>>) target(%dma_start3A_96 : memref<640xf32, #tpu.memory_space<vmem>>) target_semaphore(%run_scoped3A_89 : memref<!tpu.dma_semaphore, #tpu.memory_space<semaphore_mem>>)
      %dma_wait3A = arith.constant 0 : i32
      %dma_wait3A_99 = tpu.memref_slice %arg6[%run_scoped3A_51, %dma_wait3A] : memref<16x640xf32, #tpu.memory_space<vmem>> -> memref<1x640xf32, #tpu.memory_space<vmem>>
      %dma_wait3A_100 = tpu.memref_squeeze %dma_wait3A_99 : memref<1x640xf32, #tpu.memory_space<vmem>> -> memref<640xf32, #tpu.memory_space<vmem>>
      %dma_wait3A_101 = tpu.memref_slice %arg8[%run_scoped3A_50, %mul3A_49] : memref<16x10240xf32, #tpu.memory_space<vmem_shared>> -> memref<1x640xf32, #tpu.memory_space<vmem_shared>>
      %dma_wait3A_102 = tpu.memref_squeeze %dma_wait3A_101 : memref<1x640xf32, #tpu.memory_space<vmem_shared>> -> memref<640xf32, #tpu.memory_space<vmem_shared>>
      %dma_wait3A_103 = arith.constant 0 : i32
      %dma_wait3A_104 = tpu.memref_slice %arg6[%run_scoped3A_51, %dma_wait3A_103] : memref<16x640xf32, #tpu.memory_space<vmem>> -> memref<1x640xf32, #tpu.memory_space<vmem>>
      %dma_wait3A_105 = tpu.memref_squeeze %dma_wait3A_104 : memref<1x640xf32, #tpu.memory_space<vmem>> -> memref<640xf32, #tpu.memory_space<vmem>>
      %dma_wait3A_106 = tpu.memref_slice %arg8[%run_scoped3A_50, %mul3A_49] : memref<16x10240xf32, #tpu.memory_space<vmem_shared>> -> memref<1x640xf32, #tpu.memory_space<vmem_shared>>
      %dma_wait3A_107 = tpu.memref_squeeze %dma_wait3A_106 : memref<1x640xf32, #tpu.memory_space<vmem_shared>> -> memref<640xf32, #tpu.memory_space<vmem_shared>>
      tpu.wait_dma2 semaphore(%run_scoped3A_89 : memref<!tpu.dma_semaphore, #tpu.memory_space<semaphore_mem>>) src(%dma_wait3A_107 : memref<640xf32, #tpu.memory_space<vmem_shared>>) dst(%dma_wait3A_105 : memref<640xf32, #tpu.memory_space<vmem>>)
      tpu.yield
    }) : () -> ()
    %mul3A_52 = arith.constant 640 : i32
    %mul3A_53 = arith.muli %arg1, %mul3A_52 : i32
    %run_scoped3A_54 = arith.constant 9 : i32
    %run_scoped3A_55 = arith.constant 9 : i32
    "tpu.region"() ({
      %run_scoped3A_89 = tpu.sem_alloc : memref<!tpu.dma_semaphore, #tpu.memory_space<semaphore_mem>>
      %dma_start3A = arith.constant 0 : i32
      %dma_start3A_90 = tpu.memref_slice %arg6[%run_scoped3A_55, %dma_start3A] : memref<16x640xf32, #tpu.memory_space<vmem>> -> memref<1x640xf32, #tpu.memory_space<vmem>>
      %dma_start3A_91 = tpu.memref_squeeze %dma_start3A_90 : memref<1x640xf32, #tpu.memory_space<vmem>> -> memref<640xf32, #tpu.memory_space<vmem>>
      %dma_start3A_92 = tpu.memref_slice %arg8[%run_scoped3A_54, %mul3A_53] : memref<16x10240xf32, #tpu.memory_space<vmem_shared>> -> memref<1x640xf32, #tpu.memory_space<vmem_shared>>
      %dma_start3A_93 = tpu.memref_squeeze %dma_start3A_92 : memref<1x640xf32, #tpu.memory_space<vmem_shared>> -> memref<640xf32, #tpu.memory_space<vmem_shared>>
      %dma_start3A_94 = arith.constant 0 : i32
      %dma_start3A_95 = tpu.memref_slice %arg6[%run_scoped3A_55, %dma_start3A_94] : memref<16x640xf32, #tpu.memory_space<vmem>> -> memref<1x640xf32, #tpu.memory_space<vmem>>
      %dma_start3A_96 = tpu.memref_squeeze %dma_start3A_95 : memref<1x640xf32, #tpu.memory_space<vmem>> -> memref<640xf32, #tpu.memory_space<vmem>>
      %dma_start3A_97 = tpu.memref_slice %arg8[%run_scoped3A_54, %mul3A_53] : memref<16x10240xf32, #tpu.memory_space<vmem_shared>> -> memref<1x640xf32, #tpu.memory_space<vmem_shared>>
      %dma_start3A_98 = tpu.memref_squeeze %dma_start3A_97 : memref<1x640xf32, #tpu.memory_space<vmem_shared>> -> memref<640xf32, #tpu.memory_space<vmem_shared>>
      tpu.enqueue_dma source(%dma_start3A_98 : memref<640xf32, #tpu.memory_space<vmem_shared>>) target(%dma_start3A_96 : memref<640xf32, #tpu.memory_space<vmem>>) target_semaphore(%run_scoped3A_89 : memref<!tpu.dma_semaphore, #tpu.memory_space<semaphore_mem>>)
      %dma_wait3A = arith.constant 0 : i32
      %dma_wait3A_99 = tpu.memref_slice %arg6[%run_scoped3A_55, %dma_wait3A] : memref<16x640xf32, #tpu.memory_space<vmem>> -> memref<1x640xf32, #tpu.memory_space<vmem>>
      %dma_wait3A_100 = tpu.memref_squeeze %dma_wait3A_99 : memref<1x640xf32, #tpu.memory_space<vmem>> -> memref<640xf32, #tpu.memory_space<vmem>>
      %dma_wait3A_101 = tpu.memref_slice %arg8[%run_scoped3A_54, %mul3A_53] : memref<16x10240xf32, #tpu.memory_space<vmem_shared>> -> memref<1x640xf32, #tpu.memory_space<vmem_shared>>
      %dma_wait3A_102 = tpu.memref_squeeze %dma_wait3A_101 : memref<1x640xf32, #tpu.memory_space<vmem_shared>> -> memref<640xf32, #tpu.memory_space<vmem_shared>>
      %dma_wait3A_103 = arith.constant 0 : i32
      %dma_wait3A_104 = tpu.memref_slice %arg6[%run_scoped3A_55, %dma_wait3A_103] : memref<16x640xf32, #tpu.memory_space<vmem>> -> memref<1x640xf32, #tpu.memory_space<vmem>>
      %dma_wait3A_105 = tpu.memref_squeeze %dma_wait3A_104 : memref<1x640xf32, #tpu.memory_space<vmem>> -> memref<640xf32, #tpu.memory_space<vmem>>
      %dma_wait3A_106 = tpu.memref_slice %arg8[%run_scoped3A_54, %mul3A_53] : memref<16x10240xf32, #tpu.memory_space<vmem_shared>> -> memref<1x640xf32, #tpu.memory_space<vmem_shared>>
      %dma_wait3A_107 = tpu.memref_squeeze %dma_wait3A_106 : memref<1x640xf32, #tpu.memory_space<vmem_shared>> -> memref<640xf32, #tpu.memory_space<vmem_shared>>
      tpu.wait_dma2 semaphore(%run_scoped3A_89 : memref<!tpu.dma_semaphore, #tpu.memory_space<semaphore_mem>>) src(%dma_wait3A_107 : memref<640xf32, #tpu.memory_space<vmem_shared>>) dst(%dma_wait3A_105 : memref<640xf32, #tpu.memory_space<vmem>>)
      tpu.yield
    }) : () -> ()
    %mul3A_56 = arith.constant 640 : i32
    %mul3A_57 = arith.muli %arg1, %mul3A_56 : i32
    %run_scoped3A_58 = arith.constant 10 : i32
    %run_scoped3A_59 = arith.constant 10 : i32
    "tpu.region"() ({
      %run_scoped3A_89 = tpu.sem_alloc : memref<!tpu.dma_semaphore, #tpu.memory_space<semaphore_mem>>
      %dma_start3A = arith.constant 0 : i32
      %dma_start3A_90 = tpu.memref_slice %arg6[%run_scoped3A_59, %dma_start3A] : memref<16x640xf32, #tpu.memory_space<vmem>> -> memref<1x640xf32, #tpu.memory_space<vmem>>
      %dma_start3A_91 = tpu.memref_squeeze %dma_start3A_90 : memref<1x640xf32, #tpu.memory_space<vmem>> -> memref<640xf32, #tpu.memory_space<vmem>>
      %dma_start3A_92 = tpu.memref_slice %arg8[%run_scoped3A_58, %mul3A_57] : memref<16x10240xf32, #tpu.memory_space<vmem_shared>> -> memref<1x640xf32, #tpu.memory_space<vmem_shared>>
      %dma_start3A_93 = tpu.memref_squeeze %dma_start3A_92 : memref<1x640xf32, #tpu.memory_space<vmem_shared>> -> memref<640xf32, #tpu.memory_space<vmem_shared>>
      %dma_start3A_94 = arith.constant 0 : i32
      %dma_start3A_95 = tpu.memref_slice %arg6[%run_scoped3A_59, %dma_start3A_94] : memref<16x640xf32, #tpu.memory_space<vmem>> -> memref<1x640xf32, #tpu.memory_space<vmem>>
      %dma_start3A_96 = tpu.memref_squeeze %dma_start3A_95 : memref<1x640xf32, #tpu.memory_space<vmem>> -> memref<640xf32, #tpu.memory_space<vmem>>
      %dma_start3A_97 = tpu.memref_slice %arg8[%run_scoped3A_58, %mul3A_57] : memref<16x10240xf32, #tpu.memory_space<vmem_shared>> -> memref<1x640xf32, #tpu.memory_space<vmem_shared>>
      %dma_start3A_98 = tpu.memref_squeeze %dma_start3A_97 : memref<1x640xf32, #tpu.memory_space<vmem_shared>> -> memref<640xf32, #tpu.memory_space<vmem_shared>>
      tpu.enqueue_dma source(%dma_start3A_98 : memref<640xf32, #tpu.memory_space<vmem_shared>>) target(%dma_start3A_96 : memref<640xf32, #tpu.memory_space<vmem>>) target_semaphore(%run_scoped3A_89 : memref<!tpu.dma_semaphore, #tpu.memory_space<semaphore_mem>>)
      %dma_wait3A = arith.constant 0 : i32
      %dma_wait3A_99 = tpu.memref_slice %arg6[%run_scoped3A_59, %dma_wait3A] : memref<16x640xf32, #tpu.memory_space<vmem>> -> memref<1x640xf32, #tpu.memory_space<vmem>>
      %dma_wait3A_100 = tpu.memref_squeeze %dma_wait3A_99 : memref<1x640xf32, #tpu.memory_space<vmem>> -> memref<640xf32, #tpu.memory_space<vmem>>
      %dma_wait3A_101 = tpu.memref_slice %arg8[%run_scoped3A_58, %mul3A_57] : memref<16x10240xf32, #tpu.memory_space<vmem_shared>> -> memref<1x640xf32, #tpu.memory_space<vmem_shared>>
      %dma_wait3A_102 = tpu.memref_squeeze %dma_wait3A_101 : memref<1x640xf32, #tpu.memory_space<vmem_shared>> -> memref<640xf32, #tpu.memory_space<vmem_shared>>
      %dma_wait3A_103 = arith.constant 0 : i32
      %dma_wait3A_104 = tpu.memref_slice %arg6[%run_scoped3A_59, %dma_wait3A_103] : memref<16x640xf32, #tpu.memory_space<vmem>> -> memref<1x640xf32, #tpu.memory_space<vmem>>
      %dma_wait3A_105 = tpu.memref_squeeze %dma_wait3A_104 : memref<1x640xf32, #tpu.memory_space<vmem>> -> memref<640xf32, #tpu.memory_space<vmem>>
      %dma_wait3A_106 = tpu.memref_slice %arg8[%run_scoped3A_58, %mul3A_57] : memref<16x10240xf32, #tpu.memory_space<vmem_shared>> -> memref<1x640xf32, #tpu.memory_space<vmem_shared>>
      %dma_wait3A_107 = tpu.memref_squeeze %dma_wait3A_106 : memref<1x640xf32, #tpu.memory_space<vmem_shared>> -> memref<640xf32, #tpu.memory_space<vmem_shared>>
      tpu.wait_dma2 semaphore(%run_scoped3A_89 : memref<!tpu.dma_semaphore, #tpu.memory_space<semaphore_mem>>) src(%dma_wait3A_107 : memref<640xf32, #tpu.memory_space<vmem_shared>>) dst(%dma_wait3A_105 : memref<640xf32, #tpu.memory_space<vmem>>)
      tpu.yield
    }) : () -> ()
    %mul3A_60 = arith.constant 640 : i32
    %mul3A_61 = arith.muli %arg1, %mul3A_60 : i32
    %run_scoped3A_62 = arith.constant 11 : i32
    %run_scoped3A_63 = arith.constant 11 : i32
    "tpu.region"() ({
      %run_scoped3A_89 = tpu.sem_alloc : memref<!tpu.dma_semaphore, #tpu.memory_space<semaphore_mem>>
      %dma_start3A = arith.constant 0 : i32
      %dma_start3A_90 = tpu.memref_slice %arg6[%run_scoped3A_63, %dma_start3A] : memref<16x640xf32, #tpu.memory_space<vmem>> -> memref<1x640xf32, #tpu.memory_space<vmem>>
      %dma_start3A_91 = tpu.memref_squeeze %dma_start3A_90 : memref<1x640xf32, #tpu.memory_space<vmem>> -> memref<640xf32, #tpu.memory_space<vmem>>
      %dma_start3A_92 = tpu.memref_slice %arg8[%run_scoped3A_62, %mul3A_61] : memref<16x10240xf32, #tpu.memory_space<vmem_shared>> -> memref<1x640xf32, #tpu.memory_space<vmem_shared>>
      %dma_start3A_93 = tpu.memref_squeeze %dma_start3A_92 : memref<1x640xf32, #tpu.memory_space<vmem_shared>> -> memref<640xf32, #tpu.memory_space<vmem_shared>>
      %dma_start3A_94 = arith.constant 0 : i32
      %dma_start3A_95 = tpu.memref_slice %arg6[%run_scoped3A_63, %dma_start3A_94] : memref<16x640xf32, #tpu.memory_space<vmem>> -> memref<1x640xf32, #tpu.memory_space<vmem>>
      %dma_start3A_96 = tpu.memref_squeeze %dma_start3A_95 : memref<1x640xf32, #tpu.memory_space<vmem>> -> memref<640xf32, #tpu.memory_space<vmem>>
      %dma_start3A_97 = tpu.memref_slice %arg8[%run_scoped3A_62, %mul3A_61] : memref<16x10240xf32, #tpu.memory_space<vmem_shared>> -> memref<1x640xf32, #tpu.memory_space<vmem_shared>>
      %dma_start3A_98 = tpu.memref_squeeze %dma_start3A_97 : memref<1x640xf32, #tpu.memory_space<vmem_shared>> -> memref<640xf32, #tpu.memory_space<vmem_shared>>
      tpu.enqueue_dma source(%dma_start3A_98 : memref<640xf32, #tpu.memory_space<vmem_shared>>) target(%dma_start3A_96 : memref<640xf32, #tpu.memory_space<vmem>>) target_semaphore(%run_scoped3A_89 : memref<!tpu.dma_semaphore, #tpu.memory_space<semaphore_mem>>)
      %dma_wait3A = arith.constant 0 : i32
      %dma_wait3A_99 = tpu.memref_slice %arg6[%run_scoped3A_63, %dma_wait3A] : memref<16x640xf32, #tpu.memory_space<vmem>> -> memref<1x640xf32, #tpu.memory_space<vmem>>
      %dma_wait3A_100 = tpu.memref_squeeze %dma_wait3A_99 : memref<1x640xf32, #tpu.memory_space<vmem>> -> memref<640xf32, #tpu.memory_space<vmem>>
      %dma_wait3A_101 = tpu.memref_slice %arg8[%run_scoped3A_62, %mul3A_61] : memref<16x10240xf32, #tpu.memory_space<vmem_shared>> -> memref<1x640xf32, #tpu.memory_space<vmem_shared>>
      %dma_wait3A_102 = tpu.memref_squeeze %dma_wait3A_101 : memref<1x640xf32, #tpu.memory_space<vmem_shared>> -> memref<640xf32, #tpu.memory_space<vmem_shared>>
      %dma_wait3A_103 = arith.constant 0 : i32
      %dma_wait3A_104 = tpu.memref_slice %arg6[%run_scoped3A_63, %dma_wait3A_103] : memref<16x640xf32, #tpu.memory_space<vmem>> -> memref<1x640xf32, #tpu.memory_space<vmem>>
      %dma_wait3A_105 = tpu.memref_squeeze %dma_wait3A_104 : memref<1x640xf32, #tpu.memory_space<vmem>> -> memref<640xf32, #tpu.memory_space<vmem>>
      %dma_wait3A_106 = tpu.memref_slice %arg8[%run_scoped3A_62, %mul3A_61] : memref<16x10240xf32, #tpu.memory_space<vmem_shared>> -> memref<1x640xf32, #tpu.memory_space<vmem_shared>>
      %dma_wait3A_107 = tpu.memref_squeeze %dma_wait3A_106 : memref<1x640xf32, #tpu.memory_space<vmem_shared>> -> memref<640xf32, #tpu.memory_space<vmem_shared>>
      tpu.wait_dma2 semaphore(%run_scoped3A_89 : memref<!tpu.dma_semaphore, #tpu.memory_space<semaphore_mem>>) src(%dma_wait3A_107 : memref<640xf32, #tpu.memory_space<vmem_shared>>) dst(%dma_wait3A_105 : memref<640xf32, #tpu.memory_space<vmem>>)
      tpu.yield
    }) : () -> ()
    %mul3A_64 = arith.constant 640 : i32
    %mul3A_65 = arith.muli %arg1, %mul3A_64 : i32
    %run_scoped3A_66 = arith.constant 12 : i32
    %run_scoped3A_67 = arith.constant 12 : i32
    "tpu.region"() ({
      %run_scoped3A_89 = tpu.sem_alloc : memref<!tpu.dma_semaphore, #tpu.memory_space<semaphore_mem>>
      %dma_start3A = arith.constant 0 : i32
      %dma_start3A_90 = tpu.memref_slice %arg6[%run_scoped3A_67, %dma_start3A] : memref<16x640xf32, #tpu.memory_space<vmem>> -> memref<1x640xf32, #tpu.memory_space<vmem>>
      %dma_start3A_91 = tpu.memref_squeeze %dma_start3A_90 : memref<1x640xf32, #tpu.memory_space<vmem>> -> memref<640xf32, #tpu.memory_space<vmem>>
      %dma_start3A_92 = tpu.memref_slice %arg8[%run_scoped3A_66, %mul3A_65] : memref<16x10240xf32, #tpu.memory_space<vmem_shared>> -> memref<1x640xf32, #tpu.memory_space<vmem_shared>>
      %dma_start3A_93 = tpu.memref_squeeze %dma_start3A_92 : memref<1x640xf32, #tpu.memory_space<vmem_shared>> -> memref<640xf32, #tpu.memory_space<vmem_shared>>
      %dma_start3A_94 = arith.constant 0 : i32
      %dma_start3A_95 = tpu.memref_slice %arg6[%run_scoped3A_67, %dma_start3A_94] : memref<16x640xf32, #tpu.memory_space<vmem>> -> memref<1x640xf32, #tpu.memory_space<vmem>>
      %dma_start3A_96 = tpu.memref_squeeze %dma_start3A_95 : memref<1x640xf32, #tpu.memory_space<vmem>> -> memref<640xf32, #tpu.memory_space<vmem>>
      %dma_start3A_97 = tpu.memref_slice %arg8[%run_scoped3A_66, %mul3A_65] : memref<16x10240xf32, #tpu.memory_space<vmem_shared>> -> memref<1x640xf32, #tpu.memory_space<vmem_shared>>
      %dma_start3A_98 = tpu.memref_squeeze %dma_start3A_97 : memref<1x640xf32, #tpu.memory_space<vmem_shared>> -> memref<640xf32, #tpu.memory_space<vmem_shared>>
      tpu.enqueue_dma source(%dma_start3A_98 : memref<640xf32, #tpu.memory_space<vmem_shared>>) target(%dma_start3A_96 : memref<640xf32, #tpu.memory_space<vmem>>) target_semaphore(%run_scoped3A_89 : memref<!tpu.dma_semaphore, #tpu.memory_space<semaphore_mem>>)
      %dma_wait3A = arith.constant 0 : i32
      %dma_wait3A_99 = tpu.memref_slice %arg6[%run_scoped3A_67, %dma_wait3A] : memref<16x640xf32, #tpu.memory_space<vmem>> -> memref<1x640xf32, #tpu.memory_space<vmem>>
      %dma_wait3A_100 = tpu.memref_squeeze %dma_wait3A_99 : memref<1x640xf32, #tpu.memory_space<vmem>> -> memref<640xf32, #tpu.memory_space<vmem>>
      %dma_wait3A_101 = tpu.memref_slice %arg8[%run_scoped3A_66, %mul3A_65] : memref<16x10240xf32, #tpu.memory_space<vmem_shared>> -> memref<1x640xf32, #tpu.memory_space<vmem_shared>>
      %dma_wait3A_102 = tpu.memref_squeeze %dma_wait3A_101 : memref<1x640xf32, #tpu.memory_space<vmem_shared>> -> memref<640xf32, #tpu.memory_space<vmem_shared>>
      %dma_wait3A_103 = arith.constant 0 : i32
      %dma_wait3A_104 = tpu.memref_slice %arg6[%run_scoped3A_67, %dma_wait3A_103] : memref<16x640xf32, #tpu.memory_space<vmem>> -> memref<1x640xf32, #tpu.memory_space<vmem>>
      %dma_wait3A_105 = tpu.memref_squeeze %dma_wait3A_104 : memref<1x640xf32, #tpu.memory_space<vmem>> -> memref<640xf32, #tpu.memory_space<vmem>>
      %dma_wait3A_106 = tpu.memref_slice %arg8[%run_scoped3A_66, %mul3A_65] : memref<16x10240xf32, #tpu.memory_space<vmem_shared>> -> memref<1x640xf32, #tpu.memory_space<vmem_shared>>
      %dma_wait3A_107 = tpu.memref_squeeze %dma_wait3A_106 : memref<1x640xf32, #tpu.memory_space<vmem_shared>> -> memref<640xf32, #tpu.memory_space<vmem_shared>>
      tpu.wait_dma2 semaphore(%run_scoped3A_89 : memref<!tpu.dma_semaphore, #tpu.memory_space<semaphore_mem>>) src(%dma_wait3A_107 : memref<640xf32, #tpu.memory_space<vmem_shared>>) dst(%dma_wait3A_105 : memref<640xf32, #tpu.memory_space<vmem>>)
      tpu.yield
    }) : () -> ()
    %mul3A_68 = arith.constant 640 : i32
    %mul3A_69 = arith.muli %arg1, %mul3A_68 : i32
    %run_scoped3A_70 = arith.constant 13 : i32
    %run_scoped3A_71 = arith.constant 13 : i32
    "tpu.region"() ({
      %run_scoped3A_89 = tpu.sem_alloc : memref<!tpu.dma_semaphore, #tpu.memory_space<semaphore_mem>>
      %dma_start3A = arith.constant 0 : i32
      %dma_start3A_90 = tpu.memref_slice %arg6[%run_scoped3A_71, %dma_start3A] : memref<16x640xf32, #tpu.memory_space<vmem>> -> memref<1x640xf32, #tpu.memory_space<vmem>>
      %dma_start3A_91 = tpu.memref_squeeze %dma_start3A_90 : memref<1x640xf32, #tpu.memory_space<vmem>> -> memref<640xf32, #tpu.memory_space<vmem>>
      %dma_start3A_92 = tpu.memref_slice %arg8[%run_scoped3A_70, %mul3A_69] : memref<16x10240xf32, #tpu.memory_space<vmem_shared>> -> memref<1x640xf32, #tpu.memory_space<vmem_shared>>
      %dma_start3A_93 = tpu.memref_squeeze %dma_start3A_92 : memref<1x640xf32, #tpu.memory_space<vmem_shared>> -> memref<640xf32, #tpu.memory_space<vmem_shared>>
      %dma_start3A_94 = arith.constant 0 : i32
      %dma_start3A_95 = tpu.memref_slice %arg6[%run_scoped3A_71, %dma_start3A_94] : memref<16x640xf32, #tpu.memory_space<vmem>> -> memref<1x640xf32, #tpu.memory_space<vmem>>
      %dma_start3A_96 = tpu.memref_squeeze %dma_start3A_95 : memref<1x640xf32, #tpu.memory_space<vmem>> -> memref<640xf32, #tpu.memory_space<vmem>>
      %dma_start3A_97 = tpu.memref_slice %arg8[%run_scoped3A_70, %mul3A_69] : memref<16x10240xf32, #tpu.memory_space<vmem_shared>> -> memref<1x640xf32, #tpu.memory_space<vmem_shared>>
      %dma_start3A_98 = tpu.memref_squeeze %dma_start3A_97 : memref<1x640xf32, #tpu.memory_space<vmem_shared>> -> memref<640xf32, #tpu.memory_space<vmem_shared>>
      tpu.enqueue_dma source(%dma_start3A_98 : memref<640xf32, #tpu.memory_space<vmem_shared>>) target(%dma_start3A_96 : memref<640xf32, #tpu.memory_space<vmem>>) target_semaphore(%run_scoped3A_89 : memref<!tpu.dma_semaphore, #tpu.memory_space<semaphore_mem>>)
      %dma_wait3A = arith.constant 0 : i32
      %dma_wait3A_99 = tpu.memref_slice %arg6[%run_scoped3A_71, %dma_wait3A] : memref<16x640xf32, #tpu.memory_space<vmem>> -> memref<1x640xf32, #tpu.memory_space<vmem>>
      %dma_wait3A_100 = tpu.memref_squeeze %dma_wait3A_99 : memref<1x640xf32, #tpu.memory_space<vmem>> -> memref<640xf32, #tpu.memory_space<vmem>>
      %dma_wait3A_101 = tpu.memref_slice %arg8[%run_scoped3A_70, %mul3A_69] : memref<16x10240xf32, #tpu.memory_space<vmem_shared>> -> memref<1x640xf32, #tpu.memory_space<vmem_shared>>
      %dma_wait3A_102 = tpu.memref_squeeze %dma_wait3A_101 : memref<1x640xf32, #tpu.memory_space<vmem_shared>> -> memref<640xf32, #tpu.memory_space<vmem_shared>>
      %dma_wait3A_103 = arith.constant 0 : i32
      %dma_wait3A_104 = tpu.memref_slice %arg6[%run_scoped3A_71, %dma_wait3A_103] : memref<16x640xf32, #tpu.memory_space<vmem>> -> memref<1x640xf32, #tpu.memory_space<vmem>>
      %dma_wait3A_105 = tpu.memref_squeeze %dma_wait3A_104 : memref<1x640xf32, #tpu.memory_space<vmem>> -> memref<640xf32, #tpu.memory_space<vmem>>
      %dma_wait3A_106 = tpu.memref_slice %arg8[%run_scoped3A_70, %mul3A_69] : memref<16x10240xf32, #tpu.memory_space<vmem_shared>> -> memref<1x640xf32, #tpu.memory_space<vmem_shared>>
      %dma_wait3A_107 = tpu.memref_squeeze %dma_wait3A_106 : memref<1x640xf32, #tpu.memory_space<vmem_shared>> -> memref<640xf32, #tpu.memory_space<vmem_shared>>
      tpu.wait_dma2 semaphore(%run_scoped3A_89 : memref<!tpu.dma_semaphore, #tpu.memory_space<semaphore_mem>>) src(%dma_wait3A_107 : memref<640xf32, #tpu.memory_space<vmem_shared>>) dst(%dma_wait3A_105 : memref<640xf32, #tpu.memory_space<vmem>>)
      tpu.yield
    }) : () -> ()
    %mul3A_72 = arith.constant 640 : i32
    %mul3A_73 = arith.muli %arg1, %mul3A_72 : i32
    %run_scoped3A_74 = arith.constant 14 : i32
    %run_scoped3A_75 = arith.constant 14 : i32
    "tpu.region"() ({
      %run_scoped3A_89 = tpu.sem_alloc : memref<!tpu.dma_semaphore, #tpu.memory_space<semaphore_mem>>
      %dma_start3A = arith.constant 0 : i32
      %dma_start3A_90 = tpu.memref_slice %arg6[%run_scoped3A_75, %dma_start3A] : memref<16x640xf32, #tpu.memory_space<vmem>> -> memref<1x640xf32, #tpu.memory_space<vmem>>
      %dma_start3A_91 = tpu.memref_squeeze %dma_start3A_90 : memref<1x640xf32, #tpu.memory_space<vmem>> -> memref<640xf32, #tpu.memory_space<vmem>>
      %dma_start3A_92 = tpu.memref_slice %arg8[%run_scoped3A_74, %mul3A_73] : memref<16x10240xf32, #tpu.memory_space<vmem_shared>> -> memref<1x640xf32, #tpu.memory_space<vmem_shared>>
      %dma_start3A_93 = tpu.memref_squeeze %dma_start3A_92 : memref<1x640xf32, #tpu.memory_space<vmem_shared>> -> memref<640xf32, #tpu.memory_space<vmem_shared>>
      %dma_start3A_94 = arith.constant 0 : i32
      %dma_start3A_95 = tpu.memref_slice %arg6[%run_scoped3A_75, %dma_start3A_94] : memref<16x640xf32, #tpu.memory_space<vmem>> -> memref<1x640xf32, #tpu.memory_space<vmem>>
      %dma_start3A_96 = tpu.memref_squeeze %dma_start3A_95 : memref<1x640xf32, #tpu.memory_space<vmem>> -> memref<640xf32, #tpu.memory_space<vmem>>
      %dma_start3A_97 = tpu.memref_slice %arg8[%run_scoped3A_74, %mul3A_73] : memref<16x10240xf32, #tpu.memory_space<vmem_shared>> -> memref<1x640xf32, #tpu.memory_space<vmem_shared>>
      %dma_start3A_98 = tpu.memref_squeeze %dma_start3A_97 : memref<1x640xf32, #tpu.memory_space<vmem_shared>> -> memref<640xf32, #tpu.memory_space<vmem_shared>>
      tpu.enqueue_dma source(%dma_start3A_98 : memref<640xf32, #tpu.memory_space<vmem_shared>>) target(%dma_start3A_96 : memref<640xf32, #tpu.memory_space<vmem>>) target_semaphore(%run_scoped3A_89 : memref<!tpu.dma_semaphore, #tpu.memory_space<semaphore_mem>>)
      %dma_wait3A = arith.constant 0 : i32
      %dma_wait3A_99 = tpu.memref_slice %arg6[%run_scoped3A_75, %dma_wait3A] : memref<16x640xf32, #tpu.memory_space<vmem>> -> memref<1x640xf32, #tpu.memory_space<vmem>>
      %dma_wait3A_100 = tpu.memref_squeeze %dma_wait3A_99 : memref<1x640xf32, #tpu.memory_space<vmem>> -> memref<640xf32, #tpu.memory_space<vmem>>
      %dma_wait3A_101 = tpu.memref_slice %arg8[%run_scoped3A_74, %mul3A_73] : memref<16x10240xf32, #tpu.memory_space<vmem_shared>> -> memref<1x640xf32, #tpu.memory_space<vmem_shared>>
      %dma_wait3A_102 = tpu.memref_squeeze %dma_wait3A_101 : memref<1x640xf32, #tpu.memory_space<vmem_shared>> -> memref<640xf32, #tpu.memory_space<vmem_shared>>
      %dma_wait3A_103 = arith.constant 0 : i32
      %dma_wait3A_104 = tpu.memref_slice %arg6[%run_scoped3A_75, %dma_wait3A_103] : memref<16x640xf32, #tpu.memory_space<vmem>> -> memref<1x640xf32, #tpu.memory_space<vmem>>
      %dma_wait3A_105 = tpu.memref_squeeze %dma_wait3A_104 : memref<1x640xf32, #tpu.memory_space<vmem>> -> memref<640xf32, #tpu.memory_space<vmem>>
      %dma_wait3A_106 = tpu.memref_slice %arg8[%run_scoped3A_74, %mul3A_73] : memref<16x10240xf32, #tpu.memory_space<vmem_shared>> -> memref<1x640xf32, #tpu.memory_space<vmem_shared>>
      %dma_wait3A_107 = tpu.memref_squeeze %dma_wait3A_106 : memref<1x640xf32, #tpu.memory_space<vmem_shared>> -> memref<640xf32, #tpu.memory_space<vmem_shared>>
      tpu.wait_dma2 semaphore(%run_scoped3A_89 : memref<!tpu.dma_semaphore, #tpu.memory_space<semaphore_mem>>) src(%dma_wait3A_107 : memref<640xf32, #tpu.memory_space<vmem_shared>>) dst(%dma_wait3A_105 : memref<640xf32, #tpu.memory_space<vmem>>)
      tpu.yield
    }) : () -> ()
    %mul3A_76 = arith.constant 640 : i32
    %mul3A_77 = arith.muli %arg1, %mul3A_76 : i32
    %run_scoped3A_78 = arith.constant 15 : i32
    %run_scoped3A_79 = arith.constant 15 : i32
    "tpu.region"() ({
      %run_scoped3A_89 = tpu.sem_alloc : memref<!tpu.dma_semaphore, #tpu.memory_space<semaphore_mem>>
      %dma_start3A = arith.constant 0 : i32
      %dma_start3A_90 = tpu.memref_slice %arg6[%run_scoped3A_79, %dma_start3A] : memref<16x640xf32, #tpu.memory_space<vmem>> -> memref<1x640xf32, #tpu.memory_space<vmem>>
      %dma_start3A_91 = tpu.memref_squeeze %dma_start3A_90 : memref<1x640xf32, #tpu.memory_space<vmem>> -> memref<640xf32, #tpu.memory_space<vmem>>
      %dma_start3A_92 = tpu.memref_slice %arg8[%run_scoped3A_78, %mul3A_77] : memref<16x10240xf32, #tpu.memory_space<vmem_shared>> -> memref<1x640xf32, #tpu.memory_space<vmem_shared>>
      %dma_start3A_93 = tpu.memref_squeeze %dma_start3A_92 : memref<1x640xf32, #tpu.memory_space<vmem_shared>> -> memref<640xf32, #tpu.memory_space<vmem_shared>>
      %dma_start3A_94 = arith.constant 0 : i32
      %dma_start3A_95 = tpu.memref_slice %arg6[%run_scoped3A_79, %dma_start3A_94] : memref<16x640xf32, #tpu.memory_space<vmem>> -> memref<1x640xf32, #tpu.memory_space<vmem>>
      %dma_start3A_96 = tpu.memref_squeeze %dma_start3A_95 : memref<1x640xf32, #tpu.memory_space<vmem>> -> memref<640xf32, #tpu.memory_space<vmem>>
      %dma_start3A_97 = tpu.memref_slice %arg8[%run_scoped3A_78, %mul3A_77] : memref<16x10240xf32, #tpu.memory_space<vmem_shared>> -> memref<1x640xf32, #tpu.memory_space<vmem_shared>>
      %dma_start3A_98 = tpu.memref_squeeze %dma_start3A_97 : memref<1x640xf32, #tpu.memory_space<vmem_shared>> -> memref<640xf32, #tpu.memory_space<vmem_shared>>
      tpu.enqueue_dma source(%dma_start3A_98 : memref<640xf32, #tpu.memory_space<vmem_shared>>) target(%dma_start3A_96 : memref<640xf32, #tpu.memory_space<vmem>>) target_semaphore(%run_scoped3A_89 : memref<!tpu.dma_semaphore, #tpu.memory_space<semaphore_mem>>)
      %dma_wait3A = arith.constant 0 : i32
      %dma_wait3A_99 = tpu.memref_slice %arg6[%run_scoped3A_79, %dma_wait3A] : memref<16x640xf32, #tpu.memory_space<vmem>> -> memref<1x640xf32, #tpu.memory_space<vmem>>
      %dma_wait3A_100 = tpu.memref_squeeze %dma_wait3A_99 : memref<1x640xf32, #tpu.memory_space<vmem>> -> memref<640xf32, #tpu.memory_space<vmem>>
      %dma_wait3A_101 = tpu.memref_slice %arg8[%run_scoped3A_78, %mul3A_77] : memref<16x10240xf32, #tpu.memory_space<vmem_shared>> -> memref<1x640xf32, #tpu.memory_space<vmem_shared>>
      %dma_wait3A_102 = tpu.memref_squeeze %dma_wait3A_101 : memref<1x640xf32, #tpu.memory_space<vmem_shared>> -> memref<640xf32, #tpu.memory_space<vmem_shared>>
      %dma_wait3A_103 = arith.constant 0 : i32
      %dma_wait3A_104 = tpu.memref_slice %arg6[%run_scoped3A_79, %dma_wait3A_103] : memref<16x640xf32, #tpu.memory_space<vmem>> -> memref<1x640xf32, #tpu.memory_space<vmem>>
      %dma_wait3A_105 = tpu.memref_squeeze %dma_wait3A_104 : memref<1x640xf32, #tpu.memory_space<vmem>> -> memref<640xf32, #tpu.memory_space<vmem>>
      %dma_wait3A_106 = tpu.memref_slice %arg8[%run_scoped3A_78, %mul3A_77] : memref<16x10240xf32, #tpu.memory_space<vmem_shared>> -> memref<1x640xf32, #tpu.memory_space<vmem_shared>>
      %dma_wait3A_107 = tpu.memref_squeeze %dma_wait3A_106 : memref<1x640xf32, #tpu.memory_space<vmem_shared>> -> memref<640xf32, #tpu.memory_space<vmem_shared>>
      tpu.wait_dma2 semaphore(%run_scoped3A_89 : memref<!tpu.dma_semaphore, #tpu.memory_space<semaphore_mem>>) src(%dma_wait3A_107 : memref<640xf32, #tpu.memory_space<vmem_shared>>) dst(%dma_wait3A_105 : memref<640xf32, #tpu.memory_space<vmem>>)
      tpu.yield
    }) : () -> ()
    %scan3A_80 = arith.constant 0 : i32
    %scan3A_81 = arith.constant 0 : i32
    %scan3A_82 = arith.constant 40 : i32
    %scan3A_83 = arith.addi %scan3A_81, %scan3A_82 : i32
    %scan3A_84 = arith.constant 1 : i32
    %scan3A_85 = scf.for %scan3A_89 = %scan3A_81 to %scan3A_83 step %scan3A_84 iter_args(%scan3A_90 = %scan3A_80) -> (i32)  : i32 {
      %mul3A_91 = arith.constant 16 : i32
      %mul3A_92 = arith.muli %scan3A_89, %mul3A_91 : i32
      %get3A = arith.constant 0 : i32
      %get3A_93 = arith.index_cast %get3A : i32 to index
      %get3A_94 = arith.index_cast %mul3A_92 : i32 to index
      %get3A_95 = tpu.vector_load %arg6[%get3A_93, %get3A_94] {strides = array<i32>} : memref<16x640xf32, #tpu.memory_space<vmem>>, vector<16xf32>,
      %mul3A_96 = arith.constant 16 : i32
      %mul3A_97 = arith.muli %scan3A_89, %mul3A_96 : i32
      %get3A_98 = arith.constant 1 : i32
      %get3A_99 = arith.index_cast %get3A_98 : i32 to index
      %get3A_100 = arith.index_cast %mul3A_97 : i32 to index
      %get3A_101 = tpu.vector_load %arg6[%get3A_99, %get3A_100] {strides = array<i32>} : memref<16x640xf32, #tpu.memory_space<vmem>>, vector<16xf32>,
      %add3A_102 = arith.addf %get3A_95, %get3A_101 : vector<16xf32>
      %mul3A_103 = arith.constant 16 : i32
      %mul3A_104 = arith.muli %scan3A_89, %mul3A_103 : i32
      %get3A_105 = arith.constant 2 : i32
      %get3A_106 = arith.index_cast %get3A_105 : i32 to index
      %get3A_107 = arith.index_cast %mul3A_104 : i32 to index
      %get3A_108 = tpu.vector_load %arg6[%get3A_106, %get3A_107] {strides = array<i32>} : memref<16x640xf32, #tpu.memory_space<vmem>>, vector<16xf32>,
      %add3A_109 = arith.addf %add3A_102, %get3A_108 : vector<16xf32>
      %mul3A_110 = arith.constant 16 : i32
      %mul3A_111 = arith.muli %scan3A_89, %mul3A_110 : i32
      %get3A_112 = arith.constant 3 : i32
      %get3A_113 = arith.index_cast %get3A_112 : i32 to index
      %get3A_114 = arith.index_cast %mul3A_111 : i32 to index
      %get3A_115 = tpu.vector_load %arg6[%get3A_113, %get3A_114] {strides = array<i32>} : memref<16x640xf32, #tpu.memory_space<vmem>>, vector<16xf32>,
      %add3A_116 = arith.addf %add3A_109, %get3A_115 : vector<16xf32>
      %mul3A_117 = arith.constant 16 : i32
      %mul3A_118 = arith.muli %scan3A_89, %mul3A_117 : i32
      %get3A_119 = arith.constant 4 : i32
      %get3A_120 = arith.index_cast %get3A_119 : i32 to index
      %get3A_121 = arith.index_cast %mul3A_118 : i32 to index
      %get3A_122 = tpu.vector_load %arg6[%get3A_120, %get3A_121] {strides = array<i32>} : memref<16x640xf32, #tpu.memory_space<vmem>>, vector<16xf32>,
      %add3A_123 = arith.addf %add3A_116, %get3A_122 : vector<16xf32>
      %mul3A_124 = arith.constant 16 : i32
      %mul3A_125 = arith.muli %scan3A_89, %mul3A_124 : i32
      %get3A_126 = arith.constant 5 : i32
      %get3A_127 = arith.index_cast %get3A_126 : i32 to index
      %get3A_128 = arith.index_cast %mul3A_125 : i32 to index
      %get3A_129 = tpu.vector_load %arg6[%get3A_127, %get3A_128] {strides = array<i32>} : memref<16x640xf32, #tpu.memory_space<vmem>>, vector<16xf32>,
      %add3A_130 = arith.addf %add3A_123, %get3A_129 : vector<16xf32>
      %mul3A_131 = arith.constant 16 : i32
      %mul3A_132 = arith.muli %scan3A_89, %mul3A_131 : i32
      %get3A_133 = arith.constant 6 : i32
      %get3A_134 = arith.index_cast %get3A_133 : i32 to index
      %get3A_135 = arith.index_cast %mul3A_132 : i32 to index
      %get3A_136 = tpu.vector_load %arg6[%get3A_134, %get3A_135] {strides = array<i32>} : memref<16x640xf32, #tpu.memory_space<vmem>>, vector<16xf32>,
      %add3A_137 = arith.addf %add3A_130, %get3A_136 : vector<16xf32>
      %mul3A_138 = arith.constant 16 : i32
      %mul3A_139 = arith.muli %scan3A_89, %mul3A_138 : i32
      %get3A_140 = arith.constant 7 : i32
      %get3A_141 = arith.index_cast %get3A_140 : i32 to index
      %get3A_142 = arith.index_cast %mul3A_139 : i32 to index
      %get3A_143 = tpu.vector_load %arg6[%get3A_141, %get3A_142] {strides = array<i32>} : memref<16x640xf32, #tpu.memory_space<vmem>>, vector<16xf32>,
      %add3A_144 = arith.addf %add3A_137, %get3A_143 : vector<16xf32>
      %mul3A_145 = arith.constant 16 : i32
      %mul3A_146 = arith.muli %scan3A_89, %mul3A_145 : i32
      %get3A_147 = arith.constant 8 : i32
      %get3A_148 = arith.index_cast %get3A_147 : i32 to index
      %get3A_149 = arith.index_cast %mul3A_146 : i32 to index
      %get3A_150 = tpu.vector_load %arg6[%get3A_148, %get3A_149] {strides = array<i32>} : memref<16x640xf32, #tpu.memory_space<vmem>>, vector<16xf32>,
      %add3A_151 = arith.addf %add3A_144, %get3A_150 : vector<16xf32>
      %mul3A_152 = arith.constant 16 : i32
      %mul3A_153 = arith.muli %scan3A_89, %mul3A_152 : i32
      %get3A_154 = arith.constant 9 : i32
      %get3A_155 = arith.index_cast %get3A_154 : i32 to index
      %get3A_156 = arith.index_cast %mul3A_153 : i32 to index
      %get3A_157 = tpu.vector_load %arg6[%get3A_155, %get3A_156] {strides = array<i32>} : memref<16x640xf32, #tpu.memory_space<vmem>>, vector<16xf32>,
      %add3A_158 = arith.addf %add3A_151, %get3A_157 : vector<16xf32>
      %mul3A_159 = arith.constant 16 : i32
      %mul3A_160 = arith.muli %scan3A_89, %mul3A_159 : i32
      %get3A_161 = arith.constant 10 : i32
      %get3A_162 = arith.index_cast %get3A_161 : i32 to index
      %get3A_163 = arith.index_cast %mul3A_160 : i32 to index
      %get3A_164 = tpu.vector_load %arg6[%get3A_162, %get3A_163] {strides = array<i32>} : memref<16x640xf32, #tpu.memory_space<vmem>>, vector<16xf32>,
      %add3A_165 = arith.addf %add3A_158, %get3A_164 : vector<16xf32>
      %mul3A_166 = arith.constant 16 : i32
      %mul3A_167 = arith.muli %scan3A_89, %mul3A_166 : i32
      %get3A_168 = arith.constant 11 : i32
      %get3A_169 = arith.index_cast %get3A_168 : i32 to index
      %get3A_170 = arith.index_cast %mul3A_167 : i32 to index
      %get3A_171 = tpu.vector_load %arg6[%get3A_169, %get3A_170] {strides = array<i32>} : memref<16x640xf32, #tpu.memory_space<vmem>>, vector<16xf32>,
      %add3A_172 = arith.addf %add3A_165, %get3A_171 : vector<16xf32>
      %mul3A_173 = arith.constant 16 : i32
      %mul3A_174 = arith.muli %scan3A_89, %mul3A_173 : i32
      %get3A_175 = arith.constant 12 : i32
      %get3A_176 = arith.index_cast %get3A_175 : i32 to index
      %get3A_177 = arith.index_cast %mul3A_174 : i32 to index
      %get3A_178 = tpu.vector_load %arg6[%get3A_176, %get3A_177] {strides = array<i32>} : memref<16x640xf32, #tpu.memory_space<vmem>>, vector<16xf32>,
      %add3A_179 = arith.addf %add3A_172, %get3A_178 : vector<16xf32>
      %mul3A_180 = arith.constant 16 : i32
      %mul3A_181 = arith.muli %scan3A_89, %mul3A_180 : i32
      %get3A_182 = arith.constant 13 : i32
      %get3A_183 = arith.index_cast %get3A_182 : i32 to index
      %get3A_184 = arith.index_cast %mul3A_181 : i32 to index
      %get3A_185 = tpu.vector_load %arg6[%get3A_183, %get3A_184] {strides = array<i32>} : memref<16x640xf32, #tpu.memory_space<vmem>>, vector<16xf32>,
      %add3A_186 = arith.addf %add3A_179, %get3A_185 : vector<16xf32>
      %mul3A_187 = arith.constant 16 : i32
      %mul3A_188 = arith.muli %scan3A_89, %mul3A_187 : i32
      %get3A_189 = arith.constant 14 : i32
      %get3A_190 = arith.index_cast %get3A_189 : i32 to index
      %get3A_191 = arith.index_cast %mul3A_188 : i32 to index
      %get3A_192 = tpu.vector_load %arg6[%get3A_190, %get3A_191] {strides = array<i32>} : memref<16x640xf32, #tpu.memory_space<vmem>>, vector<16xf32>,
      %add3A_193 = arith.addf %add3A_186, %get3A_192 : vector<16xf32>
      %mul3A_194 = arith.constant 16 : i32
      %mul3A_195 = arith.muli %scan3A_89, %mul3A_194 : i32
      %get3A_196 = arith.constant 15 : i32
      %get3A_197 = arith.index_cast %get3A_196 : i32 to index
      %get3A_198 = arith.index_cast %mul3A_195 : i32 to index
      %get3A_199 = tpu.vector_load %arg6[%get3A_197, %get3A_198] {strides = array<i32>} : memref<16x640xf32, #tpu.memory_space<vmem>>, vector<16xf32>,
      %add3A_200 = arith.addf %add3A_193, %get3A_199 : vector<16xf32>
      %mul3A_201 = arith.constant 16 : i32
      %mul3A_202 = arith.muli %scan3A_89, %mul3A_201 : i32
      %swap3A = arith.index_cast %mul3A_202 : i32 to index
      %swap3A_203 = tpu.vector_load %arg7[%swap3A] {strides = array<i32>} : memref<640xf32, #tpu.memory_space<vmem>>, vector<16xf32>,
      tpu.vector_store %arg7[%swap3A], %add3A_200 {strides = array<i32>} : memref<640xf32, #tpu.memory_space<vmem>>, vector<16xf32>,
      %scan3A_204 = arith.constant 0 : i32
      scf.yield %scan3A_204 : i32
    }
    %scan3A_86 = arith.constant 40 : i32
    %mul3A_87 = arith.constant 640 : i32
    %mul3A_88 = arith.muli %arg1, %mul3A_87 : i32
    "tpu.region"() ({
      %run_scoped3A_89 = tpu.sem_alloc : memref<!tpu.dma_semaphore, #tpu.memory_space<semaphore_mem>>
      %dma_start3A = tpu.memref_slice %arg3[%arg0, %mul3A_88] : memref<2x10240xf32, #tpu.memory_space<hbm>> -> memref<1x640xf32, #tpu.memory_space<hbm>>
      %dma_start3A_90 = tpu.memref_squeeze %dma_start3A : memref<1x640xf32, #tpu.memory_space<hbm>> -> memref<640xf32, #tpu.memory_space<hbm>>
      %dma_start3A_91 = tpu.memref_slice %arg3[%arg0, %mul3A_88] : memref<2x10240xf32, #tpu.memory_space<hbm>> -> memref<1x640xf32, #tpu.memory_space<hbm>>
      %dma_start3A_92 = tpu.memref_squeeze %dma_start3A_91 : memref<1x640xf32, #tpu.memory_space<hbm>> -> memref<640xf32, #tpu.memory_space<hbm>>
      tpu.enqueue_dma source(%arg7 : memref<640xf32, #tpu.memory_space<vmem>>) target(%dma_start3A_92 : memref<640xf32, #tpu.memory_space<hbm>>) target_semaphore(%run_scoped3A_89 : memref<!tpu.dma_semaphore, #tpu.memory_space<semaphore_mem>>)
      %dma_wait3A = tpu.memref_slice %arg3[%arg0, %mul3A_88] : memref<2x10240xf32, #tpu.memory_space<hbm>> -> memref<1x640xf32, #tpu.memory_space<hbm>>
      %dma_wait3A_93 = tpu.memref_squeeze %dma_wait3A : memref<1x640xf32, #tpu.memory_space<hbm>> -> memref<640xf32, #tpu.memory_space<hbm>>
      %dma_wait3A_94 = tpu.memref_slice %arg3[%arg0, %mul3A_88] : memref<2x10240xf32, #tpu.memory_space<hbm>> -> memref<1x640xf32, #tpu.memory_space<hbm>>
      %dma_wait3A_95 = tpu.memref_squeeze %dma_wait3A_94 : memref<1x640xf32, #tpu.memory_space<hbm>> -> memref<640xf32, #tpu.memory_space<hbm>>
      tpu.wait_dma2 semaphore(%run_scoped3A_89 : memref<!tpu.dma_semaphore, #tpu.memory_space<semaphore_mem>>) src(%arg7 : memref<640xf32, #tpu.memory_space<vmem>>) dst(%dma_wait3A_95 : memref<640xf32, #tpu.memory_space<hbm>>)
      tpu.yield
    }) : () -> ()
    return
  }
}

#map = affine_map<(d0, d1) -> (0, 0)>
#map1 = affine_map<(d0, d1) -> (0, 0, 0)>
module attributes {stable_mosaic.version = 14 : i64} {
  func.func @_agg_body(%arg0: i32, %arg1: i32, %arg2: memref<10000x128xf32, #tpu.memory_space<hbm>>, %arg3: memref<32x80x128xi32, #tpu.memory_space<hbm>>, %arg4: memref<32x80x128xi32, #tpu.memory_space<hbm>>, %arg5: memref<2x10240x128xf32, #tpu.memory_space<hbm>>, %arg6: memref<80x128xi32, #tpu.memory_space<vmem>>, %arg7: memref<80x128xi32, #tpu.memory_space<vmem>>, %arg8: memref<128x128xf32, #tpu.memory_space<vmem>>, %arg9: memref<!tpu.dma_semaphore, #tpu.memory_space<semaphore_mem>>, %arg10: memref<10240x128xf32, #tpu.memory_space<vmem_shared>>) attributes {dimension_semantics = [#tpu.dimension_semantics<core_parallel>, #tpu.dimension_semantics<subcore_parallel>], iteration_bounds = array<i64: 2, 16>, scalar_prefetch = 0 : i64, scratch_operands = 5 : i64, tpu.core_type = #tpu.core_type<sc_vector_subcore>, window_params = [{transform_indices = #map}, {transform_indices = #map1}, {transform_indices = #map1}, {transform_indices = #map1}]} {
    %mul3A = arith.constant 16 : i32
    %mul3A_0 = arith.muli %arg0, %mul3A : i32
    %add3A = arith.addi %mul3A_0, %arg1 : i32
    "tpu.region"() ({
      %run_scoped3A = tpu.sem_alloc : memref<!tpu.dma_semaphore, #tpu.memory_space<semaphore_mem>>
      %dma_start3A = arith.constant 0 : i32
      %dma_start3A_56 = arith.constant 0 : i32
      %dma_start3A_57 = tpu.memref_slice %arg3[%add3A, %dma_start3A, %dma_start3A_56] : memref<32x80x128xi32, #tpu.memory_space<hbm>> -> memref<1x80x128xi32, #tpu.memory_space<hbm>>
      %dma_start3A_58 = tpu.memref_squeeze %dma_start3A_57 : memref<1x80x128xi32, #tpu.memory_space<hbm>> -> memref<80x128xi32, #tpu.memory_space<hbm>>
      %dma_start3A_59 = arith.constant 0 : i32
      %dma_start3A_60 = arith.constant 0 : i32
      %dma_start3A_61 = tpu.memref_slice %arg3[%add3A, %dma_start3A_59, %dma_start3A_60] : memref<32x80x128xi32, #tpu.memory_space<hbm>> -> memref<1x80x128xi32, #tpu.memory_space<hbm>>
      %dma_start3A_62 = tpu.memref_squeeze %dma_start3A_61 : memref<1x80x128xi32, #tpu.memory_space<hbm>> -> memref<80x128xi32, #tpu.memory_space<hbm>>
      tpu.enqueue_dma source(%dma_start3A_62 : memref<80x128xi32, #tpu.memory_space<hbm>>) target(%arg6 : memref<80x128xi32, #tpu.memory_space<vmem>>) target_semaphore(%run_scoped3A : memref<!tpu.dma_semaphore, #tpu.memory_space<semaphore_mem>>)
      %dma_wait3A = arith.constant 0 : i32
      %dma_wait3A_63 = arith.constant 0 : i32
      %dma_wait3A_64 = tpu.memref_slice %arg3[%add3A, %dma_wait3A, %dma_wait3A_63] : memref<32x80x128xi32, #tpu.memory_space<hbm>> -> memref<1x80x128xi32, #tpu.memory_space<hbm>>
      %dma_wait3A_65 = tpu.memref_squeeze %dma_wait3A_64 : memref<1x80x128xi32, #tpu.memory_space<hbm>> -> memref<80x128xi32, #tpu.memory_space<hbm>>
      %dma_wait3A_66 = arith.constant 0 : i32
      %dma_wait3A_67 = arith.constant 0 : i32
      %dma_wait3A_68 = tpu.memref_slice %arg3[%add3A, %dma_wait3A_66, %dma_wait3A_67] : memref<32x80x128xi32, #tpu.memory_space<hbm>> -> memref<1x80x128xi32, #tpu.memory_space<hbm>>
      %dma_wait3A_69 = tpu.memref_squeeze %dma_wait3A_68 : memref<1x80x128xi32, #tpu.memory_space<hbm>> -> memref<80x128xi32, #tpu.memory_space<hbm>>
      tpu.wait_dma2 semaphore(%run_scoped3A : memref<!tpu.dma_semaphore, #tpu.memory_space<semaphore_mem>>) src(%dma_wait3A_69 : memref<80x128xi32, #tpu.memory_space<hbm>>) dst(%arg6 : memref<80x128xi32, #tpu.memory_space<vmem>>)
      tpu.yield
    }) : () -> ()
    "tpu.region"() ({
      %run_scoped3A = tpu.sem_alloc : memref<!tpu.dma_semaphore, #tpu.memory_space<semaphore_mem>>
      %dma_start3A = arith.constant 0 : i32
      %dma_start3A_56 = arith.constant 0 : i32
      %dma_start3A_57 = tpu.memref_slice %arg4[%add3A, %dma_start3A, %dma_start3A_56] : memref<32x80x128xi32, #tpu.memory_space<hbm>> -> memref<1x80x128xi32, #tpu.memory_space<hbm>>
      %dma_start3A_58 = tpu.memref_squeeze %dma_start3A_57 : memref<1x80x128xi32, #tpu.memory_space<hbm>> -> memref<80x128xi32, #tpu.memory_space<hbm>>
      %dma_start3A_59 = arith.constant 0 : i32
      %dma_start3A_60 = arith.constant 0 : i32
      %dma_start3A_61 = tpu.memref_slice %arg4[%add3A, %dma_start3A_59, %dma_start3A_60] : memref<32x80x128xi32, #tpu.memory_space<hbm>> -> memref<1x80x128xi32, #tpu.memory_space<hbm>>
      %dma_start3A_62 = tpu.memref_squeeze %dma_start3A_61 : memref<1x80x128xi32, #tpu.memory_space<hbm>> -> memref<80x128xi32, #tpu.memory_space<hbm>>
      tpu.enqueue_dma source(%dma_start3A_62 : memref<80x128xi32, #tpu.memory_space<hbm>>) target(%arg7 : memref<80x128xi32, #tpu.memory_space<vmem>>) target_semaphore(%run_scoped3A : memref<!tpu.dma_semaphore, #tpu.memory_space<semaphore_mem>>)
      %dma_wait3A = arith.constant 0 : i32
      %dma_wait3A_63 = arith.constant 0 : i32
      %dma_wait3A_64 = tpu.memref_slice %arg4[%add3A, %dma_wait3A, %dma_wait3A_63] : memref<32x80x128xi32, #tpu.memory_space<hbm>> -> memref<1x80x128xi32, #tpu.memory_space<hbm>>
      %dma_wait3A_65 = tpu.memref_squeeze %dma_wait3A_64 : memref<1x80x128xi32, #tpu.memory_space<hbm>> -> memref<80x128xi32, #tpu.memory_space<hbm>>
      %dma_wait3A_66 = arith.constant 0 : i32
      %dma_wait3A_67 = arith.constant 0 : i32
      %dma_wait3A_68 = tpu.memref_slice %arg4[%add3A, %dma_wait3A_66, %dma_wait3A_67] : memref<32x80x128xi32, #tpu.memory_space<hbm>> -> memref<1x80x128xi32, #tpu.memory_space<hbm>>
      %dma_wait3A_69 = tpu.memref_squeeze %dma_wait3A_68 : memref<1x80x128xi32, #tpu.memory_space<hbm>> -> memref<80x128xi32, #tpu.memory_space<hbm>>
      tpu.wait_dma2 semaphore(%run_scoped3A : memref<!tpu.dma_semaphore, #tpu.memory_space<semaphore_mem>>) src(%dma_wait3A_69 : memref<80x128xi32, #tpu.memory_space<hbm>>) dst(%arg7 : memref<80x128xi32, #tpu.memory_space<vmem>>)
      tpu.yield
    }) : () -> ()
    %broadcast_in_dim3A = arith.constant 0.000000e+00 : f32
    %broadcast_in_dim3A_1 = vector.broadcast %broadcast_in_dim3A : f32 to vector<16xf32>
    %scan3A = arith.constant 0 : i32
    %scan3A_2 = arith.constant 0 : i32
    %scan3A_3 = arith.constant 128 : i32
    %scan3A_4 = arith.addi %scan3A_2, %scan3A_3 : i32
    %scan3A_5 = arith.constant 1 : i32
    %scan3A_6 = scf.for %scan3A_56 = %scan3A_2 to %scan3A_4 step %scan3A_5 iter_args(%scan3A_57 = %scan3A) -> (i32)  : i32 {
      %swap3A = arith.index_cast %scan3A_56 : i32 to index
      %swap3A_58 = arith.constant 0 : index
      %swap3A_59 = tpu.vector_load %arg8[%swap3A, %swap3A_58] {strides = array<i32>} : memref<128x128xf32, #tpu.memory_space<vmem>>, vector<16xf32>,
      tpu.vector_store %arg8[%swap3A, %swap3A_58], %broadcast_in_dim3A_1 {strides = array<i32>} : memref<128x128xf32, #tpu.memory_space<vmem>>, vector<16xf32>,
      %swap3A_60 = arith.index_cast %scan3A_56 : i32 to index
      %swap3A_61 = arith.constant 16 : index
      %swap3A_62 = tpu.vector_load %arg8[%swap3A_60, %swap3A_61] {strides = array<i32>} : memref<128x128xf32, #tpu.memory_space<vmem>>, vector<16xf32>,
      tpu.vector_store %arg8[%swap3A_60, %swap3A_61], %broadcast_in_dim3A_1 {strides = array<i32>} : memref<128x128xf32, #tpu.memory_space<vmem>>, vector<16xf32>,
      %swap3A_63 = arith.index_cast %scan3A_56 : i32 to index
      %swap3A_64 = arith.constant 32 : index
      %swap3A_65 = tpu.vector_load %arg8[%swap3A_63, %swap3A_64] {strides = array<i32>} : memref<128x128xf32, #tpu.memory_space<vmem>>, vector<16xf32>,
      tpu.vector_store %arg8[%swap3A_63, %swap3A_64], %broadcast_in_dim3A_1 {strides = array<i32>} : memref<128x128xf32, #tpu.memory_space<vmem>>, vector<16xf32>,
      %swap3A_66 = arith.index_cast %scan3A_56 : i32 to index
      %swap3A_67 = arith.constant 48 : index
      %swap3A_68 = tpu.vector_load %arg8[%swap3A_66, %swap3A_67] {strides = array<i32>} : memref<128x128xf32, #tpu.memory_space<vmem>>, vector<16xf32>,
      tpu.vector_store %arg8[%swap3A_66, %swap3A_67], %broadcast_in_dim3A_1 {strides = array<i32>} : memref<128x128xf32, #tpu.memory_space<vmem>>, vector<16xf32>,
      %swap3A_69 = arith.index_cast %scan3A_56 : i32 to index
      %swap3A_70 = arith.constant 64 : index
      %swap3A_71 = tpu.vector_load %arg8[%swap3A_69, %swap3A_70] {strides = array<i32>} : memref<128x128xf32, #tpu.memory_space<vmem>>, vector<16xf32>,
      tpu.vector_store %arg8[%swap3A_69, %swap3A_70], %broadcast_in_dim3A_1 {strides = array<i32>} : memref<128x128xf32, #tpu.memory_space<vmem>>, vector<16xf32>,
      %swap3A_72 = arith.index_cast %scan3A_56 : i32 to index
      %swap3A_73 = arith.constant 80 : index
      %swap3A_74 = tpu.vector_load %arg8[%swap3A_72, %swap3A_73] {strides = array<i32>} : memref<128x128xf32, #tpu.memory_space<vmem>>, vector<16xf32>,
      tpu.vector_store %arg8[%swap3A_72, %swap3A_73], %broadcast_in_dim3A_1 {strides = array<i32>} : memref<128x128xf32, #tpu.memory_space<vmem>>, vector<16xf32>,
      %swap3A_75 = arith.index_cast %scan3A_56 : i32 to index
      %swap3A_76 = arith.constant 96 : index
      %swap3A_77 = tpu.vector_load %arg8[%swap3A_75, %swap3A_76] {strides = array<i32>} : memref<128x128xf32, #tpu.memory_space<vmem>>, vector<16xf32>,
      tpu.vector_store %arg8[%swap3A_75, %swap3A_76], %broadcast_in_dim3A_1 {strides = array<i32>} : memref<128x128xf32, #tpu.memory_space<vmem>>, vector<16xf32>,
      %swap3A_78 = arith.index_cast %scan3A_56 : i32 to index
      %swap3A_79 = arith.constant 112 : index
      %swap3A_80 = tpu.vector_load %arg8[%swap3A_78, %swap3A_79] {strides = array<i32>} : memref<128x128xf32, #tpu.memory_space<vmem>>, vector<16xf32>,
      tpu.vector_store %arg8[%swap3A_78, %swap3A_79], %broadcast_in_dim3A_1 {strides = array<i32>} : memref<128x128xf32, #tpu.memory_space<vmem>>, vector<16xf32>,
      %scan3A_81 = arith.constant 0 : i32
      scf.yield %scan3A_81 : i32
    }
    %scan3A_7 = arith.constant 128 : i32
    %mul3A_8 = arith.constant 640 : i32
    %mul3A_9 = arith.muli %arg1, %mul3A_8 : i32
    %add3A_10 = arith.constant 0 : i32
    %add3A_11 = arith.addi %mul3A_9, %add3A_10 : i32
    "tpu.region"() ({
      %run_scoped3A = tpu.sem_alloc : memref<!tpu.dma_semaphore, #tpu.memory_space<semaphore_mem>>
      %dma_start3A = arith.constant 0 : i32
      %dma_start3A_56 = tpu.memref_slice %arg10[%add3A_11, %dma_start3A] : memref<10240x128xf32, #tpu.memory_space<vmem_shared>> -> memref<128x128xf32, #tpu.memory_space<vmem_shared>>
      %dma_start3A_57 = arith.constant 0 : i32
      %dma_start3A_58 = tpu.memref_slice %arg10[%add3A_11, %dma_start3A_57] : memref<10240x128xf32, #tpu.memory_space<vmem_shared>> -> memref<128x128xf32, #tpu.memory_space<vmem_shared>>
      tpu.enqueue_dma source(%arg8 : memref<128x128xf32, #tpu.memory_space<vmem>>) target(%dma_start3A_58 : memref<128x128xf32, #tpu.memory_space<vmem_shared>>) target_semaphore(%run_scoped3A : memref<!tpu.dma_semaphore, #tpu.memory_space<semaphore_mem>>)
      %dma_wait3A = arith.constant 0 : i32
      %dma_wait3A_59 = tpu.memref_slice %arg10[%add3A_11, %dma_wait3A] : memref<10240x128xf32, #tpu.memory_space<vmem_shared>> -> memref<128x128xf32, #tpu.memory_space<vmem_shared>>
      %dma_wait3A_60 = arith.constant 0 : i32
      %dma_wait3A_61 = tpu.memref_slice %arg10[%add3A_11, %dma_wait3A_60] : memref<10240x128xf32, #tpu.memory_space<vmem_shared>> -> memref<128x128xf32, #tpu.memory_space<vmem_shared>>
      tpu.wait_dma2 semaphore(%run_scoped3A : memref<!tpu.dma_semaphore, #tpu.memory_space<semaphore_mem>>) src(%arg8 : memref<128x128xf32, #tpu.memory_space<vmem>>) dst(%dma_wait3A_61 : memref<128x128xf32, #tpu.memory_space<vmem_shared>>)
      tpu.yield
    }) : () -> ()
    %mul3A_12 = arith.constant 640 : i32
    %mul3A_13 = arith.muli %arg1, %mul3A_12 : i32
    %add3A_14 = arith.constant 128 : i32
    %add3A_15 = arith.addi %mul3A_13, %add3A_14 : i32
    "tpu.region"() ({
      %run_scoped3A = tpu.sem_alloc : memref<!tpu.dma_semaphore, #tpu.memory_space<semaphore_mem>>
      %dma_start3A = arith.constant 0 : i32
      %dma_start3A_56 = tpu.memref_slice %arg10[%add3A_15, %dma_start3A] : memref<10240x128xf32, #tpu.memory_space<vmem_shared>> -> memref<128x128xf32, #tpu.memory_space<vmem_shared>>
      %dma_start3A_57 = arith.constant 0 : i32
      %dma_start3A_58 = tpu.memref_slice %arg10[%add3A_15, %dma_start3A_57] : memref<10240x128xf32, #tpu.memory_space<vmem_shared>> -> memref<128x128xf32, #tpu.memory_space<vmem_shared>>
      tpu.enqueue_dma source(%arg8 : memref<128x128xf32, #tpu.memory_space<vmem>>) target(%dma_start3A_58 : memref<128x128xf32, #tpu.memory_space<vmem_shared>>) target_semaphore(%run_scoped3A : memref<!tpu.dma_semaphore, #tpu.memory_space<semaphore_mem>>)
      %dma_wait3A = arith.constant 0 : i32
      %dma_wait3A_59 = tpu.memref_slice %arg10[%add3A_15, %dma_wait3A] : memref<10240x128xf32, #tpu.memory_space<vmem_shared>> -> memref<128x128xf32, #tpu.memory_space<vmem_shared>>
      %dma_wait3A_60 = arith.constant 0 : i32
      %dma_wait3A_61 = tpu.memref_slice %arg10[%add3A_15, %dma_wait3A_60] : memref<10240x128xf32, #tpu.memory_space<vmem_shared>> -> memref<128x128xf32, #tpu.memory_space<vmem_shared>>
      tpu.wait_dma2 semaphore(%run_scoped3A : memref<!tpu.dma_semaphore, #tpu.memory_space<semaphore_mem>>) src(%arg8 : memref<128x128xf32, #tpu.memory_space<vmem>>) dst(%dma_wait3A_61 : memref<128x128xf32, #tpu.memory_space<vmem_shared>>)
      tpu.yield
    }) : () -> ()
    %mul3A_16 = arith.constant 640 : i32
    %mul3A_17 = arith.muli %arg1, %mul3A_16 : i32
    %add3A_18 = arith.constant 256 : i32
    %add3A_19 = arith.addi %mul3A_17, %add3A_18 : i32
    "tpu.region"() ({
      %run_scoped3A = tpu.sem_alloc : memref<!tpu.dma_semaphore, #tpu.memory_space<semaphore_mem>>
      %dma_start3A = arith.constant 0 : i32
      %dma_start3A_56 = tpu.memref_slice %arg10[%add3A_19, %dma_start3A] : memref<10240x128xf32, #tpu.memory_space<vmem_shared>> -> memref<128x128xf32, #tpu.memory_space<vmem_shared>>
      %dma_start3A_57 = arith.constant 0 : i32
      %dma_start3A_58 = tpu.memref_slice %arg10[%add3A_19, %dma_start3A_57] : memref<10240x128xf32, #tpu.memory_space<vmem_shared>> -> memref<128x128xf32, #tpu.memory_space<vmem_shared>>
      tpu.enqueue_dma source(%arg8 : memref<128x128xf32, #tpu.memory_space<vmem>>) target(%dma_start3A_58 : memref<128x128xf32, #tpu.memory_space<vmem_shared>>) target_semaphore(%run_scoped3A : memref<!tpu.dma_semaphore, #tpu.memory_space<semaphore_mem>>)
      %dma_wait3A = arith.constant 0 : i32
      %dma_wait3A_59 = tpu.memref_slice %arg10[%add3A_19, %dma_wait3A] : memref<10240x128xf32, #tpu.memory_space<vmem_shared>> -> memref<128x128xf32, #tpu.memory_space<vmem_shared>>
      %dma_wait3A_60 = arith.constant 0 : i32
      %dma_wait3A_61 = tpu.memref_slice %arg10[%add3A_19, %dma_wait3A_60] : memref<10240x128xf32, #tpu.memory_space<vmem_shared>> -> memref<128x128xf32, #tpu.memory_space<vmem_shared>>
      tpu.wait_dma2 semaphore(%run_scoped3A : memref<!tpu.dma_semaphore, #tpu.memory_space<semaphore_mem>>) src(%arg8 : memref<128x128xf32, #tpu.memory_space<vmem>>) dst(%dma_wait3A_61 : memref<128x128xf32, #tpu.memory_space<vmem_shared>>)
      tpu.yield
    }) : () -> ()
    %mul3A_20 = arith.constant 640 : i32
    %mul3A_21 = arith.muli %arg1, %mul3A_20 : i32
    %add3A_22 = arith.constant 384 : i32
    %add3A_23 = arith.addi %mul3A_21, %add3A_22 : i32
    "tpu.region"() ({
      %run_scoped3A = tpu.sem_alloc : memref<!tpu.dma_semaphore, #tpu.memory_space<semaphore_mem>>
      %dma_start3A = arith.constant 0 : i32
      %dma_start3A_56 = tpu.memref_slice %arg10[%add3A_23, %dma_start3A] : memref<10240x128xf32, #tpu.memory_space<vmem_shared>> -> memref<128x128xf32, #tpu.memory_space<vmem_shared>>
      %dma_start3A_57 = arith.constant 0 : i32
      %dma_start3A_58 = tpu.memref_slice %arg10[%add3A_23, %dma_start3A_57] : memref<10240x128xf32, #tpu.memory_space<vmem_shared>> -> memref<128x128xf32, #tpu.memory_space<vmem_shared>>
      tpu.enqueue_dma source(%arg8 : memref<128x128xf32, #tpu.memory_space<vmem>>) target(%dma_start3A_58 : memref<128x128xf32, #tpu.memory_space<vmem_shared>>) target_semaphore(%run_scoped3A : memref<!tpu.dma_semaphore, #tpu.memory_space<semaphore_mem>>)
      %dma_wait3A = arith.constant 0 : i32
      %dma_wait3A_59 = tpu.memref_slice %arg10[%add3A_23, %dma_wait3A] : memref<10240x128xf32, #tpu.memory_space<vmem_shared>> -> memref<128x128xf32, #tpu.memory_space<vmem_shared>>
      %dma_wait3A_60 = arith.constant 0 : i32
      %dma_wait3A_61 = tpu.memref_slice %arg10[%add3A_23, %dma_wait3A_60] : memref<10240x128xf32, #tpu.memory_space<vmem_shared>> -> memref<128x128xf32, #tpu.memory_space<vmem_shared>>
      tpu.wait_dma2 semaphore(%run_scoped3A : memref<!tpu.dma_semaphore, #tpu.memory_space<semaphore_mem>>) src(%arg8 : memref<128x128xf32, #tpu.memory_space<vmem>>) dst(%dma_wait3A_61 : memref<128x128xf32, #tpu.memory_space<vmem_shared>>)
      tpu.yield
    }) : () -> ()
    %mul3A_24 = arith.constant 640 : i32
    %mul3A_25 = arith.muli %arg1, %mul3A_24 : i32
    %add3A_26 = arith.constant 512 : i32
    %add3A_27 = arith.addi %mul3A_25, %add3A_26 : i32
    "tpu.region"() ({
      %run_scoped3A = tpu.sem_alloc : memref<!tpu.dma_semaphore, #tpu.memory_space<semaphore_mem>>
      %dma_start3A = arith.constant 0 : i32
      %dma_start3A_56 = tpu.memref_slice %arg10[%add3A_27, %dma_start3A] : memref<10240x128xf32, #tpu.memory_space<vmem_shared>> -> memref<128x128xf32, #tpu.memory_space<vmem_shared>>
      %dma_start3A_57 = arith.constant 0 : i32
      %dma_start3A_58 = tpu.memref_slice %arg10[%add3A_27, %dma_start3A_57] : memref<10240x128xf32, #tpu.memory_space<vmem_shared>> -> memref<128x128xf32, #tpu.memory_space<vmem_shared>>
      tpu.enqueue_dma source(%arg8 : memref<128x128xf32, #tpu.memory_space<vmem>>) target(%dma_start3A_58 : memref<128x128xf32, #tpu.memory_space<vmem_shared>>) target_semaphore(%run_scoped3A : memref<!tpu.dma_semaphore, #tpu.memory_space<semaphore_mem>>)
      %dma_wait3A = arith.constant 0 : i32
      %dma_wait3A_59 = tpu.memref_slice %arg10[%add3A_27, %dma_wait3A] : memref<10240x128xf32, #tpu.memory_space<vmem_shared>> -> memref<128x128xf32, #tpu.memory_space<vmem_shared>>
      %dma_wait3A_60 = arith.constant 0 : i32
      %dma_wait3A_61 = tpu.memref_slice %arg10[%add3A_27, %dma_wait3A_60] : memref<10240x128xf32, #tpu.memory_space<vmem_shared>> -> memref<128x128xf32, #tpu.memory_space<vmem_shared>>
      tpu.wait_dma2 semaphore(%run_scoped3A : memref<!tpu.dma_semaphore, #tpu.memory_space<semaphore_mem>>) src(%arg8 : memref<128x128xf32, #tpu.memory_space<vmem>>) dst(%dma_wait3A_61 : memref<128x128xf32, #tpu.memory_space<vmem_shared>>)
      tpu.yield
    }) : () -> ()
    %barrier3A = arith.constant 0 : index
    tpu.barrier barrier_id(%barrier3A)
    %scan3A_28 = arith.constant 0 : i32
    %scan3A_29 = arith.constant 0 : i32
    %scan3A_30 = arith.constant 80 : i32
    %scan3A_31 = arith.addi %scan3A_29, %scan3A_30 : i32
    %scan3A_32 = arith.constant 1 : i32
    %scan3A_33 = scf.for %scan3A_56 = %scan3A_29 to %scan3A_31 step %scan3A_32 iter_args(%scan3A_57 = %scan3A_28) -> (i32)  : i32 {
      %dma_start3A = arith.constant 0 : i32
      %dma_start3A_58 = tpu.memref_slice %arg6[%scan3A_56, %dma_start3A] : memref<80x128xi32, #tpu.memory_space<vmem>> -> memref<1x128xi32, #tpu.memory_space<vmem>>
      %dma_start3A_59 = tpu.memref_squeeze %dma_start3A_58 : memref<1x128xi32, #tpu.memory_space<vmem>> -> memref<128xi32, #tpu.memory_space<vmem>>
      %dma_start3A_60 = arith.constant 0 : i32
      %dma_start3A_61 = arith.constant 0 : i32
      %dma_start3A_62 = tpu.memref_slice %arg2[%dma_start3A_60, %dma_start3A_61] : memref<10000x128xf32, #tpu.memory_space<hbm>> -> memref<10000x128xf32, #tpu.memory_space<hbm>>
      tpu.enqueue_indirect_dma source(%dma_start3A_62 : memref<10000x128xf32, #tpu.memory_space<hbm>>) target(%arg8 : memref<128x128xf32, #tpu.memory_space<vmem>>) offsets(%dma_start3A_59 : memref<128xi32, #tpu.memory_space<vmem>>) semaphore(%arg9 : memref<!tpu.dma_semaphore, #tpu.memory_space<semaphore_mem>>)
      %dma_wait3A = arith.constant 0 : i32
      %dma_wait3A_63 = tpu.memref_slice %arg6[%scan3A_56, %dma_wait3A] : memref<80x128xi32, #tpu.memory_space<vmem>> -> memref<1x128xi32, #tpu.memory_space<vmem>>
      %dma_wait3A_64 = tpu.memref_squeeze %dma_wait3A_63 : memref<1x128xi32, #tpu.memory_space<vmem>> -> memref<128xi32, #tpu.memory_space<vmem>>
      %dma_wait3A_65 = arith.constant 0 : i32
      %dma_wait3A_66 = arith.constant 0 : i32
      %dma_wait3A_67 = tpu.memref_slice %arg2[%dma_wait3A_65, %dma_wait3A_66] : memref<10000x128xf32, #tpu.memory_space<hbm>> -> memref<10000x128xf32, #tpu.memory_space<hbm>>
      tpu.wait_indirect_dma semaphore(%arg9 : memref<!tpu.dma_semaphore, #tpu.memory_space<semaphore_mem>>) src(%dma_wait3A_67 : memref<10000x128xf32, #tpu.memory_space<hbm>>) dst(%arg8 : memref<128x128xf32, #tpu.memory_space<vmem>>)
      "tpu.region"() ({
        %run_scoped3A = tpu.sem_alloc : memref<!tpu.dma_semaphore, #tpu.memory_space<semaphore_mem>>
        %dma_start3A_69 = arith.constant 0 : i32
        %dma_start3A_70 = tpu.memref_slice %arg7[%scan3A_56, %dma_start3A_69] : memref<80x128xi32, #tpu.memory_space<vmem>> -> memref<1x128xi32, #tpu.memory_space<vmem>>
        %dma_start3A_71 = tpu.memref_squeeze %dma_start3A_70 : memref<1x128xi32, #tpu.memory_space<vmem>> -> memref<128xi32, #tpu.memory_space<vmem>>
        %dma_start3A_72 = arith.constant 0 : i32
        %dma_start3A_73 = arith.constant 0 : i32
        %dma_start3A_74 = tpu.memref_slice %arg10[%dma_start3A_72, %dma_start3A_73] : memref<10240x128xf32, #tpu.memory_space<vmem_shared>> -> memref<10240x128xf32, #tpu.memory_space<vmem_shared>>
        tpu.enqueue_indirect_dma source(%arg8 : memref<128x128xf32, #tpu.memory_space<vmem>>) target(%dma_start3A_74 : memref<10240x128xf32, #tpu.memory_space<vmem_shared>>) offsets(%dma_start3A_71 : memref<128xi32, #tpu.memory_space<vmem>>) semaphore(%run_scoped3A : memref<!tpu.dma_semaphore, #tpu.memory_space<semaphore_mem>>) {add = true}
        %dma_wait3A_75 = arith.constant 0 : i32
        %dma_wait3A_76 = tpu.memref_slice %arg7[%scan3A_56, %dma_wait3A_75] : memref<80x128xi32, #tpu.memory_space<vmem>> -> memref<1x128xi32, #tpu.memory_space<vmem>>
        %dma_wait3A_77 = tpu.memref_squeeze %dma_wait3A_76 : memref<1x128xi32, #tpu.memory_space<vmem>> -> memref<128xi32, #tpu.memory_space<vmem>>
        %dma_wait3A_78 = arith.constant 0 : i32
        %dma_wait3A_79 = arith.constant 0 : i32
        %dma_wait3A_80 = tpu.memref_slice %arg10[%dma_wait3A_78, %dma_wait3A_79] : memref<10240x128xf32, #tpu.memory_space<vmem_shared>> -> memref<10240x128xf32, #tpu.memory_space<vmem_shared>>
        tpu.wait_indirect_dma semaphore(%run_scoped3A : memref<!tpu.dma_semaphore, #tpu.memory_space<semaphore_mem>>) src(%arg8 : memref<128x128xf32, #tpu.memory_space<vmem>>) dst(%dma_wait3A_80 : memref<10240x128xf32, #tpu.memory_space<vmem_shared>>)
        tpu.yield
      }) : () -> ()
      %scan3A_68 = arith.constant 0 : i32
      scf.yield %scan3A_68 : i32
    }
    %scan3A_34 = arith.constant 80 : i32
    %barrier3A_35 = arith.constant 0 : index
    tpu.barrier barrier_id(%barrier3A_35)
    %mul3A_36 = arith.constant 640 : i32
    %mul3A_37 = arith.muli %arg1, %mul3A_36 : i32
    %add3A_38 = arith.constant 0 : i32
    %add3A_39 = arith.addi %mul3A_37, %add3A_38 : i32
    "tpu.region"() ({
      %run_scoped3A = tpu.sem_alloc : memref<!tpu.dma_semaphore, #tpu.memory_space<semaphore_mem>>
      %dma_start3A = arith.constant 0 : i32
      %dma_start3A_56 = tpu.memref_slice %arg10[%add3A_39, %dma_start3A] : memref<10240x128xf32, #tpu.memory_space<vmem_shared>> -> memref<128x128xf32, #tpu.memory_space<vmem_shared>>
      %dma_start3A_57 = arith.constant 0 : i32
      %dma_start3A_58 = tpu.memref_slice %arg10[%add3A_39, %dma_start3A_57] : memref<10240x128xf32, #tpu.memory_space<vmem_shared>> -> memref<128x128xf32, #tpu.memory_space<vmem_shared>>
      tpu.enqueue_dma source(%dma_start3A_58 : memref<128x128xf32, #tpu.memory_space<vmem_shared>>) target(%arg8 : memref<128x128xf32, #tpu.memory_space<vmem>>) target_semaphore(%run_scoped3A : memref<!tpu.dma_semaphore, #tpu.memory_space<semaphore_mem>>)
      %dma_wait3A = arith.constant 0 : i32
      %dma_wait3A_59 = tpu.memref_slice %arg10[%add3A_39, %dma_wait3A] : memref<10240x128xf32, #tpu.memory_space<vmem_shared>> -> memref<128x128xf32, #tpu.memory_space<vmem_shared>>
      %dma_wait3A_60 = arith.constant 0 : i32
      %dma_wait3A_61 = tpu.memref_slice %arg10[%add3A_39, %dma_wait3A_60] : memref<10240x128xf32, #tpu.memory_space<vmem_shared>> -> memref<128x128xf32, #tpu.memory_space<vmem_shared>>
      tpu.wait_dma2 semaphore(%run_scoped3A : memref<!tpu.dma_semaphore, #tpu.memory_space<semaphore_mem>>) src(%dma_wait3A_61 : memref<128x128xf32, #tpu.memory_space<vmem_shared>>) dst(%arg8 : memref<128x128xf32, #tpu.memory_space<vmem>>)
      tpu.yield
    }) : () -> ()
    "tpu.region"() ({
      %run_scoped3A = tpu.sem_alloc : memref<!tpu.dma_semaphore, #tpu.memory_space<semaphore_mem>>
      %dma_start3A = arith.constant 0 : i32
      %dma_start3A_56 = tpu.memref_slice %arg5[%arg0, %add3A_39, %dma_start3A] : memref<2x10240x128xf32, #tpu.memory_space<hbm>> -> memref<1x128x128xf32, #tpu.memory_space<hbm>>
      %dma_start3A_57 = tpu.memref_squeeze %dma_start3A_56 : memref<1x128x128xf32, #tpu.memory_space<hbm>> -> memref<128x128xf32, #tpu.memory_space<hbm>>
      %dma_start3A_58 = arith.constant 0 : i32
      %dma_start3A_59 = tpu.memref_slice %arg5[%arg0, %add3A_39, %dma_start3A_58] : memref<2x10240x128xf32, #tpu.memory_space<hbm>> -> memref<1x128x128xf32, #tpu.memory_space<hbm>>
      %dma_start3A_60 = tpu.memref_squeeze %dma_start3A_59 : memref<1x128x128xf32, #tpu.memory_space<hbm>> -> memref<128x128xf32, #tpu.memory_space<hbm>>
      tpu.enqueue_dma source(%arg8 : memref<128x128xf32, #tpu.memory_space<vmem>>) target(%dma_start3A_60 : memref<128x128xf32, #tpu.memory_space<hbm>>) target_semaphore(%run_scoped3A : memref<!tpu.dma_semaphore, #tpu.memory_space<semaphore_mem>>)
      %dma_wait3A = arith.constant 0 : i32
      %dma_wait3A_61 = tpu.memref_slice %arg5[%arg0, %add3A_39, %dma_wait3A] : memref<2x10240x128xf32, #tpu.memory_space<hbm>> -> memref<1x128x128xf32, #tpu.memory_space<hbm>>
      %dma_wait3A_62 = tpu.memref_squeeze %dma_wait3A_61 : memref<1x128x128xf32, #tpu.memory_space<hbm>> -> memref<128x128xf32, #tpu.memory_space<hbm>>
      %dma_wait3A_63 = arith.constant 0 : i32
      %dma_wait3A_64 = tpu.memref_slice %arg5[%arg0, %add3A_39, %dma_wait3A_63] : memref<2x10240x128xf32, #tpu.memory_space<hbm>> -> memref<1x128x128xf32, #tpu.memory_space<hbm>>
      %dma_wait3A_65 = tpu.memref_squeeze %dma_wait3A_64 : memref<1x128x128xf32, #tpu.memory_space<hbm>> -> memref<128x128xf32, #tpu.memory_space<hbm>>
      tpu.wait_dma2 semaphore(%run_scoped3A : memref<!tpu.dma_semaphore, #tpu.memory_space<semaphore_mem>>) src(%arg8 : memref<128x128xf32, #tpu.memory_space<vmem>>) dst(%dma_wait3A_65 : memref<128x128xf32, #tpu.memory_space<hbm>>)
      tpu.yield
    }) : () -> ()
    %mul3A_40 = arith.constant 640 : i32
    %mul3A_41 = arith.muli %arg1, %mul3A_40 : i32
    %add3A_42 = arith.constant 128 : i32
    %add3A_43 = arith.addi %mul3A_41, %add3A_42 : i32
    "tpu.region"() ({
      %run_scoped3A = tpu.sem_alloc : memref<!tpu.dma_semaphore, #tpu.memory_space<semaphore_mem>>
      %dma_start3A = arith.constant 0 : i32
      %dma_start3A_56 = tpu.memref_slice %arg10[%add3A_43, %dma_start3A] : memref<10240x128xf32, #tpu.memory_space<vmem_shared>> -> memref<128x128xf32, #tpu.memory_space<vmem_shared>>
      %dma_start3A_57 = arith.constant 0 : i32
      %dma_start3A_58 = tpu.memref_slice %arg10[%add3A_43, %dma_start3A_57] : memref<10240x128xf32, #tpu.memory_space<vmem_shared>> -> memref<128x128xf32, #tpu.memory_space<vmem_shared>>
      tpu.enqueue_dma source(%dma_start3A_58 : memref<128x128xf32, #tpu.memory_space<vmem_shared>>) target(%arg8 : memref<128x128xf32, #tpu.memory_space<vmem>>) target_semaphore(%run_scoped3A : memref<!tpu.dma_semaphore, #tpu.memory_space<semaphore_mem>>)
      %dma_wait3A = arith.constant 0 : i32
      %dma_wait3A_59 = tpu.memref_slice %arg10[%add3A_43, %dma_wait3A] : memref<10240x128xf32, #tpu.memory_space<vmem_shared>> -> memref<128x128xf32, #tpu.memory_space<vmem_shared>>
      %dma_wait3A_60 = arith.constant 0 : i32
      %dma_wait3A_61 = tpu.memref_slice %arg10[%add3A_43, %dma_wait3A_60] : memref<10240x128xf32, #tpu.memory_space<vmem_shared>> -> memref<128x128xf32, #tpu.memory_space<vmem_shared>>
      tpu.wait_dma2 semaphore(%run_scoped3A : memref<!tpu.dma_semaphore, #tpu.memory_space<semaphore_mem>>) src(%dma_wait3A_61 : memref<128x128xf32, #tpu.memory_space<vmem_shared>>) dst(%arg8 : memref<128x128xf32, #tpu.memory_space<vmem>>)
      tpu.yield
    }) : () -> ()
    "tpu.region"() ({
      %run_scoped3A = tpu.sem_alloc : memref<!tpu.dma_semaphore, #tpu.memory_space<semaphore_mem>>
      %dma_start3A = arith.constant 0 : i32
      %dma_start3A_56 = tpu.memref_slice %arg5[%arg0, %add3A_43, %dma_start3A] : memref<2x10240x128xf32, #tpu.memory_space<hbm>> -> memref<1x128x128xf32, #tpu.memory_space<hbm>>
      %dma_start3A_57 = tpu.memref_squeeze %dma_start3A_56 : memref<1x128x128xf32, #tpu.memory_space<hbm>> -> memref<128x128xf32, #tpu.memory_space<hbm>>
      %dma_start3A_58 = arith.constant 0 : i32
      %dma_start3A_59 = tpu.memref_slice %arg5[%arg0, %add3A_43, %dma_start3A_58] : memref<2x10240x128xf32, #tpu.memory_space<hbm>> -> memref<1x128x128xf32, #tpu.memory_space<hbm>>
      %dma_start3A_60 = tpu.memref_squeeze %dma_start3A_59 : memref<1x128x128xf32, #tpu.memory_space<hbm>> -> memref<128x128xf32, #tpu.memory_space<hbm>>
      tpu.enqueue_dma source(%arg8 : memref<128x128xf32, #tpu.memory_space<vmem>>) target(%dma_start3A_60 : memref<128x128xf32, #tpu.memory_space<hbm>>) target_semaphore(%run_scoped3A : memref<!tpu.dma_semaphore, #tpu.memory_space<semaphore_mem>>)
      %dma_wait3A = arith.constant 0 : i32
      %dma_wait3A_61 = tpu.memref_slice %arg5[%arg0, %add3A_43, %dma_wait3A] : memref<2x10240x128xf32, #tpu.memory_space<hbm>> -> memref<1x128x128xf32, #tpu.memory_space<hbm>>
      %dma_wait3A_62 = tpu.memref_squeeze %dma_wait3A_61 : memref<1x128x128xf32, #tpu.memory_space<hbm>> -> memref<128x128xf32, #tpu.memory_space<hbm>>
      %dma_wait3A_63 = arith.constant 0 : i32
      %dma_wait3A_64 = tpu.memref_slice %arg5[%arg0, %add3A_43, %dma_wait3A_63] : memref<2x10240x128xf32, #tpu.memory_space<hbm>> -> memref<1x128x128xf32, #tpu.memory_space<hbm>>
      %dma_wait3A_65 = tpu.memref_squeeze %dma_wait3A_64 : memref<1x128x128xf32, #tpu.memory_space<hbm>> -> memref<128x128xf32, #tpu.memory_space<hbm>>
      tpu.wait_dma2 semaphore(%run_scoped3A : memref<!tpu.dma_semaphore, #tpu.memory_space<semaphore_mem>>) src(%arg8 : memref<128x128xf32, #tpu.memory_space<vmem>>) dst(%dma_wait3A_65 : memref<128x128xf32, #tpu.memory_space<hbm>>)
      tpu.yield
    }) : () -> ()
    %mul3A_44 = arith.constant 640 : i32
    %mul3A_45 = arith.muli %arg1, %mul3A_44 : i32
    %add3A_46 = arith.constant 256 : i32
    %add3A_47 = arith.addi %mul3A_45, %add3A_46 : i32
    "tpu.region"() ({
      %run_scoped3A = tpu.sem_alloc : memref<!tpu.dma_semaphore, #tpu.memory_space<semaphore_mem>>
      %dma_start3A = arith.constant 0 : i32
      %dma_start3A_56 = tpu.memref_slice %arg10[%add3A_47, %dma_start3A] : memref<10240x128xf32, #tpu.memory_space<vmem_shared>> -> memref<128x128xf32, #tpu.memory_space<vmem_shared>>
      %dma_start3A_57 = arith.constant 0 : i32
      %dma_start3A_58 = tpu.memref_slice %arg10[%add3A_47, %dma_start3A_57] : memref<10240x128xf32, #tpu.memory_space<vmem_shared>> -> memref<128x128xf32, #tpu.memory_space<vmem_shared>>
      tpu.enqueue_dma source(%dma_start3A_58 : memref<128x128xf32, #tpu.memory_space<vmem_shared>>) target(%arg8 : memref<128x128xf32, #tpu.memory_space<vmem>>) target_semaphore(%run_scoped3A : memref<!tpu.dma_semaphore, #tpu.memory_space<semaphore_mem>>)
      %dma_wait3A = arith.constant 0 : i32
      %dma_wait3A_59 = tpu.memref_slice %arg10[%add3A_47, %dma_wait3A] : memref<10240x128xf32, #tpu.memory_space<vmem_shared>> -> memref<128x128xf32, #tpu.memory_space<vmem_shared>>
      %dma_wait3A_60 = arith.constant 0 : i32
      %dma_wait3A_61 = tpu.memref_slice %arg10[%add3A_47, %dma_wait3A_60] : memref<10240x128xf32, #tpu.memory_space<vmem_shared>> -> memref<128x128xf32, #tpu.memory_space<vmem_shared>>
      tpu.wait_dma2 semaphore(%run_scoped3A : memref<!tpu.dma_semaphore, #tpu.memory_space<semaphore_mem>>) src(%dma_wait3A_61 : memref<128x128xf32, #tpu.memory_space<vmem_shared>>) dst(%arg8 : memref<128x128xf32, #tpu.memory_space<vmem>>)
      tpu.yield
    }) : () -> ()
    "tpu.region"() ({
      %run_scoped3A = tpu.sem_alloc : memref<!tpu.dma_semaphore, #tpu.memory_space<semaphore_mem>>
      %dma_start3A = arith.constant 0 : i32
      %dma_start3A_56 = tpu.memref_slice %arg5[%arg0, %add3A_47, %dma_start3A] : memref<2x10240x128xf32, #tpu.memory_space<hbm>> -> memref<1x128x128xf32, #tpu.memory_space<hbm>>
      %dma_start3A_57 = tpu.memref_squeeze %dma_start3A_56 : memref<1x128x128xf32, #tpu.memory_space<hbm>> -> memref<128x128xf32, #tpu.memory_space<hbm>>
      %dma_start3A_58 = arith.constant 0 : i32
      %dma_start3A_59 = tpu.memref_slice %arg5[%arg0, %add3A_47, %dma_start3A_58] : memref<2x10240x128xf32, #tpu.memory_space<hbm>> -> memref<1x128x128xf32, #tpu.memory_space<hbm>>
      %dma_start3A_60 = tpu.memref_squeeze %dma_start3A_59 : memref<1x128x128xf32, #tpu.memory_space<hbm>> -> memref<128x128xf32, #tpu.memory_space<hbm>>
      tpu.enqueue_dma source(%arg8 : memref<128x128xf32, #tpu.memory_space<vmem>>) target(%dma_start3A_60 : memref<128x128xf32, #tpu.memory_space<hbm>>) target_semaphore(%run_scoped3A : memref<!tpu.dma_semaphore, #tpu.memory_space<semaphore_mem>>)
      %dma_wait3A = arith.constant 0 : i32
      %dma_wait3A_61 = tpu.memref_slice %arg5[%arg0, %add3A_47, %dma_wait3A] : memref<2x10240x128xf32, #tpu.memory_space<hbm>> -> memref<1x128x128xf32, #tpu.memory_space<hbm>>
      %dma_wait3A_62 = tpu.memref_squeeze %dma_wait3A_61 : memref<1x128x128xf32, #tpu.memory_space<hbm>> -> memref<128x128xf32, #tpu.memory_space<hbm>>
      %dma_wait3A_63 = arith.constant 0 : i32
      %dma_wait3A_64 = tpu.memref_slice %arg5[%arg0, %add3A_47, %dma_wait3A_63] : memref<2x10240x128xf32, #tpu.memory_space<hbm>> -> memref<1x128x128xf32, #tpu.memory_space<hbm>>
      %dma_wait3A_65 = tpu.memref_squeeze %dma_wait3A_64 : memref<1x128x128xf32, #tpu.memory_space<hbm>> -> memref<128x128xf32, #tpu.memory_space<hbm>>
      tpu.wait_dma2 semaphore(%run_scoped3A : memref<!tpu.dma_semaphore, #tpu.memory_space<semaphore_mem>>) src(%arg8 : memref<128x128xf32, #tpu.memory_space<vmem>>) dst(%dma_wait3A_65 : memref<128x128xf32, #tpu.memory_space<hbm>>)
      tpu.yield
    }) : () -> ()
    %mul3A_48 = arith.constant 640 : i32
    %mul3A_49 = arith.muli %arg1, %mul3A_48 : i32
    %add3A_50 = arith.constant 384 : i32
    %add3A_51 = arith.addi %mul3A_49, %add3A_50 : i32
    "tpu.region"() ({
      %run_scoped3A = tpu.sem_alloc : memref<!tpu.dma_semaphore, #tpu.memory_space<semaphore_mem>>
      %dma_start3A = arith.constant 0 : i32
      %dma_start3A_56 = tpu.memref_slice %arg10[%add3A_51, %dma_start3A] : memref<10240x128xf32, #tpu.memory_space<vmem_shared>> -> memref<128x128xf32, #tpu.memory_space<vmem_shared>>
      %dma_start3A_57 = arith.constant 0 : i32
      %dma_start3A_58 = tpu.memref_slice %arg10[%add3A_51, %dma_start3A_57] : memref<10240x128xf32, #tpu.memory_space<vmem_shared>> -> memref<128x128xf32, #tpu.memory_space<vmem_shared>>
      tpu.enqueue_dma source(%dma_start3A_58 : memref<128x128xf32, #tpu.memory_space<vmem_shared>>) target(%arg8 : memref<128x128xf32, #tpu.memory_space<vmem>>) target_semaphore(%run_scoped3A : memref<!tpu.dma_semaphore, #tpu.memory_space<semaphore_mem>>)
      %dma_wait3A = arith.constant 0 : i32
      %dma_wait3A_59 = tpu.memref_slice %arg10[%add3A_51, %dma_wait3A] : memref<10240x128xf32, #tpu.memory_space<vmem_shared>> -> memref<128x128xf32, #tpu.memory_space<vmem_shared>>
      %dma_wait3A_60 = arith.constant 0 : i32
      %dma_wait3A_61 = tpu.memref_slice %arg10[%add3A_51, %dma_wait3A_60] : memref<10240x128xf32, #tpu.memory_space<vmem_shared>> -> memref<128x128xf32, #tpu.memory_space<vmem_shared>>
      tpu.wait_dma2 semaphore(%run_scoped3A : memref<!tpu.dma_semaphore, #tpu.memory_space<semaphore_mem>>) src(%dma_wait3A_61 : memref<128x128xf32, #tpu.memory_space<vmem_shared>>) dst(%arg8 : memref<128x128xf32, #tpu.memory_space<vmem>>)
      tpu.yield
    }) : () -> ()
    "tpu.region"() ({
      %run_scoped3A = tpu.sem_alloc : memref<!tpu.dma_semaphore, #tpu.memory_space<semaphore_mem>>
      %dma_start3A = arith.constant 0 : i32
      %dma_start3A_56 = tpu.memref_slice %arg5[%arg0, %add3A_51, %dma_start3A] : memref<2x10240x128xf32, #tpu.memory_space<hbm>> -> memref<1x128x128xf32, #tpu.memory_space<hbm>>
      %dma_start3A_57 = tpu.memref_squeeze %dma_start3A_56 : memref<1x128x128xf32, #tpu.memory_space<hbm>> -> memref<128x128xf32, #tpu.memory_space<hbm>>
      %dma_start3A_58 = arith.constant 0 : i32
      %dma_start3A_59 = tpu.memref_slice %arg5[%arg0, %add3A_51, %dma_start3A_58] : memref<2x10240x128xf32, #tpu.memory_space<hbm>> -> memref<1x128x128xf32, #tpu.memory_space<hbm>>
      %dma_start3A_60 = tpu.memref_squeeze %dma_start3A_59 : memref<1x128x128xf32, #tpu.memory_space<hbm>> -> memref<128x128xf32, #tpu.memory_space<hbm>>
      tpu.enqueue_dma source(%arg8 : memref<128x128xf32, #tpu.memory_space<vmem>>) target(%dma_start3A_60 : memref<128x128xf32, #tpu.memory_space<hbm>>) target_semaphore(%run_scoped3A : memref<!tpu.dma_semaphore, #tpu.memory_space<semaphore_mem>>)
      %dma_wait3A = arith.constant 0 : i32
      %dma_wait3A_61 = tpu.memref_slice %arg5[%arg0, %add3A_51, %dma_wait3A] : memref<2x10240x128xf32, #tpu.memory_space<hbm>> -> memref<1x128x128xf32, #tpu.memory_space<hbm>>
      %dma_wait3A_62 = tpu.memref_squeeze %dma_wait3A_61 : memref<1x128x128xf32, #tpu.memory_space<hbm>> -> memref<128x128xf32, #tpu.memory_space<hbm>>
      %dma_wait3A_63 = arith.constant 0 : i32
      %dma_wait3A_64 = tpu.memref_slice %arg5[%arg0, %add3A_51, %dma_wait3A_63] : memref<2x10240x128xf32, #tpu.memory_space<hbm>> -> memref<1x128x128xf32, #tpu.memory_space<hbm>>
      %dma_wait3A_65 = tpu.memref_squeeze %dma_wait3A_64 : memref<1x128x128xf32, #tpu.memory_space<hbm>> -> memref<128x128xf32, #tpu.memory_space<hbm>>
      tpu.wait_dma2 semaphore(%run_scoped3A : memref<!tpu.dma_semaphore, #tpu.memory_space<semaphore_mem>>) src(%arg8 : memref<128x128xf32, #tpu.memory_space<vmem>>) dst(%dma_wait3A_65 : memref<128x128xf32, #tpu.memory_space<hbm>>)
      tpu.yield
    }) : () -> ()
    %mul3A_52 = arith.constant 640 : i32
    %mul3A_53 = arith.muli %arg1, %mul3A_52 : i32
    %add3A_54 = arith.constant 512 : i32
    %add3A_55 = arith.addi %mul3A_53, %add3A_54 : i32
    "tpu.region"() ({
      %run_scoped3A = tpu.sem_alloc : memref<!tpu.dma_semaphore, #tpu.memory_space<semaphore_mem>>
      %dma_start3A = arith.constant 0 : i32
      %dma_start3A_56 = tpu.memref_slice %arg10[%add3A_55, %dma_start3A] : memref<10240x128xf32, #tpu.memory_space<vmem_shared>> -> memref<128x128xf32, #tpu.memory_space<vmem_shared>>
      %dma_start3A_57 = arith.constant 0 : i32
      %dma_start3A_58 = tpu.memref_slice %arg10[%add3A_55, %dma_start3A_57] : memref<10240x128xf32, #tpu.memory_space<vmem_shared>> -> memref<128x128xf32, #tpu.memory_space<vmem_shared>>
      tpu.enqueue_dma source(%dma_start3A_58 : memref<128x128xf32, #tpu.memory_space<vmem_shared>>) target(%arg8 : memref<128x128xf32, #tpu.memory_space<vmem>>) target_semaphore(%run_scoped3A : memref<!tpu.dma_semaphore, #tpu.memory_space<semaphore_mem>>)
      %dma_wait3A = arith.constant 0 : i32
      %dma_wait3A_59 = tpu.memref_slice %arg10[%add3A_55, %dma_wait3A] : memref<10240x128xf32, #tpu.memory_space<vmem_shared>> -> memref<128x128xf32, #tpu.memory_space<vmem_shared>>
      %dma_wait3A_60 = arith.constant 0 : i32
      %dma_wait3A_61 = tpu.memref_slice %arg10[%add3A_55, %dma_wait3A_60] : memref<10240x128xf32, #tpu.memory_space<vmem_shared>> -> memref<128x128xf32, #tpu.memory_space<vmem_shared>>
      tpu.wait_dma2 semaphore(%run_scoped3A : memref<!tpu.dma_semaphore, #tpu.memory_space<semaphore_mem>>) src(%dma_wait3A_61 : memref<128x128xf32, #tpu.memory_space<vmem_shared>>) dst(%arg8 : memref<128x128xf32, #tpu.memory_space<vmem>>)
      tpu.yield
    }) : () -> ()
    "tpu.region"() ({
      %run_scoped3A = tpu.sem_alloc : memref<!tpu.dma_semaphore, #tpu.memory_space<semaphore_mem>>
      %dma_start3A = arith.constant 0 : i32
      %dma_start3A_56 = tpu.memref_slice %arg5[%arg0, %add3A_55, %dma_start3A] : memref<2x10240x128xf32, #tpu.memory_space<hbm>> -> memref<1x128x128xf32, #tpu.memory_space<hbm>>
      %dma_start3A_57 = tpu.memref_squeeze %dma_start3A_56 : memref<1x128x128xf32, #tpu.memory_space<hbm>> -> memref<128x128xf32, #tpu.memory_space<hbm>>
      %dma_start3A_58 = arith.constant 0 : i32
      %dma_start3A_59 = tpu.memref_slice %arg5[%arg0, %add3A_55, %dma_start3A_58] : memref<2x10240x128xf32, #tpu.memory_space<hbm>> -> memref<1x128x128xf32, #tpu.memory_space<hbm>>
      %dma_start3A_60 = tpu.memref_squeeze %dma_start3A_59 : memref<1x128x128xf32, #tpu.memory_space<hbm>> -> memref<128x128xf32, #tpu.memory_space<hbm>>
      tpu.enqueue_dma source(%arg8 : memref<128x128xf32, #tpu.memory_space<vmem>>) target(%dma_start3A_60 : memref<128x128xf32, #tpu.memory_space<hbm>>) target_semaphore(%run_scoped3A : memref<!tpu.dma_semaphore, #tpu.memory_space<semaphore_mem>>)
      %dma_wait3A = arith.constant 0 : i32
      %dma_wait3A_61 = tpu.memref_slice %arg5[%arg0, %add3A_55, %dma_wait3A] : memref<2x10240x128xf32, #tpu.memory_space<hbm>> -> memref<1x128x128xf32, #tpu.memory_space<hbm>>
      %dma_wait3A_62 = tpu.memref_squeeze %dma_wait3A_61 : memref<1x128x128xf32, #tpu.memory_space<hbm>> -> memref<128x128xf32, #tpu.memory_space<hbm>>
      %dma_wait3A_63 = arith.constant 0 : i32
      %dma_wait3A_64 = tpu.memref_slice %arg5[%arg0, %add3A_55, %dma_wait3A_63] : memref<2x10240x128xf32, #tpu.memory_space<hbm>> -> memref<1x128x128xf32, #tpu.memory_space<hbm>>
      %dma_wait3A_65 = tpu.memref_squeeze %dma_wait3A_64 : memref<1x128x128xf32, #tpu.memory_space<hbm>> -> memref<128x128xf32, #tpu.memory_space<hbm>>
      tpu.wait_dma2 semaphore(%run_scoped3A : memref<!tpu.dma_semaphore, #tpu.memory_space<semaphore_mem>>) src(%arg8 : memref<128x128xf32, #tpu.memory_space<vmem>>) dst(%dma_wait3A_65 : memref<128x128xf32, #tpu.memory_space<hbm>>)
      tpu.yield
    }) : () -> ()
    return
  }
}

#map = affine_map<(d0, d1) -> (0, 0)>
#map1 = affine_map<(d0, d1) -> (0, 0, 0)>
module attributes {stable_mosaic.version = 14 : i64} {
  func.func @_agg_body(%arg0: i32, %arg1: i32, %arg2: memref<10000x128xf32, #tpu.memory_space<hbm>>, %arg3: memref<32x80x128xi32, #tpu.memory_space<hbm>>, %arg4: memref<32x80x128xi32, #tpu.memory_space<hbm>>, %arg5: memref<2x10240x128xf32, #tpu.memory_space<hbm>>, %arg6: memref<80x128xi32, #tpu.memory_space<vmem>>, %arg7: memref<80x128xi32, #tpu.memory_space<vmem>>, %arg8: memref<128x128xf32, #tpu.memory_space<vmem>>, %arg9: memref<!tpu.dma_semaphore, #tpu.memory_space<semaphore_mem>>, %arg10: memref<10240x128xf32, #tpu.memory_space<vmem_shared>>) attributes {dimension_semantics = [#tpu.dimension_semantics<core_parallel>, #tpu.dimension_semantics<subcore_parallel>], iteration_bounds = array<i64: 2, 16>, scalar_prefetch = 0 : i64, scratch_operands = 5 : i64, tpu.core_type = #tpu.core_type<sc_vector_subcore>, window_params = [{transform_indices = #map}, {transform_indices = #map1}, {transform_indices = #map1}, {transform_indices = #map1}]} {
    %mul3A = arith.constant 16 : i32
    %mul3A_0 = arith.muli %arg0, %mul3A : i32
    %add3A = arith.addi %mul3A_0, %arg1 : i32
    "tpu.region"() ({
      %run_scoped3A = tpu.sem_alloc : memref<!tpu.dma_semaphore, #tpu.memory_space<semaphore_mem>>
      %dma_start3A = arith.constant 0 : i32
      %dma_start3A_56 = arith.constant 0 : i32
      %dma_start3A_57 = tpu.memref_slice %arg3[%add3A, %dma_start3A, %dma_start3A_56] : memref<32x80x128xi32, #tpu.memory_space<hbm>> -> memref<1x80x128xi32, #tpu.memory_space<hbm>>
      %dma_start3A_58 = tpu.memref_squeeze %dma_start3A_57 : memref<1x80x128xi32, #tpu.memory_space<hbm>> -> memref<80x128xi32, #tpu.memory_space<hbm>>
      %dma_start3A_59 = arith.constant 0 : i32
      %dma_start3A_60 = arith.constant 0 : i32
      %dma_start3A_61 = tpu.memref_slice %arg3[%add3A, %dma_start3A_59, %dma_start3A_60] : memref<32x80x128xi32, #tpu.memory_space<hbm>> -> memref<1x80x128xi32, #tpu.memory_space<hbm>>
      %dma_start3A_62 = tpu.memref_squeeze %dma_start3A_61 : memref<1x80x128xi32, #tpu.memory_space<hbm>> -> memref<80x128xi32, #tpu.memory_space<hbm>>
      tpu.enqueue_dma source(%dma_start3A_62 : memref<80x128xi32, #tpu.memory_space<hbm>>) target(%arg6 : memref<80x128xi32, #tpu.memory_space<vmem>>) target_semaphore(%run_scoped3A : memref<!tpu.dma_semaphore, #tpu.memory_space<semaphore_mem>>)
      %dma_wait3A = arith.constant 0 : i32
      %dma_wait3A_63 = arith.constant 0 : i32
      %dma_wait3A_64 = tpu.memref_slice %arg3[%add3A, %dma_wait3A, %dma_wait3A_63] : memref<32x80x128xi32, #tpu.memory_space<hbm>> -> memref<1x80x128xi32, #tpu.memory_space<hbm>>
      %dma_wait3A_65 = tpu.memref_squeeze %dma_wait3A_64 : memref<1x80x128xi32, #tpu.memory_space<hbm>> -> memref<80x128xi32, #tpu.memory_space<hbm>>
      %dma_wait3A_66 = arith.constant 0 : i32
      %dma_wait3A_67 = arith.constant 0 : i32
      %dma_wait3A_68 = tpu.memref_slice %arg3[%add3A, %dma_wait3A_66, %dma_wait3A_67] : memref<32x80x128xi32, #tpu.memory_space<hbm>> -> memref<1x80x128xi32, #tpu.memory_space<hbm>>
      %dma_wait3A_69 = tpu.memref_squeeze %dma_wait3A_68 : memref<1x80x128xi32, #tpu.memory_space<hbm>> -> memref<80x128xi32, #tpu.memory_space<hbm>>
      tpu.wait_dma2 semaphore(%run_scoped3A : memref<!tpu.dma_semaphore, #tpu.memory_space<semaphore_mem>>) src(%dma_wait3A_69 : memref<80x128xi32, #tpu.memory_space<hbm>>) dst(%arg6 : memref<80x128xi32, #tpu.memory_space<vmem>>)
      tpu.yield
    }) : () -> ()
    "tpu.region"() ({
      %run_scoped3A = tpu.sem_alloc : memref<!tpu.dma_semaphore, #tpu.memory_space<semaphore_mem>>
      %dma_start3A = arith.constant 0 : i32
      %dma_start3A_56 = arith.constant 0 : i32
      %dma_start3A_57 = tpu.memref_slice %arg4[%add3A, %dma_start3A, %dma_start3A_56] : memref<32x80x128xi32, #tpu.memory_space<hbm>> -> memref<1x80x128xi32, #tpu.memory_space<hbm>>
      %dma_start3A_58 = tpu.memref_squeeze %dma_start3A_57 : memref<1x80x128xi32, #tpu.memory_space<hbm>> -> memref<80x128xi32, #tpu.memory_space<hbm>>
      %dma_start3A_59 = arith.constant 0 : i32
      %dma_start3A_60 = arith.constant 0 : i32
      %dma_start3A_61 = tpu.memref_slice %arg4[%add3A, %dma_start3A_59, %dma_start3A_60] : memref<32x80x128xi32, #tpu.memory_space<hbm>> -> memref<1x80x128xi32, #tpu.memory_space<hbm>>
      %dma_start3A_62 = tpu.memref_squeeze %dma_start3A_61 : memref<1x80x128xi32, #tpu.memory_space<hbm>> -> memref<80x128xi32, #tpu.memory_space<hbm>>
      tpu.enqueue_dma source(%dma_start3A_62 : memref<80x128xi32, #tpu.memory_space<hbm>>) target(%arg7 : memref<80x128xi32, #tpu.memory_space<vmem>>) target_semaphore(%run_scoped3A : memref<!tpu.dma_semaphore, #tpu.memory_space<semaphore_mem>>)
      %dma_wait3A = arith.constant 0 : i32
      %dma_wait3A_63 = arith.constant 0 : i32
      %dma_wait3A_64 = tpu.memref_slice %arg4[%add3A, %dma_wait3A, %dma_wait3A_63] : memref<32x80x128xi32, #tpu.memory_space<hbm>> -> memref<1x80x128xi32, #tpu.memory_space<hbm>>
      %dma_wait3A_65 = tpu.memref_squeeze %dma_wait3A_64 : memref<1x80x128xi32, #tpu.memory_space<hbm>> -> memref<80x128xi32, #tpu.memory_space<hbm>>
      %dma_wait3A_66 = arith.constant 0 : i32
      %dma_wait3A_67 = arith.constant 0 : i32
      %dma_wait3A_68 = tpu.memref_slice %arg4[%add3A, %dma_wait3A_66, %dma_wait3A_67] : memref<32x80x128xi32, #tpu.memory_space<hbm>> -> memref<1x80x128xi32, #tpu.memory_space<hbm>>
      %dma_wait3A_69 = tpu.memref_squeeze %dma_wait3A_68 : memref<1x80x128xi32, #tpu.memory_space<hbm>> -> memref<80x128xi32, #tpu.memory_space<hbm>>
      tpu.wait_dma2 semaphore(%run_scoped3A : memref<!tpu.dma_semaphore, #tpu.memory_space<semaphore_mem>>) src(%dma_wait3A_69 : memref<80x128xi32, #tpu.memory_space<hbm>>) dst(%arg7 : memref<80x128xi32, #tpu.memory_space<vmem>>)
      tpu.yield
    }) : () -> ()
    %broadcast_in_dim3A = arith.constant 0.000000e+00 : f32
    %broadcast_in_dim3A_1 = vector.broadcast %broadcast_in_dim3A : f32 to vector<16xf32>
    %scan3A = arith.constant 0 : i32
    %scan3A_2 = arith.constant 0 : i32
    %scan3A_3 = arith.constant 128 : i32
    %scan3A_4 = arith.addi %scan3A_2, %scan3A_3 : i32
    %scan3A_5 = arith.constant 1 : i32
    %scan3A_6 = scf.for %scan3A_56 = %scan3A_2 to %scan3A_4 step %scan3A_5 iter_args(%scan3A_57 = %scan3A) -> (i32)  : i32 {
      %swap3A = arith.index_cast %scan3A_56 : i32 to index
      %swap3A_58 = arith.constant 0 : index
      %swap3A_59 = tpu.vector_load %arg8[%swap3A, %swap3A_58] {strides = array<i32>} : memref<128x128xf32, #tpu.memory_space<vmem>>, vector<16xf32>,
      tpu.vector_store %arg8[%swap3A, %swap3A_58], %broadcast_in_dim3A_1 {strides = array<i32>} : memref<128x128xf32, #tpu.memory_space<vmem>>, vector<16xf32>,
      %swap3A_60 = arith.index_cast %scan3A_56 : i32 to index
      %swap3A_61 = arith.constant 16 : index
      %swap3A_62 = tpu.vector_load %arg8[%swap3A_60, %swap3A_61] {strides = array<i32>} : memref<128x128xf32, #tpu.memory_space<vmem>>, vector<16xf32>,
      tpu.vector_store %arg8[%swap3A_60, %swap3A_61], %broadcast_in_dim3A_1 {strides = array<i32>} : memref<128x128xf32, #tpu.memory_space<vmem>>, vector<16xf32>,
      %swap3A_63 = arith.index_cast %scan3A_56 : i32 to index
      %swap3A_64 = arith.constant 32 : index
      %swap3A_65 = tpu.vector_load %arg8[%swap3A_63, %swap3A_64] {strides = array<i32>} : memref<128x128xf32, #tpu.memory_space<vmem>>, vector<16xf32>,
      tpu.vector_store %arg8[%swap3A_63, %swap3A_64], %broadcast_in_dim3A_1 {strides = array<i32>} : memref<128x128xf32, #tpu.memory_space<vmem>>, vector<16xf32>,
      %swap3A_66 = arith.index_cast %scan3A_56 : i32 to index
      %swap3A_67 = arith.constant 48 : index
      %swap3A_68 = tpu.vector_load %arg8[%swap3A_66, %swap3A_67] {strides = array<i32>} : memref<128x128xf32, #tpu.memory_space<vmem>>, vector<16xf32>,
      tpu.vector_store %arg8[%swap3A_66, %swap3A_67], %broadcast_in_dim3A_1 {strides = array<i32>} : memref<128x128xf32, #tpu.memory_space<vmem>>, vector<16xf32>,
      %swap3A_69 = arith.index_cast %scan3A_56 : i32 to index
      %swap3A_70 = arith.constant 64 : index
      %swap3A_71 = tpu.vector_load %arg8[%swap3A_69, %swap3A_70] {strides = array<i32>} : memref<128x128xf32, #tpu.memory_space<vmem>>, vector<16xf32>,
      tpu.vector_store %arg8[%swap3A_69, %swap3A_70], %broadcast_in_dim3A_1 {strides = array<i32>} : memref<128x128xf32, #tpu.memory_space<vmem>>, vector<16xf32>,
      %swap3A_72 = arith.index_cast %scan3A_56 : i32 to index
      %swap3A_73 = arith.constant 80 : index
      %swap3A_74 = tpu.vector_load %arg8[%swap3A_72, %swap3A_73] {strides = array<i32>} : memref<128x128xf32, #tpu.memory_space<vmem>>, vector<16xf32>,
      tpu.vector_store %arg8[%swap3A_72, %swap3A_73], %broadcast_in_dim3A_1 {strides = array<i32>} : memref<128x128xf32, #tpu.memory_space<vmem>>, vector<16xf32>,
      %swap3A_75 = arith.index_cast %scan3A_56 : i32 to index
      %swap3A_76 = arith.constant 96 : index
      %swap3A_77 = tpu.vector_load %arg8[%swap3A_75, %swap3A_76] {strides = array<i32>} : memref<128x128xf32, #tpu.memory_space<vmem>>, vector<16xf32>,
      tpu.vector_store %arg8[%swap3A_75, %swap3A_76], %broadcast_in_dim3A_1 {strides = array<i32>} : memref<128x128xf32, #tpu.memory_space<vmem>>, vector<16xf32>,
      %swap3A_78 = arith.index_cast %scan3A_56 : i32 to index
      %swap3A_79 = arith.constant 112 : index
      %swap3A_80 = tpu.vector_load %arg8[%swap3A_78, %swap3A_79] {strides = array<i32>} : memref<128x128xf32, #tpu.memory_space<vmem>>, vector<16xf32>,
      tpu.vector_store %arg8[%swap3A_78, %swap3A_79], %broadcast_in_dim3A_1 {strides = array<i32>} : memref<128x128xf32, #tpu.memory_space<vmem>>, vector<16xf32>,
      %scan3A_81 = arith.constant 0 : i32
      scf.yield %scan3A_81 : i32
    }
    %scan3A_7 = arith.constant 128 : i32
    %mul3A_8 = arith.constant 640 : i32
    %mul3A_9 = arith.muli %arg1, %mul3A_8 : i32
    %add3A_10 = arith.constant 0 : i32
    %add3A_11 = arith.addi %mul3A_9, %add3A_10 : i32
    "tpu.region"() ({
      %run_scoped3A = tpu.sem_alloc : memref<!tpu.dma_semaphore, #tpu.memory_space<semaphore_mem>>
      %dma_start3A = arith.constant 0 : i32
      %dma_start3A_56 = tpu.memref_slice %arg10[%add3A_11, %dma_start3A] : memref<10240x128xf32, #tpu.memory_space<vmem_shared>> -> memref<128x128xf32, #tpu.memory_space<vmem_shared>>
      %dma_start3A_57 = arith.constant 0 : i32
      %dma_start3A_58 = tpu.memref_slice %arg10[%add3A_11, %dma_start3A_57] : memref<10240x128xf32, #tpu.memory_space<vmem_shared>> -> memref<128x128xf32, #tpu.memory_space<vmem_shared>>
      tpu.enqueue_dma source(%arg8 : memref<128x128xf32, #tpu.memory_space<vmem>>) target(%dma_start3A_58 : memref<128x128xf32, #tpu.memory_space<vmem_shared>>) target_semaphore(%run_scoped3A : memref<!tpu.dma_semaphore, #tpu.memory_space<semaphore_mem>>)
      %dma_wait3A = arith.constant 0 : i32
      %dma_wait3A_59 = tpu.memref_slice %arg10[%add3A_11, %dma_wait3A] : memref<10240x128xf32, #tpu.memory_space<vmem_shared>> -> memref<128x128xf32, #tpu.memory_space<vmem_shared>>
      %dma_wait3A_60 = arith.constant 0 : i32
      %dma_wait3A_61 = tpu.memref_slice %arg10[%add3A_11, %dma_wait3A_60] : memref<10240x128xf32, #tpu.memory_space<vmem_shared>> -> memref<128x128xf32, #tpu.memory_space<vmem_shared>>
      tpu.wait_dma2 semaphore(%run_scoped3A : memref<!tpu.dma_semaphore, #tpu.memory_space<semaphore_mem>>) src(%arg8 : memref<128x128xf32, #tpu.memory_space<vmem>>) dst(%dma_wait3A_61 : memref<128x128xf32, #tpu.memory_space<vmem_shared>>)
      tpu.yield
    }) : () -> ()
    %mul3A_12 = arith.constant 640 : i32
    %mul3A_13 = arith.muli %arg1, %mul3A_12 : i32
    %add3A_14 = arith.constant 128 : i32
    %add3A_15 = arith.addi %mul3A_13, %add3A_14 : i32
    "tpu.region"() ({
      %run_scoped3A = tpu.sem_alloc : memref<!tpu.dma_semaphore, #tpu.memory_space<semaphore_mem>>
      %dma_start3A = arith.constant 0 : i32
      %dma_start3A_56 = tpu.memref_slice %arg10[%add3A_15, %dma_start3A] : memref<10240x128xf32, #tpu.memory_space<vmem_shared>> -> memref<128x128xf32, #tpu.memory_space<vmem_shared>>
      %dma_start3A_57 = arith.constant 0 : i32
      %dma_start3A_58 = tpu.memref_slice %arg10[%add3A_15, %dma_start3A_57] : memref<10240x128xf32, #tpu.memory_space<vmem_shared>> -> memref<128x128xf32, #tpu.memory_space<vmem_shared>>
      tpu.enqueue_dma source(%arg8 : memref<128x128xf32, #tpu.memory_space<vmem>>) target(%dma_start3A_58 : memref<128x128xf32, #tpu.memory_space<vmem_shared>>) target_semaphore(%run_scoped3A : memref<!tpu.dma_semaphore, #tpu.memory_space<semaphore_mem>>)
      %dma_wait3A = arith.constant 0 : i32
      %dma_wait3A_59 = tpu.memref_slice %arg10[%add3A_15, %dma_wait3A] : memref<10240x128xf32, #tpu.memory_space<vmem_shared>> -> memref<128x128xf32, #tpu.memory_space<vmem_shared>>
      %dma_wait3A_60 = arith.constant 0 : i32
      %dma_wait3A_61 = tpu.memref_slice %arg10[%add3A_15, %dma_wait3A_60] : memref<10240x128xf32, #tpu.memory_space<vmem_shared>> -> memref<128x128xf32, #tpu.memory_space<vmem_shared>>
      tpu.wait_dma2 semaphore(%run_scoped3A : memref<!tpu.dma_semaphore, #tpu.memory_space<semaphore_mem>>) src(%arg8 : memref<128x128xf32, #tpu.memory_space<vmem>>) dst(%dma_wait3A_61 : memref<128x128xf32, #tpu.memory_space<vmem_shared>>)
      tpu.yield
    }) : () -> ()
    %mul3A_16 = arith.constant 640 : i32
    %mul3A_17 = arith.muli %arg1, %mul3A_16 : i32
    %add3A_18 = arith.constant 256 : i32
    %add3A_19 = arith.addi %mul3A_17, %add3A_18 : i32
    "tpu.region"() ({
      %run_scoped3A = tpu.sem_alloc : memref<!tpu.dma_semaphore, #tpu.memory_space<semaphore_mem>>
      %dma_start3A = arith.constant 0 : i32
      %dma_start3A_56 = tpu.memref_slice %arg10[%add3A_19, %dma_start3A] : memref<10240x128xf32, #tpu.memory_space<vmem_shared>> -> memref<128x128xf32, #tpu.memory_space<vmem_shared>>
      %dma_start3A_57 = arith.constant 0 : i32
      %dma_start3A_58 = tpu.memref_slice %arg10[%add3A_19, %dma_start3A_57] : memref<10240x128xf32, #tpu.memory_space<vmem_shared>> -> memref<128x128xf32, #tpu.memory_space<vmem_shared>>
      tpu.enqueue_dma source(%arg8 : memref<128x128xf32, #tpu.memory_space<vmem>>) target(%dma_start3A_58 : memref<128x128xf32, #tpu.memory_space<vmem_shared>>) target_semaphore(%run_scoped3A : memref<!tpu.dma_semaphore, #tpu.memory_space<semaphore_mem>>)
      %dma_wait3A = arith.constant 0 : i32
      %dma_wait3A_59 = tpu.memref_slice %arg10[%add3A_19, %dma_wait3A] : memref<10240x128xf32, #tpu.memory_space<vmem_shared>> -> memref<128x128xf32, #tpu.memory_space<vmem_shared>>
      %dma_wait3A_60 = arith.constant 0 : i32
      %dma_wait3A_61 = tpu.memref_slice %arg10[%add3A_19, %dma_wait3A_60] : memref<10240x128xf32, #tpu.memory_space<vmem_shared>> -> memref<128x128xf32, #tpu.memory_space<vmem_shared>>
      tpu.wait_dma2 semaphore(%run_scoped3A : memref<!tpu.dma_semaphore, #tpu.memory_space<semaphore_mem>>) src(%arg8 : memref<128x128xf32, #tpu.memory_space<vmem>>) dst(%dma_wait3A_61 : memref<128x128xf32, #tpu.memory_space<vmem_shared>>)
      tpu.yield
    }) : () -> ()
    %mul3A_20 = arith.constant 640 : i32
    %mul3A_21 = arith.muli %arg1, %mul3A_20 : i32
    %add3A_22 = arith.constant 384 : i32
    %add3A_23 = arith.addi %mul3A_21, %add3A_22 : i32
    "tpu.region"() ({
      %run_scoped3A = tpu.sem_alloc : memref<!tpu.dma_semaphore, #tpu.memory_space<semaphore_mem>>
      %dma_start3A = arith.constant 0 : i32
      %dma_start3A_56 = tpu.memref_slice %arg10[%add3A_23, %dma_start3A] : memref<10240x128xf32, #tpu.memory_space<vmem_shared>> -> memref<128x128xf32, #tpu.memory_space<vmem_shared>>
      %dma_start3A_57 = arith.constant 0 : i32
      %dma_start3A_58 = tpu.memref_slice %arg10[%add3A_23, %dma_start3A_57] : memref<10240x128xf32, #tpu.memory_space<vmem_shared>> -> memref<128x128xf32, #tpu.memory_space<vmem_shared>>
      tpu.enqueue_dma source(%arg8 : memref<128x128xf32, #tpu.memory_space<vmem>>) target(%dma_start3A_58 : memref<128x128xf32, #tpu.memory_space<vmem_shared>>) target_semaphore(%run_scoped3A : memref<!tpu.dma_semaphore, #tpu.memory_space<semaphore_mem>>)
      %dma_wait3A = arith.constant 0 : i32
      %dma_wait3A_59 = tpu.memref_slice %arg10[%add3A_23, %dma_wait3A] : memref<10240x128xf32, #tpu.memory_space<vmem_shared>> -> memref<128x128xf32, #tpu.memory_space<vmem_shared>>
      %dma_wait3A_60 = arith.constant 0 : i32
      %dma_wait3A_61 = tpu.memref_slice %arg10[%add3A_23, %dma_wait3A_60] : memref<10240x128xf32, #tpu.memory_space<vmem_shared>> -> memref<128x128xf32, #tpu.memory_space<vmem_shared>>
      tpu.wait_dma2 semaphore(%run_scoped3A : memref<!tpu.dma_semaphore, #tpu.memory_space<semaphore_mem>>) src(%arg8 : memref<128x128xf32, #tpu.memory_space<vmem>>) dst(%dma_wait3A_61 : memref<128x128xf32, #tpu.memory_space<vmem_shared>>)
      tpu.yield
    }) : () -> ()
    %mul3A_24 = arith.constant 640 : i32
    %mul3A_25 = arith.muli %arg1, %mul3A_24 : i32
    %add3A_26 = arith.constant 512 : i32
    %add3A_27 = arith.addi %mul3A_25, %add3A_26 : i32
    "tpu.region"() ({
      %run_scoped3A = tpu.sem_alloc : memref<!tpu.dma_semaphore, #tpu.memory_space<semaphore_mem>>
      %dma_start3A = arith.constant 0 : i32
      %dma_start3A_56 = tpu.memref_slice %arg10[%add3A_27, %dma_start3A] : memref<10240x128xf32, #tpu.memory_space<vmem_shared>> -> memref<128x128xf32, #tpu.memory_space<vmem_shared>>
      %dma_start3A_57 = arith.constant 0 : i32
      %dma_start3A_58 = tpu.memref_slice %arg10[%add3A_27, %dma_start3A_57] : memref<10240x128xf32, #tpu.memory_space<vmem_shared>> -> memref<128x128xf32, #tpu.memory_space<vmem_shared>>
      tpu.enqueue_dma source(%arg8 : memref<128x128xf32, #tpu.memory_space<vmem>>) target(%dma_start3A_58 : memref<128x128xf32, #tpu.memory_space<vmem_shared>>) target_semaphore(%run_scoped3A : memref<!tpu.dma_semaphore, #tpu.memory_space<semaphore_mem>>)
      %dma_wait3A = arith.constant 0 : i32
      %dma_wait3A_59 = tpu.memref_slice %arg10[%add3A_27, %dma_wait3A] : memref<10240x128xf32, #tpu.memory_space<vmem_shared>> -> memref<128x128xf32, #tpu.memory_space<vmem_shared>>
      %dma_wait3A_60 = arith.constant 0 : i32
      %dma_wait3A_61 = tpu.memref_slice %arg10[%add3A_27, %dma_wait3A_60] : memref<10240x128xf32, #tpu.memory_space<vmem_shared>> -> memref<128x128xf32, #tpu.memory_space<vmem_shared>>
      tpu.wait_dma2 semaphore(%run_scoped3A : memref<!tpu.dma_semaphore, #tpu.memory_space<semaphore_mem>>) src(%arg8 : memref<128x128xf32, #tpu.memory_space<vmem>>) dst(%dma_wait3A_61 : memref<128x128xf32, #tpu.memory_space<vmem_shared>>)
      tpu.yield
    }) : () -> ()
    %barrier3A = arith.constant 0 : index
    tpu.barrier barrier_id(%barrier3A)
    %scan3A_28 = arith.constant 0 : i32
    %scan3A_29 = arith.constant 0 : i32
    %scan3A_30 = arith.constant 80 : i32
    %scan3A_31 = arith.addi %scan3A_29, %scan3A_30 : i32
    %scan3A_32 = arith.constant 1 : i32
    %scan3A_33 = scf.for %scan3A_56 = %scan3A_29 to %scan3A_31 step %scan3A_32 iter_args(%scan3A_57 = %scan3A_28) -> (i32)  : i32 {
      %dma_start3A = arith.constant 0 : i32
      %dma_start3A_58 = tpu.memref_slice %arg6[%scan3A_56, %dma_start3A] : memref<80x128xi32, #tpu.memory_space<vmem>> -> memref<1x128xi32, #tpu.memory_space<vmem>>
      %dma_start3A_59 = tpu.memref_squeeze %dma_start3A_58 : memref<1x128xi32, #tpu.memory_space<vmem>> -> memref<128xi32, #tpu.memory_space<vmem>>
      %dma_start3A_60 = arith.constant 0 : i32
      %dma_start3A_61 = arith.constant 0 : i32
      %dma_start3A_62 = tpu.memref_slice %arg2[%dma_start3A_60, %dma_start3A_61] : memref<10000x128xf32, #tpu.memory_space<hbm>> -> memref<10000x128xf32, #tpu.memory_space<hbm>>
      tpu.enqueue_indirect_dma source(%dma_start3A_62 : memref<10000x128xf32, #tpu.memory_space<hbm>>) target(%arg8 : memref<128x128xf32, #tpu.memory_space<vmem>>) offsets(%dma_start3A_59 : memref<128xi32, #tpu.memory_space<vmem>>) semaphore(%arg9 : memref<!tpu.dma_semaphore, #tpu.memory_space<semaphore_mem>>)
      %dma_wait3A = arith.constant 0 : i32
      %dma_wait3A_63 = tpu.memref_slice %arg6[%scan3A_56, %dma_wait3A] : memref<80x128xi32, #tpu.memory_space<vmem>> -> memref<1x128xi32, #tpu.memory_space<vmem>>
      %dma_wait3A_64 = tpu.memref_squeeze %dma_wait3A_63 : memref<1x128xi32, #tpu.memory_space<vmem>> -> memref<128xi32, #tpu.memory_space<vmem>>
      %dma_wait3A_65 = arith.constant 0 : i32
      %dma_wait3A_66 = arith.constant 0 : i32
      %dma_wait3A_67 = tpu.memref_slice %arg2[%dma_wait3A_65, %dma_wait3A_66] : memref<10000x128xf32, #tpu.memory_space<hbm>> -> memref<10000x128xf32, #tpu.memory_space<hbm>>
      tpu.wait_indirect_dma semaphore(%arg9 : memref<!tpu.dma_semaphore, #tpu.memory_space<semaphore_mem>>) src(%dma_wait3A_67 : memref<10000x128xf32, #tpu.memory_space<hbm>>) dst(%arg8 : memref<128x128xf32, #tpu.memory_space<vmem>>)
      "tpu.region"() ({
        %run_scoped3A = tpu.sem_alloc : memref<!tpu.dma_semaphore, #tpu.memory_space<semaphore_mem>>
        %dma_start3A_69 = arith.constant 0 : i32
        %dma_start3A_70 = tpu.memref_slice %arg7[%scan3A_56, %dma_start3A_69] : memref<80x128xi32, #tpu.memory_space<vmem>> -> memref<1x128xi32, #tpu.memory_space<vmem>>
        %dma_start3A_71 = tpu.memref_squeeze %dma_start3A_70 : memref<1x128xi32, #tpu.memory_space<vmem>> -> memref<128xi32, #tpu.memory_space<vmem>>
        %dma_start3A_72 = arith.constant 0 : i32
        %dma_start3A_73 = arith.constant 0 : i32
        %dma_start3A_74 = tpu.memref_slice %arg10[%dma_start3A_72, %dma_start3A_73] : memref<10240x128xf32, #tpu.memory_space<vmem_shared>> -> memref<10240x128xf32, #tpu.memory_space<vmem_shared>>
        tpu.enqueue_indirect_dma source(%arg8 : memref<128x128xf32, #tpu.memory_space<vmem>>) target(%dma_start3A_74 : memref<10240x128xf32, #tpu.memory_space<vmem_shared>>) offsets(%dma_start3A_71 : memref<128xi32, #tpu.memory_space<vmem>>) semaphore(%run_scoped3A : memref<!tpu.dma_semaphore, #tpu.memory_space<semaphore_mem>>) {add = true}
        %dma_wait3A_75 = arith.constant 0 : i32
        %dma_wait3A_76 = tpu.memref_slice %arg7[%scan3A_56, %dma_wait3A_75] : memref<80x128xi32, #tpu.memory_space<vmem>> -> memref<1x128xi32, #tpu.memory_space<vmem>>
        %dma_wait3A_77 = tpu.memref_squeeze %dma_wait3A_76 : memref<1x128xi32, #tpu.memory_space<vmem>> -> memref<128xi32, #tpu.memory_space<vmem>>
        %dma_wait3A_78 = arith.constant 0 : i32
        %dma_wait3A_79 = arith.constant 0 : i32
        %dma_wait3A_80 = tpu.memref_slice %arg10[%dma_wait3A_78, %dma_wait3A_79] : memref<10240x128xf32, #tpu.memory_space<vmem_shared>> -> memref<10240x128xf32, #tpu.memory_space<vmem_shared>>
        tpu.wait_indirect_dma semaphore(%run_scoped3A : memref<!tpu.dma_semaphore, #tpu.memory_space<semaphore_mem>>) src(%arg8 : memref<128x128xf32, #tpu.memory_space<vmem>>) dst(%dma_wait3A_80 : memref<10240x128xf32, #tpu.memory_space<vmem_shared>>)
        tpu.yield
      }) : () -> ()
      %scan3A_68 = arith.constant 0 : i32
      scf.yield %scan3A_68 : i32
    }
    %scan3A_34 = arith.constant 80 : i32
    %barrier3A_35 = arith.constant 0 : index
    tpu.barrier barrier_id(%barrier3A_35)
    %mul3A_36 = arith.constant 640 : i32
    %mul3A_37 = arith.muli %arg1, %mul3A_36 : i32
    %add3A_38 = arith.constant 0 : i32
    %add3A_39 = arith.addi %mul3A_37, %add3A_38 : i32
    "tpu.region"() ({
      %run_scoped3A = tpu.sem_alloc : memref<!tpu.dma_semaphore, #tpu.memory_space<semaphore_mem>>
      %dma_start3A = arith.constant 0 : i32
      %dma_start3A_56 = tpu.memref_slice %arg10[%add3A_39, %dma_start3A] : memref<10240x128xf32, #tpu.memory_space<vmem_shared>> -> memref<128x128xf32, #tpu.memory_space<vmem_shared>>
      %dma_start3A_57 = arith.constant 0 : i32
      %dma_start3A_58 = tpu.memref_slice %arg10[%add3A_39, %dma_start3A_57] : memref<10240x128xf32, #tpu.memory_space<vmem_shared>> -> memref<128x128xf32, #tpu.memory_space<vmem_shared>>
      tpu.enqueue_dma source(%dma_start3A_58 : memref<128x128xf32, #tpu.memory_space<vmem_shared>>) target(%arg8 : memref<128x128xf32, #tpu.memory_space<vmem>>) target_semaphore(%run_scoped3A : memref<!tpu.dma_semaphore, #tpu.memory_space<semaphore_mem>>)
      %dma_wait3A = arith.constant 0 : i32
      %dma_wait3A_59 = tpu.memref_slice %arg10[%add3A_39, %dma_wait3A] : memref<10240x128xf32, #tpu.memory_space<vmem_shared>> -> memref<128x128xf32, #tpu.memory_space<vmem_shared>>
      %dma_wait3A_60 = arith.constant 0 : i32
      %dma_wait3A_61 = tpu.memref_slice %arg10[%add3A_39, %dma_wait3A_60] : memref<10240x128xf32, #tpu.memory_space<vmem_shared>> -> memref<128x128xf32, #tpu.memory_space<vmem_shared>>
      tpu.wait_dma2 semaphore(%run_scoped3A : memref<!tpu.dma_semaphore, #tpu.memory_space<semaphore_mem>>) src(%dma_wait3A_61 : memref<128x128xf32, #tpu.memory_space<vmem_shared>>) dst(%arg8 : memref<128x128xf32, #tpu.memory_space<vmem>>)
      tpu.yield
    }) : () -> ()
    "tpu.region"() ({
      %run_scoped3A = tpu.sem_alloc : memref<!tpu.dma_semaphore, #tpu.memory_space<semaphore_mem>>
      %dma_start3A = arith.constant 0 : i32
      %dma_start3A_56 = tpu.memref_slice %arg5[%arg0, %add3A_39, %dma_start3A] : memref<2x10240x128xf32, #tpu.memory_space<hbm>> -> memref<1x128x128xf32, #tpu.memory_space<hbm>>
      %dma_start3A_57 = tpu.memref_squeeze %dma_start3A_56 : memref<1x128x128xf32, #tpu.memory_space<hbm>> -> memref<128x128xf32, #tpu.memory_space<hbm>>
      %dma_start3A_58 = arith.constant 0 : i32
      %dma_start3A_59 = tpu.memref_slice %arg5[%arg0, %add3A_39, %dma_start3A_58] : memref<2x10240x128xf32, #tpu.memory_space<hbm>> -> memref<1x128x128xf32, #tpu.memory_space<hbm>>
      %dma_start3A_60 = tpu.memref_squeeze %dma_start3A_59 : memref<1x128x128xf32, #tpu.memory_space<hbm>> -> memref<128x128xf32, #tpu.memory_space<hbm>>
      tpu.enqueue_dma source(%arg8 : memref<128x128xf32, #tpu.memory_space<vmem>>) target(%dma_start3A_60 : memref<128x128xf32, #tpu.memory_space<hbm>>) target_semaphore(%run_scoped3A : memref<!tpu.dma_semaphore, #tpu.memory_space<semaphore_mem>>)
      %dma_wait3A = arith.constant 0 : i32
      %dma_wait3A_61 = tpu.memref_slice %arg5[%arg0, %add3A_39, %dma_wait3A] : memref<2x10240x128xf32, #tpu.memory_space<hbm>> -> memref<1x128x128xf32, #tpu.memory_space<hbm>>
      %dma_wait3A_62 = tpu.memref_squeeze %dma_wait3A_61 : memref<1x128x128xf32, #tpu.memory_space<hbm>> -> memref<128x128xf32, #tpu.memory_space<hbm>>
      %dma_wait3A_63 = arith.constant 0 : i32
      %dma_wait3A_64 = tpu.memref_slice %arg5[%arg0, %add3A_39, %dma_wait3A_63] : memref<2x10240x128xf32, #tpu.memory_space<hbm>> -> memref<1x128x128xf32, #tpu.memory_space<hbm>>
      %dma_wait3A_65 = tpu.memref_squeeze %dma_wait3A_64 : memref<1x128x128xf32, #tpu.memory_space<hbm>> -> memref<128x128xf32, #tpu.memory_space<hbm>>
      tpu.wait_dma2 semaphore(%run_scoped3A : memref<!tpu.dma_semaphore, #tpu.memory_space<semaphore_mem>>) src(%arg8 : memref<128x128xf32, #tpu.memory_space<vmem>>) dst(%dma_wait3A_65 : memref<128x128xf32, #tpu.memory_space<hbm>>)
      tpu.yield
    }) : () -> ()
    %mul3A_40 = arith.constant 640 : i32
    %mul3A_41 = arith.muli %arg1, %mul3A_40 : i32
    %add3A_42 = arith.constant 128 : i32
    %add3A_43 = arith.addi %mul3A_41, %add3A_42 : i32
    "tpu.region"() ({
      %run_scoped3A = tpu.sem_alloc : memref<!tpu.dma_semaphore, #tpu.memory_space<semaphore_mem>>
      %dma_start3A = arith.constant 0 : i32
      %dma_start3A_56 = tpu.memref_slice %arg10[%add3A_43, %dma_start3A] : memref<10240x128xf32, #tpu.memory_space<vmem_shared>> -> memref<128x128xf32, #tpu.memory_space<vmem_shared>>
      %dma_start3A_57 = arith.constant 0 : i32
      %dma_start3A_58 = tpu.memref_slice %arg10[%add3A_43, %dma_start3A_57] : memref<10240x128xf32, #tpu.memory_space<vmem_shared>> -> memref<128x128xf32, #tpu.memory_space<vmem_shared>>
      tpu.enqueue_dma source(%dma_start3A_58 : memref<128x128xf32, #tpu.memory_space<vmem_shared>>) target(%arg8 : memref<128x128xf32, #tpu.memory_space<vmem>>) target_semaphore(%run_scoped3A : memref<!tpu.dma_semaphore, #tpu.memory_space<semaphore_mem>>)
      %dma_wait3A = arith.constant 0 : i32
      %dma_wait3A_59 = tpu.memref_slice %arg10[%add3A_43, %dma_wait3A] : memref<10240x128xf32, #tpu.memory_space<vmem_shared>> -> memref<128x128xf32, #tpu.memory_space<vmem_shared>>
      %dma_wait3A_60 = arith.constant 0 : i32
      %dma_wait3A_61 = tpu.memref_slice %arg10[%add3A_43, %dma_wait3A_60] : memref<10240x128xf32, #tpu.memory_space<vmem_shared>> -> memref<128x128xf32, #tpu.memory_space<vmem_shared>>
      tpu.wait_dma2 semaphore(%run_scoped3A : memref<!tpu.dma_semaphore, #tpu.memory_space<semaphore_mem>>) src(%dma_wait3A_61 : memref<128x128xf32, #tpu.memory_space<vmem_shared>>) dst(%arg8 : memref<128x128xf32, #tpu.memory_space<vmem>>)
      tpu.yield
    }) : () -> ()
    "tpu.region"() ({
      %run_scoped3A = tpu.sem_alloc : memref<!tpu.dma_semaphore, #tpu.memory_space<semaphore_mem>>
      %dma_start3A = arith.constant 0 : i32
      %dma_start3A_56 = tpu.memref_slice %arg5[%arg0, %add3A_43, %dma_start3A] : memref<2x10240x128xf32, #tpu.memory_space<hbm>> -> memref<1x128x128xf32, #tpu.memory_space<hbm>>
      %dma_start3A_57 = tpu.memref_squeeze %dma_start3A_56 : memref<1x128x128xf32, #tpu.memory_space<hbm>> -> memref<128x128xf32, #tpu.memory_space<hbm>>
      %dma_start3A_58 = arith.constant 0 : i32
      %dma_start3A_59 = tpu.memref_slice %arg5[%arg0, %add3A_43, %dma_start3A_58] : memref<2x10240x128xf32, #tpu.memory_space<hbm>> -> memref<1x128x128xf32, #tpu.memory_space<hbm>>
      %dma_start3A_60 = tpu.memref_squeeze %dma_start3A_59 : memref<1x128x128xf32, #tpu.memory_space<hbm>> -> memref<128x128xf32, #tpu.memory_space<hbm>>
      tpu.enqueue_dma source(%arg8 : memref<128x128xf32, #tpu.memory_space<vmem>>) target(%dma_start3A_60 : memref<128x128xf32, #tpu.memory_space<hbm>>) target_semaphore(%run_scoped3A : memref<!tpu.dma_semaphore, #tpu.memory_space<semaphore_mem>>)
      %dma_wait3A = arith.constant 0 : i32
      %dma_wait3A_61 = tpu.memref_slice %arg5[%arg0, %add3A_43, %dma_wait3A] : memref<2x10240x128xf32, #tpu.memory_space<hbm>> -> memref<1x128x128xf32, #tpu.memory_space<hbm>>
      %dma_wait3A_62 = tpu.memref_squeeze %dma_wait3A_61 : memref<1x128x128xf32, #tpu.memory_space<hbm>> -> memref<128x128xf32, #tpu.memory_space<hbm>>
      %dma_wait3A_63 = arith.constant 0 : i32
      %dma_wait3A_64 = tpu.memref_slice %arg5[%arg0, %add3A_43, %dma_wait3A_63] : memref<2x10240x128xf32, #tpu.memory_space<hbm>> -> memref<1x128x128xf32, #tpu.memory_space<hbm>>
      %dma_wait3A_65 = tpu.memref_squeeze %dma_wait3A_64 : memref<1x128x128xf32, #tpu.memory_space<hbm>> -> memref<128x128xf32, #tpu.memory_space<hbm>>
      tpu.wait_dma2 semaphore(%run_scoped3A : memref<!tpu.dma_semaphore, #tpu.memory_space<semaphore_mem>>) src(%arg8 : memref<128x128xf32, #tpu.memory_space<vmem>>) dst(%dma_wait3A_65 : memref<128x128xf32, #tpu.memory_space<hbm>>)
      tpu.yield
    }) : () -> ()
    %mul3A_44 = arith.constant 640 : i32
    %mul3A_45 = arith.muli %arg1, %mul3A_44 : i32
    %add3A_46 = arith.constant 256 : i32
    %add3A_47 = arith.addi %mul3A_45, %add3A_46 : i32
    "tpu.region"() ({
      %run_scoped3A = tpu.sem_alloc : memref<!tpu.dma_semaphore, #tpu.memory_space<semaphore_mem>>
      %dma_start3A = arith.constant 0 : i32
      %dma_start3A_56 = tpu.memref_slice %arg10[%add3A_47, %dma_start3A] : memref<10240x128xf32, #tpu.memory_space<vmem_shared>> -> memref<128x128xf32, #tpu.memory_space<vmem_shared>>
      %dma_start3A_57 = arith.constant 0 : i32
      %dma_start3A_58 = tpu.memref_slice %arg10[%add3A_47, %dma_start3A_57] : memref<10240x128xf32, #tpu.memory_space<vmem_shared>> -> memref<128x128xf32, #tpu.memory_space<vmem_shared>>
      tpu.enqueue_dma source(%dma_start3A_58 : memref<128x128xf32, #tpu.memory_space<vmem_shared>>) target(%arg8 : memref<128x128xf32, #tpu.memory_space<vmem>>) target_semaphore(%run_scoped3A : memref<!tpu.dma_semaphore, #tpu.memory_space<semaphore_mem>>)
      %dma_wait3A = arith.constant 0 : i32
      %dma_wait3A_59 = tpu.memref_slice %arg10[%add3A_47, %dma_wait3A] : memref<10240x128xf32, #tpu.memory_space<vmem_shared>> -> memref<128x128xf32, #tpu.memory_space<vmem_shared>>
      %dma_wait3A_60 = arith.constant 0 : i32
      %dma_wait3A_61 = tpu.memref_slice %arg10[%add3A_47, %dma_wait3A_60] : memref<10240x128xf32, #tpu.memory_space<vmem_shared>> -> memref<128x128xf32, #tpu.memory_space<vmem_shared>>
      tpu.wait_dma2 semaphore(%run_scoped3A : memref<!tpu.dma_semaphore, #tpu.memory_space<semaphore_mem>>) src(%dma_wait3A_61 : memref<128x128xf32, #tpu.memory_space<vmem_shared>>) dst(%arg8 : memref<128x128xf32, #tpu.memory_space<vmem>>)
      tpu.yield
    }) : () -> ()
    "tpu.region"() ({
      %run_scoped3A = tpu.sem_alloc : memref<!tpu.dma_semaphore, #tpu.memory_space<semaphore_mem>>
      %dma_start3A = arith.constant 0 : i32
      %dma_start3A_56 = tpu.memref_slice %arg5[%arg0, %add3A_47, %dma_start3A] : memref<2x10240x128xf32, #tpu.memory_space<hbm>> -> memref<1x128x128xf32, #tpu.memory_space<hbm>>
      %dma_start3A_57 = tpu.memref_squeeze %dma_start3A_56 : memref<1x128x128xf32, #tpu.memory_space<hbm>> -> memref<128x128xf32, #tpu.memory_space<hbm>>
      %dma_start3A_58 = arith.constant 0 : i32
      %dma_start3A_59 = tpu.memref_slice %arg5[%arg0, %add3A_47, %dma_start3A_58] : memref<2x10240x128xf32, #tpu.memory_space<hbm>> -> memref<1x128x128xf32, #tpu.memory_space<hbm>>
      %dma_start3A_60 = tpu.memref_squeeze %dma_start3A_59 : memref<1x128x128xf32, #tpu.memory_space<hbm>> -> memref<128x128xf32, #tpu.memory_space<hbm>>
      tpu.enqueue_dma source(%arg8 : memref<128x128xf32, #tpu.memory_space<vmem>>) target(%dma_start3A_60 : memref<128x128xf32, #tpu.memory_space<hbm>>) target_semaphore(%run_scoped3A : memref<!tpu.dma_semaphore, #tpu.memory_space<semaphore_mem>>)
      %dma_wait3A = arith.constant 0 : i32
      %dma_wait3A_61 = tpu.memref_slice %arg5[%arg0, %add3A_47, %dma_wait3A] : memref<2x10240x128xf32, #tpu.memory_space<hbm>> -> memref<1x128x128xf32, #tpu.memory_space<hbm>>
      %dma_wait3A_62 = tpu.memref_squeeze %dma_wait3A_61 : memref<1x128x128xf32, #tpu.memory_space<hbm>> -> memref<128x128xf32, #tpu.memory_space<hbm>>
      %dma_wait3A_63 = arith.constant 0 : i32
      %dma_wait3A_64 = tpu.memref_slice %arg5[%arg0, %add3A_47, %dma_wait3A_63] : memref<2x10240x128xf32, #tpu.memory_space<hbm>> -> memref<1x128x128xf32, #tpu.memory_space<hbm>>
      %dma_wait3A_65 = tpu.memref_squeeze %dma_wait3A_64 : memref<1x128x128xf32, #tpu.memory_space<hbm>> -> memref<128x128xf32, #tpu.memory_space<hbm>>
      tpu.wait_dma2 semaphore(%run_scoped3A : memref<!tpu.dma_semaphore, #tpu.memory_space<semaphore_mem>>) src(%arg8 : memref<128x128xf32, #tpu.memory_space<vmem>>) dst(%dma_wait3A_65 : memref<128x128xf32, #tpu.memory_space<hbm>>)
      tpu.yield
    }) : () -> ()
    %mul3A_48 = arith.constant 640 : i32
    %mul3A_49 = arith.muli %arg1, %mul3A_48 : i32
    %add3A_50 = arith.constant 384 : i32
    %add3A_51 = arith.addi %mul3A_49, %add3A_50 : i32
    "tpu.region"() ({
      %run_scoped3A = tpu.sem_alloc : memref<!tpu.dma_semaphore, #tpu.memory_space<semaphore_mem>>
      %dma_start3A = arith.constant 0 : i32
      %dma_start3A_56 = tpu.memref_slice %arg10[%add3A_51, %dma_start3A] : memref<10240x128xf32, #tpu.memory_space<vmem_shared>> -> memref<128x128xf32, #tpu.memory_space<vmem_shared>>
      %dma_start3A_57 = arith.constant 0 : i32
      %dma_start3A_58 = tpu.memref_slice %arg10[%add3A_51, %dma_start3A_57] : memref<10240x128xf32, #tpu.memory_space<vmem_shared>> -> memref<128x128xf32, #tpu.memory_space<vmem_shared>>
      tpu.enqueue_dma source(%dma_start3A_58 : memref<128x128xf32, #tpu.memory_space<vmem_shared>>) target(%arg8 : memref<128x128xf32, #tpu.memory_space<vmem>>) target_semaphore(%run_scoped3A : memref<!tpu.dma_semaphore, #tpu.memory_space<semaphore_mem>>)
      %dma_wait3A = arith.constant 0 : i32
      %dma_wait3A_59 = tpu.memref_slice %arg10[%add3A_51, %dma_wait3A] : memref<10240x128xf32, #tpu.memory_space<vmem_shared>> -> memref<128x128xf32, #tpu.memory_space<vmem_shared>>
      %dma_wait3A_60 = arith.constant 0 : i32
      %dma_wait3A_61 = tpu.memref_slice %arg10[%add3A_51, %dma_wait3A_60] : memref<10240x128xf32, #tpu.memory_space<vmem_shared>> -> memref<128x128xf32, #tpu.memory_space<vmem_shared>>
      tpu.wait_dma2 semaphore(%run_scoped3A : memref<!tpu.dma_semaphore, #tpu.memory_space<semaphore_mem>>) src(%dma_wait3A_61 : memref<128x128xf32, #tpu.memory_space<vmem_shared>>) dst(%arg8 : memref<128x128xf32, #tpu.memory_space<vmem>>)
      tpu.yield
    }) : () -> ()
    "tpu.region"() ({
      %run_scoped3A = tpu.sem_alloc : memref<!tpu.dma_semaphore, #tpu.memory_space<semaphore_mem>>
      %dma_start3A = arith.constant 0 : i32
      %dma_start3A_56 = tpu.memref_slice %arg5[%arg0, %add3A_51, %dma_start3A] : memref<2x10240x128xf32, #tpu.memory_space<hbm>> -> memref<1x128x128xf32, #tpu.memory_space<hbm>>
      %dma_start3A_57 = tpu.memref_squeeze %dma_start3A_56 : memref<1x128x128xf32, #tpu.memory_space<hbm>> -> memref<128x128xf32, #tpu.memory_space<hbm>>
      %dma_start3A_58 = arith.constant 0 : i32
      %dma_start3A_59 = tpu.memref_slice %arg5[%arg0, %add3A_51, %dma_start3A_58] : memref<2x10240x128xf32, #tpu.memory_space<hbm>> -> memref<1x128x128xf32, #tpu.memory_space<hbm>>
      %dma_start3A_60 = tpu.memref_squeeze %dma_start3A_59 : memref<1x128x128xf32, #tpu.memory_space<hbm>> -> memref<128x128xf32, #tpu.memory_space<hbm>>
      tpu.enqueue_dma source(%arg8 : memref<128x128xf32, #tpu.memory_space<vmem>>) target(%dma_start3A_60 : memref<128x128xf32, #tpu.memory_space<hbm>>) target_semaphore(%run_scoped3A : memref<!tpu.dma_semaphore, #tpu.memory_space<semaphore_mem>>)
      %dma_wait3A = arith.constant 0 : i32
      %dma_wait3A_61 = tpu.memref_slice %arg5[%arg0, %add3A_51, %dma_wait3A] : memref<2x10240x128xf32, #tpu.memory_space<hbm>> -> memref<1x128x128xf32, #tpu.memory_space<hbm>>
      %dma_wait3A_62 = tpu.memref_squeeze %dma_wait3A_61 : memref<1x128x128xf32, #tpu.memory_space<hbm>> -> memref<128x128xf32, #tpu.memory_space<hbm>>
      %dma_wait3A_63 = arith.constant 0 : i32
      %dma_wait3A_64 = tpu.memref_slice %arg5[%arg0, %add3A_51, %dma_wait3A_63] : memref<2x10240x128xf32, #tpu.memory_space<hbm>> -> memref<1x128x128xf32, #tpu.memory_space<hbm>>
      %dma_wait3A_65 = tpu.memref_squeeze %dma_wait3A_64 : memref<1x128x128xf32, #tpu.memory_space<hbm>> -> memref<128x128xf32, #tpu.memory_space<hbm>>
      tpu.wait_dma2 semaphore(%run_scoped3A : memref<!tpu.dma_semaphore, #tpu.memory_space<semaphore_mem>>) src(%arg8 : memref<128x128xf32, #tpu.memory_space<vmem>>) dst(%dma_wait3A_65 : memref<128x128xf32, #tpu.memory_space<hbm>>)
      tpu.yield
    }) : () -> ()
    %mul3A_52 = arith.constant 640 : i32
    %mul3A_53 = arith.muli %arg1, %mul3A_52 : i32
    %add3A_54 = arith.constant 512 : i32
    %add3A_55 = arith.addi %mul3A_53, %add3A_54 : i32
    "tpu.region"() ({
      %run_scoped3A = tpu.sem_alloc : memref<!tpu.dma_semaphore, #tpu.memory_space<semaphore_mem>>
      %dma_start3A = arith.constant 0 : i32
      %dma_start3A_56 = tpu.memref_slice %arg10[%add3A_55, %dma_start3A] : memref<10240x128xf32, #tpu.memory_space<vmem_shared>> -> memref<128x128xf32, #tpu.memory_space<vmem_shared>>
      %dma_start3A_57 = arith.constant 0 : i32
      %dma_start3A_58 = tpu.memref_slice %arg10[%add3A_55, %dma_start3A_57] : memref<10240x128xf32, #tpu.memory_space<vmem_shared>> -> memref<128x128xf32, #tpu.memory_space<vmem_shared>>
      tpu.enqueue_dma source(%dma_start3A_58 : memref<128x128xf32, #tpu.memory_space<vmem_shared>>) target(%arg8 : memref<128x128xf32, #tpu.memory_space<vmem>>) target_semaphore(%run_scoped3A : memref<!tpu.dma_semaphore, #tpu.memory_space<semaphore_mem>>)
      %dma_wait3A = arith.constant 0 : i32
      %dma_wait3A_59 = tpu.memref_slice %arg10[%add3A_55, %dma_wait3A] : memref<10240x128xf32, #tpu.memory_space<vmem_shared>> -> memref<128x128xf32, #tpu.memory_space<vmem_shared>>
      %dma_wait3A_60 = arith.constant 0 : i32
      %dma_wait3A_61 = tpu.memref_slice %arg10[%add3A_55, %dma_wait3A_60] : memref<10240x128xf32, #tpu.memory_space<vmem_shared>> -> memref<128x128xf32, #tpu.memory_space<vmem_shared>>
      tpu.wait_dma2 semaphore(%run_scoped3A : memref<!tpu.dma_semaphore, #tpu.memory_space<semaphore_mem>>) src(%dma_wait3A_61 : memref<128x128xf32, #tpu.memory_space<vmem_shared>>) dst(%arg8 : memref<128x128xf32, #tpu.memory_space<vmem>>)
      tpu.yield
    }) : () -> ()
    "tpu.region"() ({
      %run_scoped3A = tpu.sem_alloc : memref<!tpu.dma_semaphore, #tpu.memory_space<semaphore_mem>>
      %dma_start3A = arith.constant 0 : i32
      %dma_start3A_56 = tpu.memref_slice %arg5[%arg0, %add3A_55, %dma_start3A] : memref<2x10240x128xf32, #tpu.memory_space<hbm>> -> memref<1x128x128xf32, #tpu.memory_space<hbm>>
      %dma_start3A_57 = tpu.memref_squeeze %dma_start3A_56 : memref<1x128x128xf32, #tpu.memory_space<hbm>> -> memref<128x128xf32, #tpu.memory_space<hbm>>
      %dma_start3A_58 = arith.constant 0 : i32
      %dma_start3A_59 = tpu.memref_slice %arg5[%arg0, %add3A_55, %dma_start3A_58] : memref<2x10240x128xf32, #tpu.memory_space<hbm>> -> memref<1x128x128xf32, #tpu.memory_space<hbm>>
      %dma_start3A_60 = tpu.memref_squeeze %dma_start3A_59 : memref<1x128x128xf32, #tpu.memory_space<hbm>> -> memref<128x128xf32, #tpu.memory_space<hbm>>
      tpu.enqueue_dma source(%arg8 : memref<128x128xf32, #tpu.memory_space<vmem>>) target(%dma_start3A_60 : memref<128x128xf32, #tpu.memory_space<hbm>>) target_semaphore(%run_scoped3A : memref<!tpu.dma_semaphore, #tpu.memory_space<semaphore_mem>>)
      %dma_wait3A = arith.constant 0 : i32
      %dma_wait3A_61 = tpu.memref_slice %arg5[%arg0, %add3A_55, %dma_wait3A] : memref<2x10240x128xf32, #tpu.memory_space<hbm>> -> memref<1x128x128xf32, #tpu.memory_space<hbm>>
      %dma_wait3A_62 = tpu.memref_squeeze %dma_wait3A_61 : memref<1x128x128xf32, #tpu.memory_space<hbm>> -> memref<128x128xf32, #tpu.memory_space<hbm>>
      %dma_wait3A_63 = arith.constant 0 : i32
      %dma_wait3A_64 = tpu.memref_slice %arg5[%arg0, %add3A_55, %dma_wait3A_63] : memref<2x10240x128xf32, #tpu.memory_space<hbm>> -> memref<1x128x128xf32, #tpu.memory_space<hbm>>
      %dma_wait3A_65 = tpu.memref_squeeze %dma_wait3A_64 : memref<1x128x128xf32, #tpu.memory_space<hbm>> -> memref<128x128xf32, #tpu.memory_space<hbm>>
      tpu.wait_dma2 semaphore(%run_scoped3A : memref<!tpu.dma_semaphore, #tpu.memory_space<semaphore_mem>>) src(%arg8 : memref<128x128xf32, #tpu.memory_space<vmem>>) dst(%dma_wait3A_65 : memref<128x128xf32, #tpu.memory_space<hbm>>)
      tpu.yield
    }) : () -> ()
    return
  }
}

module attributes {stable_mosaic.version = 14 : i64} {
  func.func @_mm2_body(%arg0: i32, %arg1: memref<1000x128xf32, #tpu.memory_space<vmem>>, %arg2: memref<128x128xf32, #tpu.memory_space<vmem>>, %arg3: memref<1x128xf32, #tpu.memory_space<vmem>>, %arg4: memref<128x128xf32, #tpu.memory_space<vmem>>, %arg5: memref<1x128xf32, #tpu.memory_space<vmem>>, %arg6: memref<2x1000x1xf32, #tpu.memory_space<vmem>>, %arg7: memref<1000x128xf32, #tpu.memory_space<vmem>>, %arg8: memref<1000x1xf32, #tpu.memory_space<vmem>>, %arg9: memref<1000x128xf32, #tpu.memory_space<vmem>>) attributes {dimension_semantics = [#tpu.dimension_semantics<arbitrary>], iteration_bounds = array<i64: 10>, scalar_prefetch = 0 : i64, scratch_operands = 0 : i64, tpu.core_type = #tpu.core_type<tc>, window_params = [{transform_indices = @transform_0, window_bounds = array<i64: 1000, 128>}, {pipeline_mode = #tpu.pipeline_mode<synchronous>, transform_indices = @transform_1, window_bounds = array<i64: 128, 128>}, {pipeline_mode = #tpu.pipeline_mode<synchronous>, transform_indices = @transform_2, window_bounds = array<i64: 1, 128>}, {pipeline_mode = #tpu.pipeline_mode<synchronous>, transform_indices = @transform_3, window_bounds = array<i64: 128, 128>}, {pipeline_mode = #tpu.pipeline_mode<synchronous>, transform_indices = @transform_4, window_bounds = array<i64: 1, 128>}, {transform_indices = @transform_5, window_bounds = array<i64: 2, 1000, 1>}, {transform_indices = @transform_6, window_bounds = array<i64: 1000, 128>}, {transform_indices = @transform_7, window_bounds = array<i64: 1000, 1>}, {transform_indices = @transform_8, window_bounds = array<i64: 1000, 128>}]} {
    %get3A = arith.constant 0 : index
    %get3A_0 = arith.constant 0 : index
    %get3A_1 = vector.load %arg1[%get3A, %get3A_0] : memref<1000x128xf32, #tpu.memory_space<vmem>>, vector<1000x128xf32>
    %get3A_2 = arith.constant 0 : index
    %get3A_3 = arith.constant 0 : index
    %get3A_4 = vector.load %arg2[%get3A_2, %get3A_3] : memref<128x128xf32, #tpu.memory_space<vmem>>, vector<128x128xf32>
    %dot_general3A = arith.constant dense<0.000000e+00> : vector<1000x128xf32>
    %dot_general3A_5 = tpu.matmul %get3A_1, %get3A_4, %dot_general3A {dimension_numbers = #tpu.dot_dimension_numbers<[1], [0], [0], [1], [0, 0, 1, 1], [], []>, precision = #tpu.contract_precision<fp32>, transpose_lhs_hint = false} : vector<1000x128xf32>, vector<128x128xf32>, vector<1000x128xf32> -> vector<1000x128xf32>
    %get3A_6 = arith.constant 0 : index
    %get3A_7 = arith.constant 0 : index
    %get3A_8 = vector.load %arg3[%get3A_6, %get3A_7] : memref<1x128xf32, #tpu.memory_space<vmem>>, vector<1x128xf32>
    %add3A = vector.broadcast %get3A_8 : vector<1x128xf32> to vector<1000x128xf32>
    %add3A_9 = arith.addf %dot_general3A_5, %add3A : vector<1000x128xf32>
    %get3A_10 = arith.constant 0 : index
    %get3A_11 = arith.constant 0 : index
    %get3A_12 = vector.load %arg4[%get3A_10, %get3A_11] : memref<128x128xf32, #tpu.memory_space<vmem>>, vector<128x128xf32>
    %dot_general3A_13 = arith.constant dense<0.000000e+00> : vector<1000x128xf32>
    %dot_general3A_14 = tpu.matmul %add3A_9, %get3A_12, %dot_general3A_13 {dimension_numbers = #tpu.dot_dimension_numbers<[1], [0], [0], [1], [0, 0, 1, 1], [], []>, precision = #tpu.contract_precision<fp32>, transpose_lhs_hint = false} : vector<1000x128xf32>, vector<128x128xf32>, vector<1000x128xf32> -> vector<1000x128xf32>
    %get3A_15 = arith.constant 0 : index
    %get3A_16 = arith.constant 0 : index
    %get3A_17 = vector.load %arg5[%get3A_15, %get3A_16] : memref<1x128xf32, #tpu.memory_space<vmem>>, vector<1x128xf32>
    %add3A_18 = vector.broadcast %get3A_17 : vector<1x128xf32> to vector<1000x128xf32>
    %add3A_19 = arith.addf %dot_general3A_14, %add3A_18 : vector<1000x128xf32>
    %swap3A = arith.constant 0 : index
    %swap3A_20 = arith.constant 0 : index
    %swap3A_21 = vector.load %arg7[%swap3A, %swap3A_20] : memref<1000x128xf32, #tpu.memory_space<vmem>>, vector<1000x128xf32>
    tpu.vector_store %arg7[%swap3A, %swap3A_20], %add3A_19 {strides = array<i32>} : memref<1000x128xf32, #tpu.memory_space<vmem>>, vector<1000x128xf32>,
    %get3A_22 = arith.constant 0 : index
    %get3A_23 = arith.constant 0 : index
    %get3A_24 = arith.constant 0 : index
    %get3A_25 = vector.load %arg6[%get3A_22, %get3A_23, %get3A_24] : memref<2x1000x1xf32, #tpu.memory_space<vmem>>, vector<1x1000x1xf32>
    %get3A_26 = vector.shape_cast %get3A_25 : vector<1x1000x1xf32> to vector<1000x1xf32>
    %get3A_27 = arith.constant 1 : index
    %get3A_28 = arith.constant 0 : index
    %get3A_29 = arith.constant 0 : index
    %get3A_30 = vector.load %arg6[%get3A_27, %get3A_28, %get3A_29] : memref<2x1000x1xf32, #tpu.memory_space<vmem>>, vector<1x1000x1xf32>
    %get3A_31 = vector.shape_cast %get3A_30 : vector<1x1000x1xf32> to vector<1000x1xf32>
    %add3A_32 = arith.addf %get3A_26, %get3A_31 : vector<1000x1xf32>
    %add3A_33 = arith.constant 1.000000e+00 : f32
    %add3A_34 = vector.broadcast %add3A_33 : f32 to vector<1000x1xf32>
    %add3A_35 = arith.addf %add3A_32, %add3A_34 : vector<1000x1xf32>
    %rsqrt3A = math.rsqrt %add3A_35 : vector<1000x1xf32>
    %swap3A_36 = arith.constant 0 : index
    %swap3A_37 = arith.constant 0 : index
    %swap3A_38 = vector.load %arg8[%swap3A_36, %swap3A_37] : memref<1000x1xf32, #tpu.memory_space<vmem>>, vector<1000x1xf32>
    tpu.vector_store %arg8[%swap3A_36, %swap3A_37], %rsqrt3A {strides = array<i32>} : memref<1000x1xf32, #tpu.memory_space<vmem>>, vector<1000x1xf32>,
    %mul3A = vector.broadcast %rsqrt3A : vector<1000x1xf32> to vector<1000x128xf32>
    %mul3A_39 = arith.mulf %add3A_19, %mul3A : vector<1000x128xf32>
    %swap3A_40 = arith.constant 0 : index
    %swap3A_41 = arith.constant 0 : index
    %swap3A_42 = vector.load %arg9[%swap3A_40, %swap3A_41] : memref<1000x128xf32, #tpu.memory_space<vmem>>, vector<1000x128xf32>
    tpu.vector_store %arg9[%swap3A_40, %swap3A_41], %mul3A_39 {strides = array<i32>} : memref<1000x128xf32, #tpu.memory_space<vmem>>, vector<1000x128xf32>,
    return
  }
  func.func @transform_0(%arg0: i32) -> (i32, i32) {
    %c0_i32 = arith.constant 0 : i32
    %c0_i32_0 = arith.constant 0 : i32
    return %arg0, %c0_i32 : i32, i32
  }
  func.func @transform_1(%arg0: i32) -> (i32, i32) {
    %c0_i32 = arith.constant 0 : i32
    %c0_i32_0 = arith.constant 0 : i32
    %c0_i32_1 = arith.constant 0 : i32
    return %c0_i32, %c0_i32_0 : i32, i32
  }
  func.func @transform_2(%arg0: i32) -> (i32, i32) {
    %c0_i32 = arith.constant 0 : i32
    %c0_i32_0 = arith.constant 0 : i32
    %c0_i32_1 = arith.constant 0 : i32
    return %c0_i32, %c0_i32_0 : i32, i32
  }
  func.func @transform_3(%arg0: i32) -> (i32, i32) {
    %c0_i32 = arith.constant 0 : i32
    %c0_i32_0 = arith.constant 0 : i32
    %c0_i32_1 = arith.constant 0 : i32
    return %c0_i32, %c0_i32_0 : i32, i32
  }
  func.func @transform_4(%arg0: i32) -> (i32, i32) {
    %c0_i32 = arith.constant 0 : i32
    %c0_i32_0 = arith.constant 0 : i32
    %c0_i32_1 = arith.constant 0 : i32
    return %c0_i32, %c0_i32_0 : i32, i32
  }
  func.func @transform_5(%arg0: i32) -> (i32, i32, i32) {
    %c0_i32 = arith.constant 0 : i32
    %c0_i32_0 = arith.constant 0 : i32
    %c0_i32_1 = arith.constant 0 : i32
    return %c0_i32, %arg0, %c0_i32_0 : i32, i32, i32
  }
  func.func @transform_6(%arg0: i32) -> (i32, i32) {
    %c0_i32 = arith.constant 0 : i32
    %c0_i32_0 = arith.constant 0 : i32
    return %arg0, %c0_i32 : i32, i32
  }
  func.func @transform_7(%arg0: i32) -> (i32, i32) {
    %c0_i32 = arith.constant 0 : i32
    %c0_i32_0 = arith.constant 0 : i32
    return %arg0, %c0_i32 : i32, i32
  }
  func.func @transform_8(%arg0: i32) -> (i32, i32) {
    %c0_i32 = arith.constant 0 : i32
    %c0_i32_0 = arith.constant 0 : i32
    return %arg0, %c0_i32 : i32, i32
  }
}

module attributes {stable_mosaic.version = 14 : i64} {
  func.func @_layer2_body(%arg0: i32, %arg1: memref<2x1000x128xf32, #tpu.memory_space<vmem>>, %arg2: memref<1000x1xf32, #tpu.memory_space<vmem>>, %arg3: memref<1000x128xf32, #tpu.memory_space<vmem>>, %arg4: memref<128x128xf32, #tpu.memory_space<vmem>>, %arg5: memref<1x128xf32, #tpu.memory_space<vmem>>, %arg6: memref<1000x128xf32, #tpu.memory_space<vmem>>, %arg7: memref<1000x128xf32, #tpu.memory_space<vmem>>) attributes {dimension_semantics = [#tpu.dimension_semantics<arbitrary>], iteration_bounds = array<i64: 10>, scalar_prefetch = 0 : i64, scratch_operands = 0 : i64, tpu.core_type = #tpu.core_type<tc>, window_params = [{transform_indices = @transform_0, window_bounds = array<i64: 2, 1000, 128>}, {transform_indices = @transform_1, window_bounds = array<i64: 1000, 1>}, {transform_indices = @transform_2, window_bounds = array<i64: 1000, 128>}, {pipeline_mode = #tpu.pipeline_mode<synchronous>, transform_indices = @transform_3, window_bounds = array<i64: 128, 128>}, {pipeline_mode = #tpu.pipeline_mode<synchronous>, transform_indices = @transform_4, window_bounds = array<i64: 1, 128>}, {transform_indices = @transform_5, window_bounds = array<i64: 1000, 128>}, {transform_indices = @transform_6, window_bounds = array<i64: 1000, 128>}]} {
    %get3A = arith.constant 0 : index
    %get3A_0 = arith.constant 0 : index
    %get3A_1 = vector.load %arg2[%get3A, %get3A_0] : memref<1000x1xf32, #tpu.memory_space<vmem>>, vector<1000x1xf32>
    %get3A_2 = arith.constant 0 : index
    %get3A_3 = arith.constant 0 : index
    %get3A_4 = arith.constant 0 : index
    %get3A_5 = vector.load %arg1[%get3A_2, %get3A_3, %get3A_4] : memref<2x1000x128xf32, #tpu.memory_space<vmem>>, vector<1x1000x128xf32>
    %get3A_6 = vector.shape_cast %get3A_5 : vector<1x1000x128xf32> to vector<1000x128xf32>
    %get3A_7 = arith.constant 1 : index
    %get3A_8 = arith.constant 0 : index
    %get3A_9 = arith.constant 0 : index
    %get3A_10 = vector.load %arg1[%get3A_7, %get3A_8, %get3A_9] : memref<2x1000x128xf32, #tpu.memory_space<vmem>>, vector<1x1000x128xf32>
    %get3A_11 = vector.shape_cast %get3A_10 : vector<1x1000x128xf32> to vector<1000x128xf32>
    %add3A = arith.addf %get3A_6, %get3A_11 : vector<1000x128xf32>
    %mul3A = vector.broadcast %get3A_1 : vector<1000x1xf32> to vector<1000x128xf32>
    %mul3A_12 = arith.mulf %mul3A, %add3A : vector<1000x128xf32>
    %get3A_13 = arith.constant 0 : index
    %get3A_14 = arith.constant 0 : index
    %get3A_15 = vector.load %arg3[%get3A_13, %get3A_14] : memref<1000x128xf32, #tpu.memory_space<vmem>>, vector<1000x128xf32>
    %add3A_16 = arith.addf %mul3A_12, %get3A_15 : vector<1000x128xf32>
    %max3A = arith.constant 0.000000e+00 : f32
    %max3A_17 = vector.broadcast %max3A : f32 to vector<1000x128xf32>
    %max3A_18 = arith.maximumf %add3A_16, %max3A_17 : vector<1000x128xf32>
    %get3A_19 = arith.constant 0 : index
    %get3A_20 = arith.constant 0 : index
    %get3A_21 = vector.load %arg4[%get3A_19, %get3A_20] : memref<128x128xf32, #tpu.memory_space<vmem>>, vector<128x128xf32>
    %dot_general3A = arith.constant dense<0.000000e+00> : vector<1000x128xf32>
    %dot_general3A_22 = tpu.matmul %max3A_18, %get3A_21, %dot_general3A {dimension_numbers = #tpu.dot_dimension_numbers<[1], [0], [0], [1], [0, 0, 1, 1], [], []>, precision = #tpu.contract_precision<fp32>, transpose_lhs_hint = false} : vector<1000x128xf32>, vector<128x128xf32>, vector<1000x128xf32> -> vector<1000x128xf32>
    %get3A_23 = arith.constant 0 : index
    %get3A_24 = arith.constant 0 : index
    %get3A_25 = vector.load %arg5[%get3A_23, %get3A_24] : memref<1x128xf32, #tpu.memory_space<vmem>>, vector<1x128xf32>
    %add3A_26 = vector.broadcast %get3A_25 : vector<1x128xf32> to vector<1000x128xf32>
    %add3A_27 = arith.addf %dot_general3A_22, %add3A_26 : vector<1000x128xf32>
    %swap3A = arith.constant 0 : index
    %swap3A_28 = arith.constant 0 : index
    %swap3A_29 = vector.load %arg6[%swap3A, %swap3A_28] : memref<1000x128xf32, #tpu.memory_space<vmem>>, vector<1000x128xf32>
    tpu.vector_store %arg6[%swap3A, %swap3A_28], %add3A_27 {strides = array<i32>} : memref<1000x128xf32, #tpu.memory_space<vmem>>, vector<1000x128xf32>,
    %mul3A_30 = vector.broadcast %get3A_1 : vector<1000x1xf32> to vector<1000x128xf32>
    %mul3A_31 = arith.mulf %add3A_27, %mul3A_30 : vector<1000x128xf32>
    %swap3A_32 = arith.constant 0 : index
    %swap3A_33 = arith.constant 0 : index
    %swap3A_34 = vector.load %arg7[%swap3A_32, %swap3A_33] : memref<1000x128xf32, #tpu.memory_space<vmem>>, vector<1000x128xf32>
    tpu.vector_store %arg7[%swap3A_32, %swap3A_33], %mul3A_31 {strides = array<i32>} : memref<1000x128xf32, #tpu.memory_space<vmem>>, vector<1000x128xf32>,
    return
  }
  func.func @transform_0(%arg0: i32) -> (i32, i32, i32) {
    %c0_i32 = arith.constant 0 : i32
    %c0_i32_0 = arith.constant 0 : i32
    %c0_i32_1 = arith.constant 0 : i32
    return %c0_i32, %arg0, %c0_i32_0 : i32, i32, i32
  }
  func.func @transform_1(%arg0: i32) -> (i32, i32) {
    %c0_i32 = arith.constant 0 : i32
    %c0_i32_0 = arith.constant 0 : i32
    return %arg0, %c0_i32 : i32, i32
  }
  func.func @transform_2(%arg0: i32) -> (i32, i32) {
    %c0_i32 = arith.constant 0 : i32
    %c0_i32_0 = arith.constant 0 : i32
    return %arg0, %c0_i32 : i32, i32
  }
  func.func @transform_3(%arg0: i32) -> (i32, i32) {
    %c0_i32 = arith.constant 0 : i32
    %c0_i32_0 = arith.constant 0 : i32
    %c0_i32_1 = arith.constant 0 : i32
    return %c0_i32, %c0_i32_0 : i32, i32
  }
  func.func @transform_4(%arg0: i32) -> (i32, i32) {
    %c0_i32 = arith.constant 0 : i32
    %c0_i32_0 = arith.constant 0 : i32
    %c0_i32_1 = arith.constant 0 : i32
    return %c0_i32, %c0_i32_0 : i32, i32
  }
  func.func @transform_5(%arg0: i32) -> (i32, i32) {
    %c0_i32 = arith.constant 0 : i32
    %c0_i32_0 = arith.constant 0 : i32
    return %arg0, %c0_i32 : i32, i32
  }
  func.func @transform_6(%arg0: i32) -> (i32, i32) {
    %c0_i32 = arith.constant 0 : i32
    %c0_i32_0 = arith.constant 0 : i32
    return %arg0, %c0_i32 : i32, i32
  }
}

module attributes {stable_mosaic.version = 14 : i64} {
  func.func @_final_body(%arg0: i32, %arg1: memref<2x1000x128xf32, #tpu.memory_space<vmem>>, %arg2: memref<1000x1xf32, #tpu.memory_space<vmem>>, %arg3: memref<1000x128xf32, #tpu.memory_space<vmem>>, %arg4: memref<128x128xf32, #tpu.memory_space<vmem>>, %arg5: memref<128x128xf32, #tpu.memory_space<vmem>>, %arg6: memref<1x128xf32, #tpu.memory_space<vmem>>, %arg7: memref<1000x128xf32, #tpu.memory_space<vmem>>, %arg8: memref<1000x128xf32, #tpu.memory_space<vmem>>) attributes {dimension_semantics = [#tpu.dimension_semantics<arbitrary>], iteration_bounds = array<i64: 10>, scalar_prefetch = 0 : i64, scratch_operands = 0 : i64, tpu.core_type = #tpu.core_type<tc>, window_params = [{transform_indices = @transform_0, window_bounds = array<i64: 2, 1000, 128>}, {transform_indices = @transform_1, window_bounds = array<i64: 1000, 1>}, {transform_indices = @transform_2, window_bounds = array<i64: 1000, 128>}, {pipeline_mode = #tpu.pipeline_mode<synchronous>, transform_indices = @transform_3, window_bounds = array<i64: 128, 128>}, {pipeline_mode = #tpu.pipeline_mode<synchronous>, transform_indices = @transform_4, window_bounds = array<i64: 128, 128>}, {pipeline_mode = #tpu.pipeline_mode<synchronous>, transform_indices = @transform_5, window_bounds = array<i64: 1, 128>}, {transform_indices = @transform_6, window_bounds = array<i64: 1000, 128>}, {transform_indices = @transform_7, window_bounds = array<i64: 1000, 128>}]} {
    %get3A = arith.constant 0 : index
    %get3A_0 = arith.constant 0 : index
    %get3A_1 = vector.load %arg2[%get3A, %get3A_0] : memref<1000x1xf32, #tpu.memory_space<vmem>>, vector<1000x1xf32>
    %get3A_2 = arith.constant 0 : index
    %get3A_3 = arith.constant 0 : index
    %get3A_4 = arith.constant 0 : index
    %get3A_5 = vector.load %arg1[%get3A_2, %get3A_3, %get3A_4] : memref<2x1000x128xf32, #tpu.memory_space<vmem>>, vector<1x1000x128xf32>
    %get3A_6 = vector.shape_cast %get3A_5 : vector<1x1000x128xf32> to vector<1000x128xf32>
    %get3A_7 = arith.constant 1 : index
    %get3A_8 = arith.constant 0 : index
    %get3A_9 = arith.constant 0 : index
    %get3A_10 = vector.load %arg1[%get3A_7, %get3A_8, %get3A_9] : memref<2x1000x128xf32, #tpu.memory_space<vmem>>, vector<1x1000x128xf32>
    %get3A_11 = vector.shape_cast %get3A_10 : vector<1x1000x128xf32> to vector<1000x128xf32>
    %add3A = arith.addf %get3A_6, %get3A_11 : vector<1000x128xf32>
    %mul3A = vector.broadcast %get3A_1 : vector<1000x1xf32> to vector<1000x128xf32>
    %mul3A_12 = arith.mulf %mul3A, %add3A : vector<1000x128xf32>
    %get3A_13 = arith.constant 0 : index
    %get3A_14 = arith.constant 0 : index
    %get3A_15 = vector.load %arg3[%get3A_13, %get3A_14] : memref<1000x128xf32, #tpu.memory_space<vmem>>, vector<1000x128xf32>
    %add3A_16 = arith.addf %mul3A_12, %get3A_15 : vector<1000x128xf32>
    %max3A = arith.constant 0.000000e+00 : f32
    %max3A_17 = vector.broadcast %max3A : f32 to vector<1000x128xf32>
    %max3A_18 = arith.maximumf %add3A_16, %max3A_17 : vector<1000x128xf32>
    %get3A_19 = arith.constant 0 : index
    %get3A_20 = arith.constant 0 : index
    %get3A_21 = vector.load %arg4[%get3A_19, %get3A_20] : memref<128x128xf32, #tpu.memory_space<vmem>>, vector<128x128xf32>
    %dot_general3A = arith.constant dense<0.000000e+00> : vector<1000x128xf32>
    %dot_general3A_22 = tpu.matmul %max3A_18, %get3A_21, %dot_general3A {dimension_numbers = #tpu.dot_dimension_numbers<[1], [0], [0], [1], [0, 0, 1, 1], [], []>, precision = #tpu.contract_precision<fp32>, transpose_lhs_hint = false} : vector<1000x128xf32>, vector<128x128xf32>, vector<1000x128xf32> -> vector<1000x128xf32>
    %get3A_23 = arith.constant 0 : index
    %get3A_24 = arith.constant 0 : index
    %get3A_25 = vector.load %arg7[%get3A_23, %get3A_24] : memref<1000x128xf32, #tpu.memory_space<vmem>>, vector<1000x128xf32>
    %get3A_26 = arith.constant 0 : index
    %get3A_27 = arith.constant 0 : index
    %get3A_28 = vector.load %arg5[%get3A_26, %get3A_27] : memref<128x128xf32, #tpu.memory_space<vmem>>, vector<128x128xf32>
    %dot_general3A_29 = arith.constant dense<0.000000e+00> : vector<1000x128xf32>
    %dot_general3A_30 = tpu.matmul %get3A_25, %get3A_28, %dot_general3A_29 {dimension_numbers = #tpu.dot_dimension_numbers<[1], [0], [0], [1], [0, 0, 1, 1], [], []>, precision = #tpu.contract_precision<fp32>, transpose_lhs_hint = false} : vector<1000x128xf32>, vector<128x128xf32>, vector<1000x128xf32> -> vector<1000x128xf32>
    %add3A_31 = arith.addf %dot_general3A_22, %dot_general3A_30 : vector<1000x128xf32>
    %get3A_32 = arith.constant 0 : index
    %get3A_33 = arith.constant 0 : index
    %get3A_34 = vector.load %arg6[%get3A_32, %get3A_33] : memref<1x128xf32, #tpu.memory_space<vmem>>, vector<1x128xf32>
    %add3A_35 = vector.broadcast %get3A_34 : vector<1x128xf32> to vector<1000x128xf32>
    %add3A_36 = arith.addf %add3A_31, %add3A_35 : vector<1000x128xf32>
    %tanh3A = math.tanh %add3A_36 : vector<1000x128xf32>
    %swap3A = arith.constant 0 : index
    %swap3A_37 = arith.constant 0 : index
    %swap3A_38 = vector.load %arg8[%swap3A, %swap3A_37] : memref<1000x128xf32, #tpu.memory_space<vmem>>, vector<1000x128xf32>
    tpu.vector_store %arg8[%swap3A, %swap3A_37], %tanh3A {strides = array<i32>} : memref<1000x128xf32, #tpu.memory_space<vmem>>, vector<1000x128xf32>,
    return
  }
  func.func @transform_0(%arg0: i32) -> (i32, i32, i32) {
    %c0_i32 = arith.constant 0 : i32
    %c0_i32_0 = arith.constant 0 : i32
    %c0_i32_1 = arith.constant 0 : i32
    return %c0_i32, %arg0, %c0_i32_0 : i32, i32, i32
  }
  func.func @transform_1(%arg0: i32) -> (i32, i32) {
    %c0_i32 = arith.constant 0 : i32
    %c0_i32_0 = arith.constant 0 : i32
    return %arg0, %c0_i32 : i32, i32
  }
  func.func @transform_2(%arg0: i32) -> (i32, i32) {
    %c0_i32 = arith.constant 0 : i32
    %c0_i32_0 = arith.constant 0 : i32
    return %arg0, %c0_i32 : i32, i32
  }
  func.func @transform_3(%arg0: i32) -> (i32, i32) {
    %c0_i32 = arith.constant 0 : i32
    %c0_i32_0 = arith.constant 0 : i32
    %c0_i32_1 = arith.constant 0 : i32
    return %c0_i32, %c0_i32_0 : i32, i32
  }
  func.func @transform_4(%arg0: i32) -> (i32, i32) {
    %c0_i32 = arith.constant 0 : i32
    %c0_i32_0 = arith.constant 0 : i32
    %c0_i32_1 = arith.constant 0 : i32
    return %c0_i32, %c0_i32_0 : i32, i32
  }
  func.func @transform_5(%arg0: i32) -> (i32, i32) {
    %c0_i32 = arith.constant 0 : i32
    %c0_i32_0 = arith.constant 0 : i32
    %c0_i32_1 = arith.constant 0 : i32
    return %c0_i32, %c0_i32_0 : i32, i32
  }
  func.func @transform_6(%arg0: i32) -> (i32, i32) {
    %c0_i32 = arith.constant 0 : i32
    %c0_i32_0 = arith.constant 0 : i32
    return %arg0, %c0_i32 : i32, i32
  }
  func.func @transform_7(%arg0: i32) -> (i32, i32) {
    %c0_i32 = arith.constant 0 : i32
    %c0_i32_0 = arith.constant 0 : i32
    return %arg0, %c0_i32 : i32, i32
  }
}

</mosaic_0001>

<sc_bundles>
// kernel: kernel.11.cloned.1.call-start
scs
__scs_entry_jumppad:
0x0: {  	(pc) =	sbr.rel $0x88, $3  }
0x1: {  	(tag) =	ssettag $0x0;
	lr =	simm.s32 $0x1  }
0x2: {  	[smem:$0x3F94] =	sst lr;
	_ =	strace $0xD0000000  }
0x3: {  	_ = 	snop  }
0x4: {  	_ = 	snop  }
0x5: {  	_ = 	snop  }
0x6: {  	_ = 	snop  }
0x7: {  	_ = 	snop  }
__scs_overlays_trampoline_lowered:
0x8: {  	[smem:$0x3FA3] =	sst s0  }
0x9: {  	[smem:$0x3FA4] =	sst s1  }
0xa: {  	[smem:$0x3FA5] =	sst s2  }
0xb: {  	[smem:$0x3FA6] =	sst s3  }
0xc: {  	[smem:$0x3FA7] =	sst s4  }
0xd: {  	[smem:$0x3FA8] =	sst s5  }
0xe: {  	[smem:$0x3FA9] =	sst s6  }
0xf: {  	[smem:$0x3FAA] =	sst s7  }
0x10: {  	[smem:$0x3FAB] =	sst s8  }
0x11: {  	[smem:$0x3FAC] =	sst s9;
	s0 =	simm.s32 @!p0 $0x0  }
0x12: {  	s1 =	sld [smem:$0x3F92];
	s0 =	simm.s32 @p0 $0x1  }
0x13: {  	[smem:$0x3FAD] =	sst s0;
	s0 =	simm.s32 @!p1 $0x0  }
0x14: {  	s2 =	sld [smem:$0x3F91];
	s0 =	simm.s32 @p1 $0x1  }
0x15: {  	[smem:$0x3FAE] =	sst s0;
	s0 =	simm.s32 @!p2 $0x0  }
0x16: {  	s3 =	sld [smem:$0x3FDB];
	s0 =	simm.s32 @p2 $0x1  }
0x17: {  	s4 =	simm.s32 $0x1BF5;
	[smem:$0x3FB0] =	sst s0  }
0x18: {  	s0 =	sld [smem:$0x3F93];
	_ =	swait.ge [sflag:s4], $0x0  }
0x19: {  	s7 =	sld [smem:$0x3F94]  }
0x1a: {  	s8 =	sadd.s32 $0xFFFFE003, lr  }
0x1b: {  	s9 =	sadd.s32 $0xFFFFFEF7, lr;
	s5 =	simm.s32 $0xFFFFFFFF;
	p2 =	slt.u32 s8, $0xFFFFF086  }
0x1c: {  	p1 =	slt.u32 s9, $0xF7A;
	s5 =	simm.s32 @!p2 $0x0  }
0x1d: {  	s5 =	simm.s32 @p1 $0x1;
	p0 =	seq.s32 s7, s2  }
0x1e: {  	s7 =	smul.u32 @!p0 $0xF7A, s2;
	p2 =	seq.s32 @!p0 s5, $0x0  }
0x1f: {  	s9 =	smul.u32 $0xF7A, s1;
	s8 =	simm.s32 @!p0 $0x1BF5;
	p2 =	por !p2, p0  }
0x20: {  	[sflag:s8] =	ssyncset.s32 @!p0 $0xFFFFF086;
	s6 =	sadd.s32 @!p0 s3, s7;
	s7 =	simm.s32 @!p0 $0x108  }
0x21: {  	s3 =	sadd.s32 s3, s9;
	s6 =	sadd.s32 @!p0 $0x88, s6;
	s7 =	simm.s32 @p2 $0x1082  }
0x22: {  	[simem:s7], [sflag:s8] =	dma.local @!p0 [hbm:s6], $0xF7A  }
0x23: {  	s9 =	sor.u32 $0xD0000000, s2;
	s6 =	simm.s32 $0x108;
	_ =	swait.ge @!p0 [sflag:s8], $0x0  }
0x24: {  	s3 =	sadd.s32 $0x88, s3;
	s6 =	simm.s32 @!p1 $0x1082;
	[sflag:s4] =	ssyncset.s32 $0xFFFFF086  }
0x25: {  	[simem:s6], [sflag:s4] =	dma.local [hbm:s3], $0xF7A  }
0x26: {  	[smem:$0x3F94] =	sst s1;
	(tag) =	ssettag s2;
	_ =	strace s9  }
0x27: {  	s1 =	sld [smem:$0x3FA4]  }
0x28: {  	s2 =	sld [smem:$0x3FA5]  }
0x29: {  	s4 =	sld [smem:$0x3FA7]  }
0x2a: {  	p0 =	seq.s32 s5, $0x0;
	s5 =	sld [smem:$0x3FA8]  }
0x2b: {  	s6 =	sld [smem:$0x3FA9]  }
0x2c: {  	s7 =	sld [smem:$0x3FAA]  }
0x2d: {  	s3 =	simm.s32 $0x108;
	s8 =	sld [smem:$0x3FAB]  }
0x2e: {  	s3 =	simm.s32 @!p0 $0x1082;
	s9 =	sld [smem:$0x3FAC]  }
0x2f: {  	lr =	sadd.s32 s0, s3;
	s0 =	sld [smem:$0x3FA3]  }
0x30: {  	s3 =	sld [smem:$0x3FA6]  }
0x31: {  	[smem:$0x3FAF] =	sst s10  }
0x32: {  	s10 =	sld [smem:$0x3FAD];
	_ =	sdelay $0x3  }
0x33: {  	p0 =	seq.s32 s10, $0x1;
	s10 =	sld [smem:$0x3FAF];
	_ =	sdelay $0x3  }
0x34: {  	[smem:$0x3FAF] =	sst s10  }
0x35: {  	s10 =	sld [smem:$0x3FAE];
	_ =	sdelay $0x3  }
0x36: {  	p1 =	seq.s32 s10, $0x1;
	s10 =	sld [smem:$0x3FAF];
	_ =	sdelay $0x3  }
0x37: {  	[smem:$0x3FAF] =	sst s10  }
0x38: {  	s10 =	sld [smem:$0x3FB0]  }
0x39: {  	_ = 	snop;
	(pc) =	sbr.ind lr, $3  }
0x3a: {  	_ = 	snop  }
0x3b: {  	_ = 	snop  }
0x3c: {  	p2 =	seq.s32 s10, $0x1;
	s10 =	sld [smem:$0x3FAF]  }
0x3d: {  	_ =	shalt  }
0x3e: {  	_ =	shalt  }
0x3f: {  	_ =	shalt  }
0x40: {  	_ =	shalt  }
0x41: {  	_ =	shalt  }
0x42: {  	_ =	shalt  }
0x43: {  	_ =	shalt  }
0x44: {  	_ =	shalt  }
0x45: {  	_ =	shalt  }
0x46: {  	_ =	shalt  }
0x47: {  	_ =	shalt  }
0x48: {  	_ =	shalt  }
0x49: {  	_ =	shalt  }
0x4a: {  	_ =	shalt  }
0x4b: {  	_ =	shalt  }
0x4c: {  	_ =	shalt  }
0x4d: {  	_ =	shalt  }
0x4e: {  	_ =	shalt  }
0x4f: {  	_ =	shalt  }
0x50: {  	_ =	shalt  }
0x51: {  	_ =	shalt  }
0x52: {  	_ =	shalt  }
0x53: {  	_ =	shalt  }
0x54: {  	_ =	shalt  }
0x55: {  	_ =	shalt  }
0x56: {  	_ =	shalt  }
0x57: {  	_ =	shalt  }
0x58: {  	_ =	shalt  }
0x59: {  	_ =	shalt  }
0x5a: {  	_ =	shalt  }
0x5b: {  	_ =	shalt  }
0x5c: {  	_ =	shalt  }
0x5d: {  	_ =	shalt  }
0x5e: {  	_ =	shalt  }
0x5f: {  	_ =	shalt  }
0x60: {  	_ =	shalt  }
0x61: {  	_ =	shalt  }
0x62: {  	_ =	shalt  }
0x63: {  	_ =	shalt  }
0x64: {  	_ =	shalt  }
0x65: {  	_ =	shalt  }
0x66: {  	_ =	shalt  }
0x67: {  	_ =	shalt  }
0x68: {  	_ =	shalt  }
0x69: {  	_ =	shalt  }
0x6a: {  	_ =	shalt  }
0x6b: {  	_ =	shalt  }
0x6c: {  	_ =	shalt  }
0x6d: {  	_ =	shalt  }
0x6e: {  	_ =	shalt  }
0x6f: {  	_ =	shalt  }
0x70: {  	_ =	shalt  }
0x71: {  	_ =	shalt  }
0x72: {  	_ =	shalt  }
0x73: {  	_ =	shalt  }
0x74: {  	_ =	shalt  }
0x75: {  	_ =	shalt  }
0x76: {  	_ =	shalt  }
0x77: {  	_ =	shalt  }
0x78: {  	_ =	shalt  }
0x79: {  	_ =	shalt  }
0x7a: {  	_ =	shalt  }
0x7b: {  	_ =	shalt  }
0x7c: {  	_ =	shalt  }
0x7d: {  	_ =	shalt  }
0x7e: {  	_ =	shalt  }
0x7f: {  	_ =	shalt  }
0x80: {  	_ =	shalt  }
0x81: {  	_ =	shalt  }
0x82: {  	_ =	shalt  }
0x83: {  	_ =	shalt  }
0x84: {  	_ =	shalt  }
0x85: {  	_ =	shalt  }
0x86: {  	_ =	shalt  }
0x87: {  	_ =	shalt  }
.Lfunc_end0:
.L_simem_size_0:
called_computation.1_lowered:
.L_overlay_start_0:
0x88: {  	s2 =	sld [smem:$0x3FD9]  }
0x89: {  	s3 =	sld [smem:$0x3FFE];
	_ =	sdelay $0x1  }
0x8a: {  	s1 =	srdreg.scid  }
0x8b: {  	s0 =	sand.u32 $0x1, s1  }
0x8c: {  	s17 =	sshll.u32 s0, $0xA;
	s2 =	sadd.s32 s3, s2  }
0x8d: {  	s2 =	sadd.s32 s2, s17  }
0x8e: {  	[smem:$0x3FBB] =	sst s2  }
0x8f: {  	_ = 	snop  }
0x90: {  	s2 =	sld [smem:$0x3FD0];
	(tm) =	ssettm $0x1  }
0x91: {  	s18 =	sld [smem:$0x3FFB];
	_ =	sdelay $0x3  }
0x92: {  	_ =	strace s18  }
0x93: {  	s3 =	sld [smem:$0x3FFC];
	_ =	sdelay $0x3  }
0x94: {  	_ =	strace s3  }
0x95: {  	s3 =	sld [smem:$0x3FFD];
	_ =	sdelay $0x3  }
0x96: {  	_ =	strace s3  }
0x97: {  	_ =	strace $0x8FFFFFFF  }
0x98: {  	s19 =	sld [smem:$0x3FDB];
	_ =	sdelay $0x1  }
0x99: {  	s4 =	simm.s32 $_scs_section_size  }
0x9a: {  	s5 =	simm.s32 $_size__tile_overlayer_lowered;
	s6 =	simm.s32 $_tile_overlayer_lowered  }
0x9b: {  	s22 =	simm.s32 $0x1BFF;
	s21 =	sshll.u32 s6, $0x1;
	s3 =	sadd.s32 s4, s19  }
0x9c: {  	s7 =	simm.s32 $0x0;
	s20 =	sshll.u32 s5, $0x1;
	s5 =	sadd.s32 s21, s3  }
0x9d: {  	[timem:s7], [sflag:s22] =	dma.local [hbm:s5], s20  }
0x9e: {  	_ =	swait.ge [sflag:s22], s20  }
0x9f: {  	s4 =	ssub.s32 $0x0, s20;
	[sflag:s22] =	ssyncset.done $0x0  }
0xa0: {  	[sflag:s22] =	ssyncadd.s32 s4;
	_ =	sdelay $0x1  }
0xa1: {  	s23 =	simm.s32 $0x1B8B  }
0xa2: {  	_ =	swait.ge [sflag:s23], $0x1  }
0xa3: {  	[sflag:s23] =	ssyncset.done $0x0  }
0xa4: {  	s25 =	simm.s32 $0x1B8E;
	s24 =	sld [smem:$0x3FFE];
	[sflag:s23] =	ssyncadd.s32 $0xFFFFFFFF  }
0xa5: {  	s26 =	simm.s32 $execute0_lowered;
	[smem:$0x3FD2] =	sst s25  }
0xa6: {  	s5 =	sshll.u32 s26, $0x1;
	_ =	strace $0x80000049;
	[dreg:$0x1] =	wrdreg $0xFFFFFFFF  }
0xa7: {  	s28 =	simm.s32 $_size_execute0_lowered;
	s3 =	sadd.s32 s3, s5;
	[dreg:$0x0] =	wrdreg $0x0  }
0xa8: {  	s5 =	sshll.u32 s28, $0x1;
	[dreg:$0x2] =	wrdreg s3  }
0xa9: {  	[dreg:$0x3] =	wrdreg s5  }
0xaa: {  	[dreg:$0x4] =	wrdreg $0xC0  }
0xab: {  	_ =	task [dreg:s7], $0x5FFFF  }
0xac: {  	[dreg:$0x1] =	wrdreg $0xFFFFFFFF  }
0xad: {  	[dreg:$0x0] =	wrdreg $0x60  }
0xae: {  	[dreg:$0x2] =	wrdreg s2  }
0xaf: {  	[dreg:$0x3] =	wrdreg s24  }
0xb0: {  	[dreg:$0x4] =	wrdreg $0x90000  }
0xb1: {  	[dreg:$0x5] =	wrdreg $0x9  }
0xb2: {  	_ =	task.clear_ibuf [dreg:s7], $0x6FFFF;
	_ =	strace $0x90000049  }
0xb3: {  	s29 =	simm.s32 $0x9;
	_ =	strace $0x8000004B  }
0xb4: {  	_ =	swait.ge [sflag:s29], $0x1  }
0xb5: {  	[sflag:s29] =	ssyncadd.s32 $0xFFFFFFFF  }
0xb6: {  	_ =	strace $0x9000004B  }
0xb7: {  	_ =	sfence  }
0xb8: {  	s30 =	sld [smem:$0x0];
	_ =	sdelay $0x2  }
0xb9: {  	s31 =	sshll.u32 s1, $0xD;
	s1 =	sshrl.u32 s1, $0x2  }
0xba: {  	s3 =	sand.u32 $0x4000, s31;
	s1 =	sadd.s32 s1, s30  }
0xbb: {  	s0 =	sor.u32 s3, s0;
	s1 =	sshll.u32 s1, $0x11  }
0xbc: {  	s0 =	sor.u32 s1, s0  }
0xbd: {  	s0 =	sadd.s32 $0x8F2B, s0  }
0xbe: {  	[sflag:s0] =	ssyncadd.remote.s32 $0x1  }
0xbf: {  	_ =	sfence.sel $0xFFFF  }
0xc0: {  	[dreg:$0x0] =	wrdreg $0xFFFFFFFF;
	(pc) =	sbr.abs _section_cstart, $3  }
0xc1: {  	[dreg:$0x1] =	wrdreg $0xFFFFFFFF  }
0xc2: {  	_ =	task.clear_ibuf [dreg:s7], $0x2FFFF;
	_ =	strace $0x9FFFFFFF  }
0xc3: {  	(tm) =	ssettm $0x7FFFFFFF  }
tec
execute0_lowered:
.L_overlay_start_1:
0x0: {  	(tag) =	ssettag $0x1  }
0x1: {  	s0 =	rddreg [dreg:$0x0]  }
0x2: {  	s5 =	rddreg [dreg:$0x1]  }
0x3: {  	s1 =	srdreg.scid;
	s3 =	rddreg [dreg:$0x2]  }
0x4: {  	s2 =	stileid.u32;
	s4 =	simm.s32 $0x0;
	s21 =	simm.s32 $0x80  }
0x5: {  	s22 =	simm.s32 $0x1;
	s8 =	sand.u32 $0x1, s1;
	s1 =	rddreg [dreg:$0x3]  }
0x6: {  	s23 =	simm.s32 $0x0;
	[smem:$0x7FF] =	sst s4;
	s9 =	smul.u32 $0x50000, s2  }
0x7: {  	s16 =	sadd.s32 $0x17C00, s5;
	s11 =	smul.u32 $0x14000, s2;
	s6 =	sshll.u32 s8, $0x4  }
0x8: {  	_ =	strace $0x8000004A;
	s7 =	ssub.s32 $0x2, s8;
	s18 =	smul.u32 $0x140000, s8  }
0x9: {  	s6 =	sor.u32 s2, s6;
	s30 =	sshrl.u32 s7, $0x1;
	s31 =	sshrl.u32 s9, $0x2  }
0xa: {  	s12 =	sadd.s32 $0x4000, s11;
	s14 =	sadd.s32 $0x8000, s11;
	s15 =	sadd.s32 $0xC000, s11  }
0xb: {  	s19 =	sadd.s32 $0x10000, s11;
	s6 =	smul.u32 $0x500, s6;
	s17 =	ssub.s32 s7, s30  }
0xc: {  	s7 =	sadd.s32 s31, s3;
	s8 =	sadd.s32 s12, s3;
	s9 =	sadd.s32 s14, s3  }
0xd: {  	s10 =	sadd.s32 s15, s3;
	s13 =	sadd.s32 s11, s18;
	s12 =	sadd.s32 s18, s12  }
0xe: {  	s11 =	sadd.s32 s19, s3;
	s14 =	sadd.s32 s18, s14;
	s15 =	sadd.s32 s18, s15  }
0xf: {  	s18 =	sadd.s32 s18, s19;
	s19 =	simm.s32 $0x2800;
	s13 =	sshrl.u32 s13, $0x3  }
0x10: {  	s20 =	sshrl.u32 s12, $0x3;
	s14 =	sshrl.u32 s14, $0x3;
	s15 =	sshrl.u32 s15, $0x3  }
0x11: {  	s18 =	sshrl.u32 s18, $0x3;
	s17 =	smax.u32 s17, $0x1;
	s6 =	sadd.s32 s6, s5  }
0x12: {  	s12 =	sadd.s32 s16, s13;
	s13 =	sadd.s32 s16, s20;
	s14 =	sadd.s32 s16, s14  }
0x13: {  	s15 =	sadd.s32 s16, s15;
	s16 =	sadd.s32 s16, s18;
	s18 =	simm.s32 $0x2  }
0x14: {  	v0 =	vimm.f32 $0.0e+00;
	s20 =	simm.s32 $0x5000;
	s5 =	sadd.s32 $0xDC00, s6;
	s6 =	sadd.s32 $0x3C00, s6  }
.LBB2_1:
0x15: {  	[tilespmem:s4], [sflag:$0x2] =	stream.linear.gather [hbm4b:s5+s4], $0x2800, $0x38;
	[tilespmem:$0x1D000] =	vst v63  }
0x16: {  	_ =	swait.ge [sflag:s18], $0x2800  }
0x17: {  	[sflag:s18] =	ssyncset.done $0x0  }
0x18: {  	[sflag:s18] =	ssyncadd.s32 $0xFFFFD800  }
0x19: {  	[tilespmem:s19], [sflag:$0x2] =	stream.linear.gather [hbm4b:s6+s4], $0x2800, $0x38;
	[tilespmem:$0x1D000] =	vst v63  }
0x1a: {  	_ =	swait.ge [sflag:s18], $0x2800  }
0x1b: {  	[sflag:s18] =	ssyncset.done $0x0  }
0x1c: {  	s24 =	simm.s32 $0x0;
	s25 =	simm.s32 $0x200;
	[sflag:s18] =	ssyncadd.s32 $0xFFFFD800  }
.LBB2_2:
0x1d: {  	p0 =	sne.s32 s25, $0xFE00;
	[tilespmem:s24+$0x5070] =	vst v0  }
0x1e: {  	[tilespmem:s24+$0x5000] =	vst v0  }
0x1f: {  	[tilespmem:s24+$0x5010] =	vst v0  }
.Ltmp0:
0x20: {  	[tilespmem:s24+$0x5020] =	vst v0;
	(pc) =	sbr.rel @p0 .LBB2_2-.Ltmp0, $4  }
0x21: {  	[tilespmem:s24+$0x5030] =	vst v0  }
0x22: {  	[tilespmem:s24+$0x5040] =	vst v0  }
0x23: {  	[tilespmem:s24+$0x5050] =	vst v0  }
0x24: {  	[tilespmem:s24+$0x5060] =	vst v0;
	s24 =	sshra.s32 s25, $0x2;
	s25 =	sadd.s32 $0x200, s25  }
0x25: {  	[tilespmem:s24+$0x5070] =	vst v0  }
0x26: {  	[tilespmem:s24+$0x5000] =	vst v0  }
0x27: {  	[tilespmem:s24+$0x5010] =	vst v0  }
0x28: {  	[tilespmem:s24+$0x5020] =	vst v0  }
0x29: {  	[tilespmem:s24+$0x5030] =	vst v0  }
0x2a: {  	[tilespmem:s24+$0x5040] =	vst v0  }
0x2b: {  	[tilespmem:s24+$0x5050] =	vst v0  }
0x2c: {  	[tilespmem:s24+$0x5060] =	vst v0  }
0x2d: {  	[spmem:s7] =	stream.linear.scatter [tilespmem:s20], [sflag:$0x2], $0x4000, $0x38;
	[tilespmem:$0x1D000] =	vst v63  }
0x2e: {  	_ =	swait.ge [sflag:s18], $0x4000  }
0x2f: {  	[sflag:s18] =	ssyncset.done $0x0  }
0x30: {  	[sflag:s18] =	ssyncadd.s32 $0xFFFFC000  }
0x31: {  	[spmem:s8] =	stream.linear.scatter [tilespmem:s20], [sflag:$0x2], $0x4000, $0x38;
	[tilespmem:$0x1D000] =	vst v63  }
0x32: {  	_ =	swait.ge [sflag:s18], $0x4000  }
0x33: {  	[sflag:s18] =	ssyncset.done $0x0  }
0x34: {  	[sflag:s18] =	ssyncadd.s32 $0xFFFFC000  }
0x35: {  	[spmem:s9] =	stream.linear.scatter [tilespmem:s20], [sflag:$0x2], $0x4000, $0x38;
	[tilespmem:$0x1D000] =	vst v63  }
0x36: {  	_ =	swait.ge [sflag:s18], $0x4000  }
0x37: {  	[sflag:s18] =	ssyncset.done $0x0  }
0x38: {  	[sflag:s18] =	ssyncadd.s32 $0xFFFFC000  }
0x39: {  	[spmem:s10] =	stream.linear.scatter [tilespmem:s20], [sflag:$0x2], $0x4000, $0x38;
	[tilespmem:$0x1D000] =	vst v63  }
0x3a: {  	_ =	swait.ge [sflag:s18], $0x4000  }
0x3b: {  	[sflag:s18] =	ssyncset.done $0x0  }
0x3c: {  	[sflag:s18] =	ssyncadd.s32 $0xFFFFC000  }
0x3d: {  	[spmem:s11] =	stream.linear.scatter [tilespmem:s20], [sflag:$0x2], $0x4000, $0x38;
	[tilespmem:$0x1D000] =	vst v63  }
0x3e: {  	_ =	swait.ge [sflag:s18], $0x4000  }
0x3f: {  	[sflag:s18] =	ssyncset.done $0x0  }
0x40: {  	[sflag:s18] =	ssyncadd.s32 $0xFFFFC000  }
0x41: {  	s30 =	simm.s32 $0x0;
	[bflag:$0x0] =	sbarrier.arrive $0xFFFF  }
0x42: {  	[tilespmem:s20], [sflag:$0x1] =	stream.indirect.gather [hbm4b:s0+s21], $0x80, s30, s21, $0xb8;
	[tilespmem:$0x1D000] =	vst v63  }
0x43: {  	_ =	swait.ge [sflag:s22], $0x4000  }
0x44: {  	[sflag:s22] =	ssyncset.done $0x0  }
0x45: {  	s31 =	simm.s32 $0x2800;
	[sflag:s22] =	ssyncadd.s32 $0xFFFFC000  }
0x46: {  	[spmem:s3] =	stream.indirect.scatter.add.f32 [tilespmem:s20], [sflag:$0x2], $0x80, s31, s21, $0xb8;
	[tilespmem:$0x1D000] =	vst v63  }
0x47: {  	_ =	swait.ge [sflag:s18], $0x4000  }
0x48: {  	s24 =	simm.s32 $0x200;
	s25 =	simm.s32 $0x400;
	[sflag:s18] =	ssyncset.done $0x0  }
.LBB2_4:
0x49: {  	s26 =	sshra.s32 s24, $0x2  }
0x4a: {  	[sflag:s18] =	ssyncadd.s32 $0xFFFFC000;
	s24 =	smov.u32 s25;
	s28 =	sadd.s32 $0x200, s25  }
0x4b: {  	[tilespmem:s20], [sflag:$0x1] =	stream.indirect.gather [hbm4b:s0+s21], $0x80, s26, s21, $0xb8;
	[tilespmem:$0x1D000] =	vst v63  }
0x4c: {  	p0 =	sne.s32 s25, $0x9E00;
	_ =	swait.ge [sflag:s22], $0x4000  }
.Ltmp1:
0x4d: {  	[sflag:s22] =	ssyncset.done $0x0;
	(pc) =	sbr.rel @p0 .LBB2_4-.Ltmp1, $4  }
0x4e: {  	s25 =	sadd.s32 $0x2800, s26;
	[sflag:s22] =	ssyncadd.s32 $0xFFFFC000  }
0x4f: {  	[spmem:s3] =	stream.indirect.scatter.add.f32 [tilespmem:s20], [sflag:$0x2], $0x80, s25, s21, $0xb8;
	[tilespmem:$0x1D000] =	vst v63  }
0x50: {  	_ =	swait.ge [sflag:s18], $0x4000  }
0x51: {  	s25 =	smov.u32 s28;
	[sflag:s18] =	ssyncset.done $0x0  }
0x52: {  	s24 =	sshra.s32 s24, $0x2;
	[sflag:s18] =	ssyncadd.s32 $0xFFFFC000  }
0x53: {  	[tilespmem:s20], [sflag:$0x1] =	stream.indirect.gather [hbm4b:s0+s21], $0x80, s24, s21, $0xb8;
	[tilespmem:$0x1D000] =	vst v63  }
0x54: {  	_ =	swait.ge [sflag:s22], $0x4000  }
0x55: {  	[sflag:s22] =	ssyncset.done $0x0  }
0x56: {  	s24 =	sadd.s32 $0x2800, s24;
	[sflag:s22] =	ssyncadd.s32 $0xFFFFC000  }
0x57: {  	[spmem:s3] =	stream.indirect.scatter.add.f32 [tilespmem:s20], [sflag:$0x2], $0x80, s24, s21, $0xb8;
	[tilespmem:$0x1D000] =	vst v63  }
0x58: {  	_ =	swait.ge [sflag:s18], $0x4000  }
0x59: {  	[sflag:s18] =	ssyncset.done $0x0  }
0x5a: {  	[sflag:s18] =	ssyncadd.s32 $0xFFFFC000  }
0x5b: {  	[bflag:$0x0] =	sbarrier.arrive $0xFFFF  }
0x5c: {  	[tilespmem:s20], [sflag:$0x2] =	stream.linear.gather [spmem:s7], $0x4000, $0x38;
	[tilespmem:$0x1D000] =	vst v63  }
0x5d: {  	_ =	swait.ge [sflag:s18], $0x4000  }
0x5e: {  	[sflag:s18] =	ssyncset.done $0x0  }
0x5f: {  	[sflag:s18] =	ssyncadd.s32 $0xFFFFC000  }
0x60: {  	[hbm4b:s12+s4] =	stream.linear.scatter [tilespmem:s20], [sflag:$0x2], $0x4000, $0x38;
	[tilespmem:$0x1D000] =	vst v63  }
0x61: {  	_ =	swait.ge [sflag:s18], $0x4000  }
0x62: {  	[sflag:s18] =	ssyncset.done $0x0  }
0x63: {  	[sflag:s18] =	ssyncadd.s32 $0xFFFFC000  }
0x64: {  	[tilespmem:s20], [sflag:$0x2] =	stream.linear.gather [spmem:s8], $0x4000, $0x38;
	[tilespmem:$0x1D000] =	vst v63  }
0x65: {  	_ =	swait.ge [sflag:s18], $0x4000  }
0x66: {  	[sflag:s18] =	ssyncset.done $0x0  }
0x67: {  	[sflag:s18] =	ssyncadd.s32 $0xFFFFC000  }
0x68: {  	[hbm4b:s13+s4] =	stream.linear.scatter [tilespmem:s20], [sflag:$0x2], $0x4000, $0x38;
	[tilespmem:$0x1D000] =	vst v63  }
0x69: {  	_ =	swait.ge [sflag:s18], $0x4000  }
0x6a: {  	[sflag:s18] =	ssyncset.done $0x0  }
0x6b: {  	[sflag:s18] =	ssyncadd.s32 $0xFFFFC000  }
0x6c: {  	[tilespmem:s20], [sflag:$0x2] =	stream.linear.gather [spmem:s9], $0x4000, $0x38;
	[tilespmem:$0x1D000] =	vst v63  }
0x6d: {  	_ =	swait.ge [sflag:s18], $0x4000  }
0x6e: {  	[sflag:s18] =	ssyncset.done $0x0  }
0x6f: {  	[sflag:s18] =	ssyncadd.s32 $0xFFFFC000  }
0x70: {  	[hbm4b:s14+s4] =	stream.linear.scatter [tilespmem:s20], [sflag:$0x2], $0x4000, $0x38;
	[tilespmem:$0x1D000] =	vst v63  }
0x71: {  	_ =	swait.ge [sflag:s18], $0x4000  }
0x72: {  	[sflag:s18] =	ssyncset.done $0x0  }
0x73: {  	[sflag:s18] =	ssyncadd.s32 $0xFFFFC000  }
0x74: {  	[tilespmem:s20], [sflag:$0x2] =	stream.linear.gather [spmem:s10], $0x4000, $0x38;
	[tilespmem:$0x1D000] =	vst v63  }
0x75: {  	_ =	swait.ge [sflag:s18], $0x4000  }
0x76: {  	[sflag:s18] =	ssyncset.done $0x0  }
0x77: {  	[sflag:s18] =	ssyncadd.s32 $0xFFFFC000  }
0x78: {  	[hbm4b:s15+s4] =	stream.linear.scatter [tilespmem:s20], [sflag:$0x2], $0x4000, $0x38;
	[tilespmem:$0x1D000] =	vst v63  }
0x79: {  	_ =	swait.ge [sflag:s18], $0x4000  }
0x7a: {  	[sflag:s18] =	ssyncset.done $0x0  }
0x7b: {  	[sflag:s18] =	ssyncadd.s32 $0xFFFFC000  }
0x7c: {  	[tilespmem:s20], [sflag:$0x2] =	stream.linear.gather [spmem:s11], $0x4000, $0x38;
	[tilespmem:$0x1D000] =	vst v63  }
0x7d: {  	s23 =	sadd.s32 $0x1, s23;
	_ =	swait.ge [sflag:s18], $0x4000  }
0x7e: {  	p0 =	sne.s32 s23, s17;
	[sflag:s18] =	ssyncset.done $0x0  }
.Ltmp2:
0x7f: {  	[sflag:s18] =	ssyncadd.s32 $0xFFFFC000;
	(pc) =	sbr.rel @p0 .LBB2_1-.Ltmp2, $4  }
0x80: {  	[hbm4b:s16+s4] =	stream.linear.scatter [tilespmem:s20], [sflag:$0x2], $0x4000, $0x38;
	[tilespmem:$0x1D000] =	vst v63  }
0x81: {  	_ =	swait.ge [sflag:s18], $0x4000  }
0x82: {  	[sflag:s18] =	ssyncset.done $0x0  }
0x83: {  	[sflag:s18] =	ssyncadd.s32 $0xFFFFC000  }
0x84: {  	_ =	sfence.sel $0x180000  }
0x85: {  	[bflag:$0x0] =	sbarrier.arrive $0xFFFF  }
0x86: {  	p0 =	sne.s32 s2, $0x0;
	_ =	strace $0x9000004A  }
0x87: {  	s0 =	sadd.s32 @!p0 $0x100000, s1;
	[bflag:$0x2] =	sbarrier.arrive $0xFFFF  }
0x88: {  	[sflag:s0] =	ssyncadd.tile.s32 @!p0 $0x1;
	_ =	shalt  }
.Lfunc_end2:
_tile_overlayer_lowered:
.L_overlay_start_2:
0x89: {  	(tag) =	ssettag $0x2  }
0x8a: {  	s0 =	rddreg [dreg:$0x0];
	s2 =	stileid.u32  }
0x8b: {  	s1 =	rddreg [dreg:$0x1];
	p0 =	sne.s32 s2, $0x0  }
0x8c: {  	s3 =	rddreg [dreg:$0x2];
	[bflag:$0x3] =	sbarrier.arrive $0xFFFF;
	s2 =	simm.s32 @!p0 $0x1C02  }
0x8d: {  	[timem:s3], [sflag:s2] =	dma.local @!p0 [hbm:s0], s1  }
0x8e: {  	s0 =	simm.s32 @!p0 $0x2  }
0x8f: {  	_ =	swait.ge @!p0 [sflag:s0], s1  }
0x90: {  	s1 =	ssub.s32 @!p0 $0x0, s1;
	[sflag:s0] =	ssyncset.done @!p0 $0x0  }
0x91: {  	[sflag:s0] =	ssyncadd.s32 @!p0 s1  }
0x92: {  	[bflag:$0x3] =	sbarrier.arrive $0xFFFF  }
0x93: {  	_ =	shalt  }

// kernel: kernel.14.cloned.1.call-start
scs
__scs_entry_jumppad:
0x0: {  	(pc) =	sbr.rel $0x88, $3  }
0x1: {  	(tag) =	ssettag $0x0;
	lr =	simm.s32 $0x1  }
0x2: {  	[smem:$0x3F94] =	sst lr;
	_ =	strace $0xD0000000  }
0x3: {  	_ = 	snop  }
0x4: {  	_ = 	snop  }
0x5: {  	_ = 	snop  }
0x6: {  	_ = 	snop  }
0x7: {  	_ = 	snop  }
__scs_overlays_trampoline_lowered:
0x8: {  	[smem:$0x3FA3] =	sst s0  }
0x9: {  	[smem:$0x3FA4] =	sst s1  }
0xa: {  	[smem:$0x3FA5] =	sst s2  }
0xb: {  	[smem:$0x3FA6] =	sst s3  }
0xc: {  	[smem:$0x3FA7] =	sst s4  }
0xd: {  	[smem:$0x3FA8] =	sst s5  }
0xe: {  	[smem:$0x3FA9] =	sst s6  }
0xf: {  	[smem:$0x3FAA] =	sst s7  }
0x10: {  	[smem:$0x3FAB] =	sst s8  }
0x11: {  	[smem:$0x3FAC] =	sst s9;
	s0 =	simm.s32 @!p0 $0x0  }
0x12: {  	s1 =	sld [smem:$0x3F92];
	s0 =	simm.s32 @p0 $0x1  }
0x13: {  	[smem:$0x3FAD] =	sst s0;
	s0 =	simm.s32 @!p1 $0x0  }
0x14: {  	s2 =	sld [smem:$0x3F91];
	s0 =	simm.s32 @p1 $0x1  }
0x15: {  	[smem:$0x3FAE] =	sst s0;
	s0 =	simm.s32 @!p2 $0x0  }
0x16: {  	s3 =	sld [smem:$0x3FDB];
	s0 =	simm.s32 @p2 $0x1  }
0x17: {  	s4 =	simm.s32 $0x1BF5;
	[smem:$0x3FB0] =	sst s0  }
0x18: {  	s0 =	sld [smem:$0x3F93];
	_ =	swait.ge [sflag:s4], $0x0  }
0x19: {  	s7 =	sld [smem:$0x3F94]  }
0x1a: {  	s8 =	sadd.s32 $0xFFFFE003, lr  }
0x1b: {  	s9 =	sadd.s32 $0xFFFFFEF7, lr;
	s5 =	simm.s32 $0xFFFFFFFF;
	p2 =	slt.u32 s8, $0xFFFFF086  }
0x1c: {  	p1 =	slt.u32 s9, $0xF7A;
	s5 =	simm.s32 @!p2 $0x0  }
0x1d: {  	s5 =	simm.s32 @p1 $0x1;
	p0 =	seq.s32 s7, s2  }
0x1e: {  	s7 =	smul.u32 @!p0 $0xF7A, s2;
	p2 =	seq.s32 @!p0 s5, $0x0  }
0x1f: {  	s9 =	smul.u32 $0xF7A, s1;
	s8 =	simm.s32 @!p0 $0x1BF5;
	p2 =	por !p2, p0  }
0x20: {  	[sflag:s8] =	ssyncset.s32 @!p0 $0xFFFFF086;
	s6 =	sadd.s32 @!p0 s3, s7;
	s7 =	simm.s32 @!p0 $0x108  }
0x21: {  	s3 =	sadd.s32 s3, s9;
	s6 =	sadd.s32 @!p0 $0x88, s6;
	s7 =	simm.s32 @p2 $0x1082  }
0x22: {  	[simem:s7], [sflag:s8] =	dma.local @!p0 [hbm:s6], $0xF7A  }
0x23: {  	s9 =	sor.u32 $0xD0000000, s2;
	s6 =	simm.s32 $0x108;
	_ =	swait.ge @!p0 [sflag:s8], $0x0  }
0x24: {  	s3 =	sadd.s32 $0x88, s3;
	s6 =	simm.s32 @!p1 $0x1082;
	[sflag:s4] =	ssyncset.s32 $0xFFFFF086  }
0x25: {  	[simem:s6], [sflag:s4] =	dma.local [hbm:s3], $0xF7A  }
0x26: {  	[smem:$0x3F94] =	sst s1;
	(tag) =	ssettag s2;
	_ =	strace s9  }
0x27: {  	s1 =	sld [smem:$0x3FA4]  }
0x28: {  	s2 =	sld [smem:$0x3FA5]  }
0x29: {  	s4 =	sld [smem:$0x3FA7]  }
0x2a: {  	p0 =	seq.s32 s5, $0x0;
	s5 =	sld [smem:$0x3FA8]  }
0x2b: {  	s6 =	sld [smem:$0x3FA9]  }
0x2c: {  	s7 =	sld [smem:$0x3FAA]  }
0x2d: {  	s3 =	simm.s32 $0x108;
	s8 =	sld [smem:$0x3FAB]  }
0x2e: {  	s3 =	simm.s32 @!p0 $0x1082;
	s9 =	sld [smem:$0x3FAC]  }
0x2f: {  	lr =	sadd.s32 s0, s3;
	s0 =	sld [smem:$0x3FA3]  }
0x30: {  	s3 =	sld [smem:$0x3FA6]  }
0x31: {  	[smem:$0x3FAF] =	sst s10  }
0x32: {  	s10 =	sld [smem:$0x3FAD];
	_ =	sdelay $0x3  }
0x33: {  	p0 =	seq.s32 s10, $0x1;
	s10 =	sld [smem:$0x3FAF];
	_ =	sdelay $0x3  }
0x34: {  	[smem:$0x3FAF] =	sst s10  }
0x35: {  	s10 =	sld [smem:$0x3FAE];
	_ =	sdelay $0x3  }
0x36: {  	p1 =	seq.s32 s10, $0x1;
	s10 =	sld [smem:$0x3FAF];
	_ =	sdelay $0x3  }
0x37: {  	[smem:$0x3FAF] =	sst s10  }
0x38: {  	s10 =	sld [smem:$0x3FB0]  }
0x39: {  	_ = 	snop;
	(pc) =	sbr.ind lr, $3  }
0x3a: {  	_ = 	snop  }
0x3b: {  	_ = 	snop  }
0x3c: {  	p2 =	seq.s32 s10, $0x1;
	s10 =	sld [smem:$0x3FAF]  }
0x3d: {  	_ =	shalt  }
0x3e: {  	_ =	shalt  }
0x3f: {  	_ =	shalt  }
0x40: {  	_ =	shalt  }
0x41: {  	_ =	shalt  }
0x42: {  	_ =	shalt  }
0x43: {  	_ =	shalt  }
0x44: {  	_ =	shalt  }
0x45: {  	_ =	shalt  }
0x46: {  	_ =	shalt  }
0x47: {  	_ =	shalt  }
0x48: {  	_ =	shalt  }
0x49: {  	_ =	shalt  }
0x4a: {  	_ =	shalt  }
0x4b: {  	_ =	shalt  }
0x4c: {  	_ =	shalt  }
0x4d: {  	_ =	shalt  }
0x4e: {  	_ =	shalt  }
0x4f: {  	_ =	shalt  }
0x50: {  	_ =	shalt  }
0x51: {  	_ =	shalt  }
0x52: {  	_ =	shalt  }
0x53: {  	_ =	shalt  }
0x54: {  	_ =	shalt  }
0x55: {  	_ =	shalt  }
0x56: {  	_ =	shalt  }
0x57: {  	_ =	shalt  }
0x58: {  	_ =	shalt  }
0x59: {  	_ =	shalt  }
0x5a: {  	_ =	shalt  }
0x5b: {  	_ =	shalt  }
0x5c: {  	_ =	shalt  }
0x5d: {  	_ =	shalt  }
0x5e: {  	_ =	shalt  }
0x5f: {  	_ =	shalt  }
0x60: {  	_ =	shalt  }
0x61: {  	_ =	shalt  }
0x62: {  	_ =	shalt  }
0x63: {  	_ =	shalt  }
0x64: {  	_ =	shalt  }
0x65: {  	_ =	shalt  }
0x66: {  	_ =	shalt  }
0x67: {  	_ =	shalt  }
0x68: {  	_ =	shalt  }
0x69: {  	_ =	shalt  }
0x6a: {  	_ =	shalt  }
0x6b: {  	_ =	shalt  }
0x6c: {  	_ =	shalt  }
0x6d: {  	_ =	shalt  }
0x6e: {  	_ =	shalt  }
0x6f: {  	_ =	shalt  }
0x70: {  	_ =	shalt  }
0x71: {  	_ =	shalt  }
0x72: {  	_ =	shalt  }
0x73: {  	_ =	shalt  }
0x74: {  	_ =	shalt  }
0x75: {  	_ =	shalt  }
0x76: {  	_ =	shalt  }
0x77: {  	_ =	shalt  }
0x78: {  	_ =	shalt  }
0x79: {  	_ =	shalt  }
0x7a: {  	_ =	shalt  }
0x7b: {  	_ =	shalt  }
0x7c: {  	_ =	shalt  }
0x7d: {  	_ =	shalt  }
0x7e: {  	_ =	shalt  }
0x7f: {  	_ =	shalt  }
0x80: {  	_ =	shalt  }
0x81: {  	_ =	shalt  }
0x82: {  	_ =	shalt  }
0x83: {  	_ =	shalt  }
0x84: {  	_ =	shalt  }
0x85: {  	_ =	shalt  }
0x86: {  	_ =	shalt  }
0x87: {  	_ =	shalt  }
.Lfunc_end0:
.L_simem_size_0:
called_computation.2_lowered:
.L_overlay_start_0:
0x88: {  	s2 =	sld [smem:$0x3FD9]  }
0x89: {  	s3 =	sld [smem:$0x3FFE];
	_ =	sdelay $0x1  }
0x8a: {  	s1 =	srdreg.scid  }
0x8b: {  	s0 =	sand.u32 $0x1, s1  }
0x8c: {  	s17 =	sshll.u32 s0, $0xA;
	s2 =	sadd.s32 s3, s2  }
0x8d: {  	s2 =	sadd.s32 s2, s17  }
0x8e: {  	[smem:$0x3FBB] =	sst s2  }
0x8f: {  	_ = 	snop  }
0x90: {  	s2 =	sld [smem:$0x3FD0];
	(tm) =	ssettm $0x1  }
0x91: {  	s18 =	sld [smem:$0x3FFB];
	_ =	sdelay $0x3  }
0x92: {  	_ =	strace s18  }
0x93: {  	s3 =	sld [smem:$0x3FFC];
	_ =	sdelay $0x3  }
0x94: {  	_ =	strace s3  }
0x95: {  	s3 =	sld [smem:$0x3FFD];
	_ =	sdelay $0x3  }
0x96: {  	_ =	strace s3  }
0x97: {  	_ =	strace $0x8FFFFFFF  }
0x98: {  	s19 =	sld [smem:$0x3FDB];
	_ =	sdelay $0x1  }
0x99: {  	s4 =	simm.s32 $_scs_section_size  }
0x9a: {  	s5 =	simm.s32 $_size__tile_overlayer_lowered;
	s6 =	simm.s32 $_tile_overlayer_lowered  }
0x9b: {  	s22 =	simm.s32 $0x1BFF;
	s21 =	sshll.u32 s6, $0x1;
	s3 =	sadd.s32 s4, s19  }
0x9c: {  	s7 =	simm.s32 $0x0;
	s20 =	sshll.u32 s5, $0x1;
	s5 =	sadd.s32 s21, s3  }
0x9d: {  	[timem:s7], [sflag:s22] =	dma.local [hbm:s5], s20  }
0x9e: {  	_ =	swait.ge [sflag:s22], s20  }
0x9f: {  	s4 =	ssub.s32 $0x0, s20;
	[sflag:s22] =	ssyncset.done $0x0  }
0xa0: {  	[sflag:s22] =	ssyncadd.s32 s4;
	_ =	sdelay $0x1  }
0xa1: {  	s23 =	simm.s32 $0x1B8B  }
0xa2: {  	_ =	swait.ge [sflag:s23], $0x1  }
0xa3: {  	[sflag:s23] =	ssyncset.done $0x0  }
0xa4: {  	s25 =	simm.s32 $0x1B8E;
	s24 =	sld [smem:$0x3FFE];
	[sflag:s23] =	ssyncadd.s32 $0xFFFFFFFF  }
0xa5: {  	s26 =	simm.s32 $execute0_lowered;
	[smem:$0x3FD2] =	sst s25  }
0xa6: {  	s5 =	sshll.u32 s26, $0x1;
	_ =	strace $0x8000004C;
	[dreg:$0x1] =	wrdreg $0xFFFFFFFF  }
0xa7: {  	s28 =	simm.s32 $_size_execute0_lowered;
	s3 =	sadd.s32 s3, s5;
	[dreg:$0x0] =	wrdreg $0x0  }
0xa8: {  	s5 =	sshll.u32 s28, $0x1;
	[dreg:$0x2] =	wrdreg s3  }
0xa9: {  	[dreg:$0x3] =	wrdreg s5  }
0xaa: {  	[dreg:$0x4] =	wrdreg $0xC0  }
0xab: {  	_ =	task [dreg:s7], $0x5FFFF  }
0xac: {  	[dreg:$0x1] =	wrdreg $0xFFFFFFFF  }
0xad: {  	[dreg:$0x0] =	wrdreg $0x60  }
0xae: {  	[dreg:$0x2] =	wrdreg s2  }
0xaf: {  	[dreg:$0x3] =	wrdreg s24  }
0xb0: {  	[dreg:$0x4] =	wrdreg $0x90000  }
0xb1: {  	[dreg:$0x5] =	wrdreg $0x9  }
0xb2: {  	_ =	task.clear_ibuf [dreg:s7], $0x6FFFF;
	_ =	strace $0x9000004C  }
0xb3: {  	s29 =	simm.s32 $0x9;
	_ =	strace $0x8000004E  }
0xb4: {  	_ =	swait.ge [sflag:s29], $0x1  }
0xb5: {  	[sflag:s29] =	ssyncadd.s32 $0xFFFFFFFF  }
0xb6: {  	_ =	strace $0x9000004E  }
0xb7: {  	_ =	sfence  }
0xb8: {  	s30 =	sld [smem:$0x0];
	_ =	sdelay $0x2  }
0xb9: {  	s31 =	sshll.u32 s1, $0xD;
	s1 =	sshrl.u32 s1, $0x2  }
0xba: {  	s3 =	sand.u32 $0x4000, s31;
	s1 =	sadd.s32 s1, s30  }
0xbb: {  	s0 =	sor.u32 s3, s0;
	s1 =	sshll.u32 s1, $0x11  }
0xbc: {  	s0 =	sor.u32 s1, s0  }
0xbd: {  	s0 =	sadd.s32 $0x8F2B, s0  }
0xbe: {  	[sflag:s0] =	ssyncadd.remote.s32 $0x1  }
0xbf: {  	_ =	sfence.sel $0xFFFF  }
0xc0: {  	[dreg:$0x0] =	wrdreg $0xFFFFFFFF;
	(pc) =	sbr.abs _section_cstart, $3  }
0xc1: {  	[dreg:$0x1] =	wrdreg $0xFFFFFFFF  }
0xc2: {  	_ =	task.clear_ibuf [dreg:s7], $0x2FFFF;
	_ =	strace $0x9FFFFFFF  }
0xc3: {  	(tm) =	ssettm $0x7FFFFFFF  }
tec
execute0_lowered:
.L_overlay_start_1:
0x0: {  	(tag) =	ssettag $0x1  }
0x1: {  	s0 =	rddreg [dreg:$0x0]  }
0x2: {  	s5 =	rddreg [dreg:$0x1]  }
0x3: {  	s1 =	srdreg.scid;
	s3 =	rddreg [dreg:$0x2]  }
0x4: {  	s2 =	stileid.u32;
	s4 =	simm.s32 $0x0;
	s21 =	simm.s32 $0x80  }
0x5: {  	s22 =	simm.s32 $0x1;
	s8 =	sand.u32 $0x1, s1;
	s1 =	rddreg [dreg:$0x3]  }
0x6: {  	s23 =	simm.s32 $0x0;
	[smem:$0x7FF] =	sst s4;
	s9 =	smul.u32 $0x50000, s2  }
0x7: {  	s16 =	sadd.s32 $0x17C00, s5;
	s11 =	smul.u32 $0x14000, s2;
	s6 =	sshll.u32 s8, $0x4  }
0x8: {  	_ =	strace $0x8000004D;
	s7 =	ssub.s32 $0x2, s8;
	s18 =	smul.u32 $0x140000, s8  }
0x9: {  	s6 =	sor.u32 s2, s6;
	s30 =	sshrl.u32 s7, $0x1;
	s31 =	sshrl.u32 s9, $0x2  }
0xa: {  	s12 =	sadd.s32 $0x4000, s11;
	s14 =	sadd.s32 $0x8000, s11;
	s15 =	sadd.s32 $0xC000, s11  }
0xb: {  	s19 =	sadd.s32 $0x10000, s11;
	s6 =	smul.u32 $0x500, s6;
	s17 =	ssub.s32 s7, s30  }
0xc: {  	s7 =	sadd.s32 s31, s3;
	s8 =	sadd.s32 s12, s3;
	s9 =	sadd.s32 s14, s3  }
0xd: {  	s10 =	sadd.s32 s15, s3;
	s13 =	sadd.s32 s11, s18;
	s12 =	sadd.s32 s18, s12  }
0xe: {  	s11 =	sadd.s32 s19, s3;
	s14 =	sadd.s32 s18, s14;
	s15 =	sadd.s32 s18, s15  }
0xf: {  	s18 =	sadd.s32 s18, s19;
	s19 =	simm.s32 $0x2800;
	s13 =	sshrl.u32 s13, $0x3  }
0x10: {  	s20 =	sshrl.u32 s12, $0x3;
	s14 =	sshrl.u32 s14, $0x3;
	s15 =	sshrl.u32 s15, $0x3  }
0x11: {  	s18 =	sshrl.u32 s18, $0x3;
	s17 =	smax.u32 s17, $0x1;
	s6 =	sadd.s32 s6, s5  }
0x12: {  	s12 =	sadd.s32 s16, s13;
	s13 =	sadd.s32 s16, s20;
	s14 =	sadd.s32 s16, s14  }
0x13: {  	s15 =	sadd.s32 s16, s15;
	s16 =	sadd.s32 s16, s18;
	s18 =	simm.s32 $0x2  }
0x14: {  	v0 =	vimm.f32 $0.0e+00;
	s20 =	simm.s32 $0x5000;
	s5 =	sadd.s32 $0xDC00, s6;
	s6 =	sadd.s32 $0x3C00, s6  }
.LBB2_1:
0x15: {  	[tilespmem:s4], [sflag:$0x2] =	stream.linear.gather [hbm4b:s5+s4], $0x2800, $0x38;
	[tilespmem:$0x1D000] =	vst v63  }
0x16: {  	_ =	swait.ge [sflag:s18], $0x2800  }
0x17: {  	[sflag:s18] =	ssyncset.done $0x0  }
0x18: {  	[sflag:s18] =	ssyncadd.s32 $0xFFFFD800  }
0x19: {  	[tilespmem:s19], [sflag:$0x2] =	stream.linear.gather [hbm4b:s6+s4], $0x2800, $0x38;
	[tilespmem:$0x1D000] =	vst v63  }
0x1a: {  	_ =	swait.ge [sflag:s18], $0x2800  }
0x1b: {  	[sflag:s18] =	ssyncset.done $0x0  }
0x1c: {  	s24 =	simm.s32 $0x0;
	s25 =	simm.s32 $0x200;
	[sflag:s18] =	ssyncadd.s32 $0xFFFFD800  }
.LBB2_2:
0x1d: {  	p0 =	sne.s32 s25, $0xFE00;
	[tilespmem:s24+$0x5070] =	vst v0  }
0x1e: {  	[tilespmem:s24+$0x5000] =	vst v0  }
0x1f: {  	[tilespmem:s24+$0x5010] =	vst v0  }
.Ltmp0:
0x20: {  	[tilespmem:s24+$0x5020] =	vst v0;
	(pc) =	sbr.rel @p0 .LBB2_2-.Ltmp0, $4  }
0x21: {  	[tilespmem:s24+$0x5030] =	vst v0  }
0x22: {  	[tilespmem:s24+$0x5040] =	vst v0  }
0x23: {  	[tilespmem:s24+$0x5050] =	vst v0  }
0x24: {  	[tilespmem:s24+$0x5060] =	vst v0;
	s24 =	sshra.s32 s25, $0x2;
	s25 =	sadd.s32 $0x200, s25  }
0x25: {  	[tilespmem:s24+$0x5070] =	vst v0  }
0x26: {  	[tilespmem:s24+$0x5000] =	vst v0  }
0x27: {  	[tilespmem:s24+$0x5010] =	vst v0  }
0x28: {  	[tilespmem:s24+$0x5020] =	vst v0  }
0x29: {  	[tilespmem:s24+$0x5030] =	vst v0  }
0x2a: {  	[tilespmem:s24+$0x5040] =	vst v0  }
0x2b: {  	[tilespmem:s24+$0x5050] =	vst v0  }
0x2c: {  	[tilespmem:s24+$0x5060] =	vst v0  }
0x2d: {  	[spmem:s7] =	stream.linear.scatter [tilespmem:s20], [sflag:$0x2], $0x4000, $0x38;
	[tilespmem:$0x1D000] =	vst v63  }
0x2e: {  	_ =	swait.ge [sflag:s18], $0x4000  }
0x2f: {  	[sflag:s18] =	ssyncset.done $0x0  }
0x30: {  	[sflag:s18] =	ssyncadd.s32 $0xFFFFC000  }
0x31: {  	[spmem:s8] =	stream.linear.scatter [tilespmem:s20], [sflag:$0x2], $0x4000, $0x38;
	[tilespmem:$0x1D000] =	vst v63  }
0x32: {  	_ =	swait.ge [sflag:s18], $0x4000  }
0x33: {  	[sflag:s18] =	ssyncset.done $0x0  }
0x34: {  	[sflag:s18] =	ssyncadd.s32 $0xFFFFC000  }
0x35: {  	[spmem:s9] =	stream.linear.scatter [tilespmem:s20], [sflag:$0x2], $0x4000, $0x38;
	[tilespmem:$0x1D000] =	vst v63  }
0x36: {  	_ =	swait.ge [sflag:s18], $0x4000  }
0x37: {  	[sflag:s18] =	ssyncset.done $0x0  }
0x38: {  	[sflag:s18] =	ssyncadd.s32 $0xFFFFC000  }
0x39: {  	[spmem:s10] =	stream.linear.scatter [tilespmem:s20], [sflag:$0x2], $0x4000, $0x38;
	[tilespmem:$0x1D000] =	vst v63  }
0x3a: {  	_ =	swait.ge [sflag:s18], $0x4000  }
0x3b: {  	[sflag:s18] =	ssyncset.done $0x0  }
0x3c: {  	[sflag:s18] =	ssyncadd.s32 $0xFFFFC000  }
0x3d: {  	[spmem:s11] =	stream.linear.scatter [tilespmem:s20], [sflag:$0x2], $0x4000, $0x38;
	[tilespmem:$0x1D000] =	vst v63  }
0x3e: {  	_ =	swait.ge [sflag:s18], $0x4000  }
0x3f: {  	[sflag:s18] =	ssyncset.done $0x0  }
0x40: {  	[sflag:s18] =	ssyncadd.s32 $0xFFFFC000  }
0x41: {  	s30 =	simm.s32 $0x0;
	[bflag:$0x0] =	sbarrier.arrive $0xFFFF  }
0x42: {  	[tilespmem:s20], [sflag:$0x1] =	stream.indirect.gather [hbm4b:s0+s21], $0x80, s30, s21, $0xb8;
	[tilespmem:$0x1D000] =	vst v63  }
0x43: {  	_ =	swait.ge [sflag:s22], $0x4000  }
0x44: {  	[sflag:s22] =	ssyncset.done $0x0  }
0x45: {  	s31 =	simm.s32 $0x2800;
	[sflag:s22] =	ssyncadd.s32 $0xFFFFC000  }
0x46: {  	[spmem:s3] =	stream.indirect.scatter.add.f32 [tilespmem:s20], [sflag:$0x2], $0x80, s31, s21, $0xb8;
	[tilespmem:$0x1D000] =	vst v63  }
0x47: {  	_ =	swait.ge [sflag:s18], $0x4000  }
0x48: {  	s24 =	simm.s32 $0x200;
	s25 =	simm.s32 $0x400;
	[sflag:s18] =	ssyncset.done $0x0  }
.LBB2_4:
0x49: {  	s26 =	sshra.s32 s24, $0x2  }
0x4a: {  	[sflag:s18] =	ssyncadd.s32 $0xFFFFC000;
	s24 =	smov.u32 s25;
	s28 =	sadd.s32 $0x200, s25  }
0x4b: {  	[tilespmem:s20], [sflag:$0x1] =	stream.indirect.gather [hbm4b:s0+s21], $0x80, s26, s21, $0xb8;
	[tilespmem:$0x1D000] =	vst v63  }
0x4c: {  	p0 =	sne.s32 s25, $0x9E00;
	_ =	swait.ge [sflag:s22], $0x4000  }
.Ltmp1:
0x4d: {  	[sflag:s22] =	ssyncset.done $0x0;
	(pc) =	sbr.rel @p0 .LBB2_4-.Ltmp1, $4  }
0x4e: {  	s25 =	sadd.s32 $0x2800, s26;
	[sflag:s22] =	ssyncadd.s32 $0xFFFFC000  }
0x4f: {  	[spmem:s3] =	stream.indirect.scatter.add.f32 [tilespmem:s20], [sflag:$0x2], $0x80, s25, s21, $0xb8;
	[tilespmem:$0x1D000] =	vst v63  }
0x50: {  	_ =	swait.ge [sflag:s18], $0x4000  }
0x51: {  	s25 =	smov.u32 s28;
	[sflag:s18] =	ssyncset.done $0x0  }
0x52: {  	s24 =	sshra.s32 s24, $0x2;
	[sflag:s18] =	ssyncadd.s32 $0xFFFFC000  }
0x53: {  	[tilespmem:s20], [sflag:$0x1] =	stream.indirect.gather [hbm4b:s0+s21], $0x80, s24, s21, $0xb8;
	[tilespmem:$0x1D000] =	vst v63  }
0x54: {  	_ =	swait.ge [sflag:s22], $0x4000  }
0x55: {  	[sflag:s22] =	ssyncset.done $0x0  }
0x56: {  	s24 =	sadd.s32 $0x2800, s24;
	[sflag:s22] =	ssyncadd.s32 $0xFFFFC000  }
0x57: {  	[spmem:s3] =	stream.indirect.scatter.add.f32 [tilespmem:s20], [sflag:$0x2], $0x80, s24, s21, $0xb8;
	[tilespmem:$0x1D000] =	vst v63  }
0x58: {  	_ =	swait.ge [sflag:s18], $0x4000  }
0x59: {  	[sflag:s18] =	ssyncset.done $0x0  }
0x5a: {  	[sflag:s18] =	ssyncadd.s32 $0xFFFFC000  }
0x5b: {  	[bflag:$0x0] =	sbarrier.arrive $0xFFFF  }
0x5c: {  	[tilespmem:s20], [sflag:$0x2] =	stream.linear.gather [spmem:s7], $0x4000, $0x38;
	[tilespmem:$0x1D000] =	vst v63  }
0x5d: {  	_ =	swait.ge [sflag:s18], $0x4000  }
0x5e: {  	[sflag:s18] =	ssyncset.done $0x0  }
0x5f: {  	[sflag:s18] =	ssyncadd.s32 $0xFFFFC000  }
0x60: {  	[hbm4b:s12+s4] =	stream.linear.scatter [tilespmem:s20], [sflag:$0x2], $0x4000, $0x38;
	[tilespmem:$0x1D000] =	vst v63  }
0x61: {  	_ =	swait.ge [sflag:s18], $0x4000  }
0x62: {  	[sflag:s18] =	ssyncset.done $0x0  }
0x63: {  	[sflag:s18] =	ssyncadd.s32 $0xFFFFC000  }
0x64: {  	[tilespmem:s20], [sflag:$0x2] =	stream.linear.gather [spmem:s8], $0x4000, $0x38;
	[tilespmem:$0x1D000] =	vst v63  }
0x65: {  	_ =	swait.ge [sflag:s18], $0x4000  }
0x66: {  	[sflag:s18] =	ssyncset.done $0x0  }
0x67: {  	[sflag:s18] =	ssyncadd.s32 $0xFFFFC000  }
0x68: {  	[hbm4b:s13+s4] =	stream.linear.scatter [tilespmem:s20], [sflag:$0x2], $0x4000, $0x38;
	[tilespmem:$0x1D000] =	vst v63  }
0x69: {  	_ =	swait.ge [sflag:s18], $0x4000  }
0x6a: {  	[sflag:s18] =	ssyncset.done $0x0  }
0x6b: {  	[sflag:s18] =	ssyncadd.s32 $0xFFFFC000  }
0x6c: {  	[tilespmem:s20], [sflag:$0x2] =	stream.linear.gather [spmem:s9], $0x4000, $0x38;
	[tilespmem:$0x1D000] =	vst v63  }
0x6d: {  	_ =	swait.ge [sflag:s18], $0x4000  }
0x6e: {  	[sflag:s18] =	ssyncset.done $0x0  }
0x6f: {  	[sflag:s18] =	ssyncadd.s32 $0xFFFFC000  }
0x70: {  	[hbm4b:s14+s4] =	stream.linear.scatter [tilespmem:s20], [sflag:$0x2], $0x4000, $0x38;
	[tilespmem:$0x1D000] =	vst v63  }
0x71: {  	_ =	swait.ge [sflag:s18], $0x4000  }
0x72: {  	[sflag:s18] =	ssyncset.done $0x0  }
0x73: {  	[sflag:s18] =	ssyncadd.s32 $0xFFFFC000  }
0x74: {  	[tilespmem:s20], [sflag:$0x2] =	stream.linear.gather [spmem:s10], $0x4000, $0x38;
	[tilespmem:$0x1D000] =	vst v63  }
0x75: {  	_ =	swait.ge [sflag:s18], $0x4000  }
0x76: {  	[sflag:s18] =	ssyncset.done $0x0  }
0x77: {  	[sflag:s18] =	ssyncadd.s32 $0xFFFFC000  }
0x78: {  	[hbm4b:s15+s4] =	stream.linear.scatter [tilespmem:s20], [sflag:$0x2], $0x4000, $0x38;
	[tilespmem:$0x1D000] =	vst v63  }
0x79: {  	_ =	swait.ge [sflag:s18], $0x4000  }
0x7a: {  	[sflag:s18] =	ssyncset.done $0x0  }
0x7b: {  	[sflag:s18] =	ssyncadd.s32 $0xFFFFC000  }
0x7c: {  	[tilespmem:s20], [sflag:$0x2] =	stream.linear.gather [spmem:s11], $0x4000, $0x38;
	[tilespmem:$0x1D000] =	vst v63  }
0x7d: {  	s23 =	sadd.s32 $0x1, s23;
	_ =	swait.ge [sflag:s18], $0x4000  }
0x7e: {  	p0 =	sne.s32 s23, s17;
	[sflag:s18] =	ssyncset.done $0x0  }
.Ltmp2:
0x7f: {  	[sflag:s18] =	ssyncadd.s32 $0xFFFFC000;
	(pc) =	sbr.rel @p0 .LBB2_1-.Ltmp2, $4  }
0x80: {  	[hbm4b:s16+s4] =	stream.linear.scatter [tilespmem:s20], [sflag:$0x2], $0x4000, $0x38;
	[tilespmem:$0x1D000] =	vst v63  }
0x81: {  	_ =	swait.ge [sflag:s18], $0x4000  }
0x82: {  	[sflag:s18] =	ssyncset.done $0x0  }
0x83: {  	[sflag:s18] =	ssyncadd.s32 $0xFFFFC000  }
0x84: {  	_ =	sfence.sel $0x180000  }
0x85: {  	[bflag:$0x0] =	sbarrier.arrive $0xFFFF  }
0x86: {  	p0 =	sne.s32 s2, $0x0;
	_ =	strace $0x9000004D  }
0x87: {  	s0 =	sadd.s32 @!p0 $0x100000, s1;
	[bflag:$0x2] =	sbarrier.arrive $0xFFFF  }
0x88: {  	[sflag:s0] =	ssyncadd.tile.s32 @!p0 $0x1;
	_ =	shalt  }
.Lfunc_end2:
_tile_overlayer_lowered:
.L_overlay_start_2:
0x89: {  	(tag) =	ssettag $0x2  }
0x8a: {  	s0 =	rddreg [dreg:$0x0];
	s2 =	stileid.u32  }
0x8b: {  	s1 =	rddreg [dreg:$0x1];
	p0 =	sne.s32 s2, $0x0  }
0x8c: {  	s3 =	rddreg [dreg:$0x2];
	[bflag:$0x3] =	sbarrier.arrive $0xFFFF;
	s2 =	simm.s32 @!p0 $0x1C02  }
0x8d: {  	[timem:s3], [sflag:s2] =	dma.local @!p0 [hbm:s0], s1  }
0x8e: {  	s0 =	simm.s32 @!p0 $0x2  }
0x8f: {  	_ =	swait.ge @!p0 [sflag:s0], s1  }
0x90: {  	s1 =	ssub.s32 @!p0 $0x0, s1;
	[sflag:s0] =	ssyncset.done @!p0 $0x0  }
0x91: {  	[sflag:s0] =	ssyncadd.s32 @!p0 s1  }
0x92: {  	[bflag:$0x3] =	sbarrier.arrive $0xFFFF  }
0x93: {  	_ =	shalt  }

// kernel: kernel.8.cloned.1.call-start
scs
__scs_entry_jumppad:
0x0: {  	(pc) =	sbr.rel $0x88, $3  }
0x1: {  	(tag) =	ssettag $0x0;
	lr =	simm.s32 $0x1  }
0x2: {  	[smem:$0x3F94] =	sst lr;
	_ =	strace $0xD0000000  }
0x3: {  	_ = 	snop  }
0x4: {  	_ = 	snop  }
0x5: {  	_ = 	snop  }
0x6: {  	_ = 	snop  }
0x7: {  	_ = 	snop  }
__scs_overlays_trampoline_lowered:
0x8: {  	[smem:$0x3FA3] =	sst s0  }
0x9: {  	[smem:$0x3FA4] =	sst s1  }
0xa: {  	[smem:$0x3FA5] =	sst s2  }
0xb: {  	[smem:$0x3FA6] =	sst s3  }
0xc: {  	[smem:$0x3FA7] =	sst s4  }
0xd: {  	[smem:$0x3FA8] =	sst s5  }
0xe: {  	[smem:$0x3FA9] =	sst s6  }
0xf: {  	[smem:$0x3FAA] =	sst s7  }
0x10: {  	[smem:$0x3FAB] =	sst s8  }
0x11: {  	[smem:$0x3FAC] =	sst s9;
	s0 =	simm.s32 @!p0 $0x0  }
0x12: {  	s1 =	sld [smem:$0x3F92];
	s0 =	simm.s32 @p0 $0x1  }
0x13: {  	[smem:$0x3FAD] =	sst s0;
	s0 =	simm.s32 @!p1 $0x0  }
0x14: {  	s2 =	sld [smem:$0x3F91];
	s0 =	simm.s32 @p1 $0x1  }
0x15: {  	[smem:$0x3FAE] =	sst s0;
	s0 =	simm.s32 @!p2 $0x0  }
0x16: {  	s3 =	sld [smem:$0x3FDB];
	s0 =	simm.s32 @p2 $0x1  }
0x17: {  	s4 =	simm.s32 $0x1BF5;
	[smem:$0x3FB0] =	sst s0  }
0x18: {  	s0 =	sld [smem:$0x3F93];
	_ =	swait.ge [sflag:s4], $0x0  }
0x19: {  	s7 =	sld [smem:$0x3F94]  }
0x1a: {  	s8 =	sadd.s32 $0xFFFFE003, lr  }
0x1b: {  	s9 =	sadd.s32 $0xFFFFFEF7, lr;
	s5 =	simm.s32 $0xFFFFFFFF;
	p2 =	slt.u32 s8, $0xFFFFF086  }
0x1c: {  	p1 =	slt.u32 s9, $0xF7A;
	s5 =	simm.s32 @!p2 $0x0  }
0x1d: {  	s5 =	simm.s32 @p1 $0x1;
	p0 =	seq.s32 s7, s2  }
0x1e: {  	s7 =	smul.u32 @!p0 $0xF7A, s2;
	p2 =	seq.s32 @!p0 s5, $0x0  }
0x1f: {  	s9 =	smul.u32 $0xF7A, s1;
	s8 =	simm.s32 @!p0 $0x1BF5;
	p2 =	por !p2, p0  }
0x20: {  	[sflag:s8] =	ssyncset.s32 @!p0 $0xFFFFF086;
	s6 =	sadd.s32 @!p0 s3, s7;
	s7 =	simm.s32 @!p0 $0x108  }
0x21: {  	s3 =	sadd.s32 s3, s9;
	s6 =	sadd.s32 @!p0 $0x88, s6;
	s7 =	simm.s32 @p2 $0x1082  }
0x22: {  	[simem:s7], [sflag:s8] =	dma.local @!p0 [hbm:s6], $0xF7A  }
0x23: {  	s9 =	sor.u32 $0xD0000000, s2;
	s6 =	simm.s32 $0x108;
	_ =	swait.ge @!p0 [sflag:s8], $0x0  }
0x24: {  	s3 =	sadd.s32 $0x88, s3;
	s6 =	simm.s32 @!p1 $0x1082;
	[sflag:s4] =	ssyncset.s32 $0xFFFFF086  }
0x25: {  	[simem:s6], [sflag:s4] =	dma.local [hbm:s3], $0xF7A  }
0x26: {  	[smem:$0x3F94] =	sst s1;
	(tag) =	ssettag s2;
	_ =	strace s9  }
0x27: {  	s1 =	sld [smem:$0x3FA4]  }
0x28: {  	s2 =	sld [smem:$0x3FA5]  }
0x29: {  	s4 =	sld [smem:$0x3FA7]  }
0x2a: {  	p0 =	seq.s32 s5, $0x0;
	s5 =	sld [smem:$0x3FA8]  }
0x2b: {  	s6 =	sld [smem:$0x3FA9]  }
0x2c: {  	s7 =	sld [smem:$0x3FAA]  }
0x2d: {  	s3 =	simm.s32 $0x108;
	s8 =	sld [smem:$0x3FAB]  }
0x2e: {  	s3 =	simm.s32 @!p0 $0x1082;
	s9 =	sld [smem:$0x3FAC]  }
0x2f: {  	lr =	sadd.s32 s0, s3;
	s0 =	sld [smem:$0x3FA3]  }
0x30: {  	s3 =	sld [smem:$0x3FA6]  }
0x31: {  	[smem:$0x3FAF] =	sst s10  }
0x32: {  	s10 =	sld [smem:$0x3FAD];
	_ =	sdelay $0x3  }
0x33: {  	p0 =	seq.s32 s10, $0x1;
	s10 =	sld [smem:$0x3FAF];
	_ =	sdelay $0x3  }
0x34: {  	[smem:$0x3FAF] =	sst s10  }
0x35: {  	s10 =	sld [smem:$0x3FAE];
	_ =	sdelay $0x3  }
0x36: {  	p1 =	seq.s32 s10, $0x1;
	s10 =	sld [smem:$0x3FAF];
	_ =	sdelay $0x3  }
0x37: {  	[smem:$0x3FAF] =	sst s10  }
0x38: {  	s10 =	sld [smem:$0x3FB0]  }
0x39: {  	_ = 	snop;
	(pc) =	sbr.ind lr, $3  }
0x3a: {  	_ = 	snop  }
0x3b: {  	_ = 	snop  }
0x3c: {  	p2 =	seq.s32 s10, $0x1;
	s10 =	sld [smem:$0x3FAF]  }
0x3d: {  	_ =	shalt  }
0x3e: {  	_ =	shalt  }
0x3f: {  	_ =	shalt  }
0x40: {  	_ =	shalt  }
0x41: {  	_ =	shalt  }
0x42: {  	_ =	shalt  }
0x43: {  	_ =	shalt  }
0x44: {  	_ =	shalt  }
0x45: {  	_ =	shalt  }
0x46: {  	_ =	shalt  }
0x47: {  	_ =	shalt  }
0x48: {  	_ =	shalt  }
0x49: {  	_ =	shalt  }
0x4a: {  	_ =	shalt  }
0x4b: {  	_ =	shalt  }
0x4c: {  	_ =	shalt  }
0x4d: {  	_ =	shalt  }
0x4e: {  	_ =	shalt  }
0x4f: {  	_ =	shalt  }
0x50: {  	_ =	shalt  }
0x51: {  	_ =	shalt  }
0x52: {  	_ =	shalt  }
0x53: {  	_ =	shalt  }
0x54: {  	_ =	shalt  }
0x55: {  	_ =	shalt  }
0x56: {  	_ =	shalt  }
0x57: {  	_ =	shalt  }
0x58: {  	_ =	shalt  }
0x59: {  	_ =	shalt  }
0x5a: {  	_ =	shalt  }
0x5b: {  	_ =	shalt  }
0x5c: {  	_ =	shalt  }
0x5d: {  	_ =	shalt  }
0x5e: {  	_ =	shalt  }
0x5f: {  	_ =	shalt  }
0x60: {  	_ =	shalt  }
0x61: {  	_ =	shalt  }
0x62: {  	_ =	shalt  }
0x63: {  	_ =	shalt  }
0x64: {  	_ =	shalt  }
0x65: {  	_ =	shalt  }
0x66: {  	_ =	shalt  }
0x67: {  	_ =	shalt  }
0x68: {  	_ =	shalt  }
0x69: {  	_ =	shalt  }
0x6a: {  	_ =	shalt  }
0x6b: {  	_ =	shalt  }
0x6c: {  	_ =	shalt  }
0x6d: {  	_ =	shalt  }
0x6e: {  	_ =	shalt  }
0x6f: {  	_ =	shalt  }
0x70: {  	_ =	shalt  }
0x71: {  	_ =	shalt  }
0x72: {  	_ =	shalt  }
0x73: {  	_ =	shalt  }
0x74: {  	_ =	shalt  }
0x75: {  	_ =	shalt  }
0x76: {  	_ =	shalt  }
0x77: {  	_ =	shalt  }
0x78: {  	_ =	shalt  }
0x79: {  	_ =	shalt  }
0x7a: {  	_ =	shalt  }
0x7b: {  	_ =	shalt  }
0x7c: {  	_ =	shalt  }
0x7d: {  	_ =	shalt  }
0x7e: {  	_ =	shalt  }
0x7f: {  	_ =	shalt  }
0x80: {  	_ =	shalt  }
0x81: {  	_ =	shalt  }
0x82: {  	_ =	shalt  }
0x83: {  	_ =	shalt  }
0x84: {  	_ =	shalt  }
0x85: {  	_ =	shalt  }
0x86: {  	_ =	shalt  }
0x87: {  	_ =	shalt  }
.Lfunc_end0:
.L_simem_size_0:
called_computation_lowered:
.L_overlay_start_0:
0x88: {  	s2 =	sld [smem:$0x3FD9]  }
0x89: {  	s3 =	sld [smem:$0x3FFE];
	_ =	sdelay $0x1  }
0x8a: {  	s1 =	srdreg.scid  }
0x8b: {  	s0 =	sand.u32 $0x1, s1  }
0x8c: {  	s17 =	sshll.u32 s0, $0xA;
	s2 =	sadd.s32 s3, s2  }
0x8d: {  	s2 =	sadd.s32 s2, s17  }
0x8e: {  	[smem:$0x3FBB] =	sst s2  }
0x8f: {  	_ = 	snop  }
0x90: {  	s2 =	sld [smem:$0x3FD0];
	(tm) =	ssettm $0x1  }
0x91: {  	s18 =	sld [smem:$0x3FFB];
	_ =	sdelay $0x3  }
0x92: {  	_ =	strace s18  }
0x93: {  	s3 =	sld [smem:$0x3FFC];
	_ =	sdelay $0x3  }
0x94: {  	_ =	strace s3  }
0x95: {  	s3 =	sld [smem:$0x3FFD];
	_ =	sdelay $0x3  }
0x96: {  	_ =	strace s3  }
0x97: {  	_ =	strace $0x8FFFFFFF  }
0x98: {  	s19 =	sld [smem:$0x3FDB];
	_ =	sdelay $0x1  }
0x99: {  	s4 =	simm.s32 $_scs_section_size  }
0x9a: {  	s5 =	simm.s32 $_size__tile_overlayer_lowered;
	s6 =	simm.s32 $_tile_overlayer_lowered  }
0x9b: {  	s22 =	simm.s32 $0x1BFF;
	s21 =	sshll.u32 s6, $0x1;
	s3 =	sadd.s32 s4, s19  }
0x9c: {  	s7 =	simm.s32 $0x0;
	s20 =	sshll.u32 s5, $0x1;
	s5 =	sadd.s32 s21, s3  }
0x9d: {  	[timem:s7], [sflag:s22] =	dma.local [hbm:s5], s20  }
0x9e: {  	_ =	swait.ge [sflag:s22], s20  }
0x9f: {  	s4 =	ssub.s32 $0x0, s20;
	[sflag:s22] =	ssyncset.done $0x0  }
0xa0: {  	[sflag:s22] =	ssyncadd.s32 s4;
	_ =	sdelay $0x1  }
0xa1: {  	s23 =	simm.s32 $0x1B8B  }
0xa2: {  	_ =	swait.ge [sflag:s23], $0x1  }
0xa3: {  	[sflag:s23] =	ssyncset.done $0x0  }
0xa4: {  	s25 =	simm.s32 $0x1B8E;
	s24 =	sld [smem:$0x3FFE];
	[sflag:s23] =	ssyncadd.s32 $0xFFFFFFFF  }
0xa5: {  	s26 =	simm.s32 $execute0_lowered;
	[smem:$0x3FD2] =	sst s25  }
0xa6: {  	s5 =	sshll.u32 s26, $0x1;
	_ =	strace $0x80000046;
	[dreg:$0x1] =	wrdreg $0xFFFFFFFF  }
0xa7: {  	s28 =	simm.s32 $_size_execute0_lowered;
	s3 =	sadd.s32 s3, s5;
	[dreg:$0x0] =	wrdreg $0x0  }
0xa8: {  	s5 =	sshll.u32 s28, $0x1;
	[dreg:$0x2] =	wrdreg s3  }
0xa9: {  	[dreg:$0x3] =	wrdreg s5  }
0xaa: {  	[dreg:$0x4] =	wrdreg $0xC0  }
0xab: {  	_ =	task [dreg:s7], $0x5FFFF  }
0xac: {  	[dreg:$0x1] =	wrdreg $0xFFFFFFFF  }
0xad: {  	[dreg:$0x0] =	wrdreg $0x60  }
0xae: {  	[dreg:$0x2] =	wrdreg s2  }
0xaf: {  	[dreg:$0x3] =	wrdreg s24  }
0xb0: {  	[dreg:$0x4] =	wrdreg $0x7A800  }
0xb1: {  	[dreg:$0x5] =	wrdreg $0x9  }
0xb2: {  	_ =	task.clear_ibuf [dreg:s7], $0x6FFFF;
	_ =	strace $0x90000046  }
0xb3: {  	s29 =	simm.s32 $0x9;
	_ =	strace $0x80000048  }
0xb4: {  	_ =	swait.ge [sflag:s29], $0x1  }
0xb5: {  	[sflag:s29] =	ssyncadd.s32 $0xFFFFFFFF  }
0xb6: {  	_ =	strace $0x90000048  }
0xb7: {  	_ =	sfence  }
0xb8: {  	s30 =	sld [smem:$0x0];
	_ =	sdelay $0x2  }
0xb9: {  	s31 =	sshll.u32 s1, $0xD;
	s1 =	sshrl.u32 s1, $0x2  }
0xba: {  	s3 =	sand.u32 $0x4000, s31;
	s1 =	sadd.s32 s1, s30  }
0xbb: {  	s0 =	sor.u32 s3, s0;
	s1 =	sshll.u32 s1, $0x11  }
0xbc: {  	s0 =	sor.u32 s1, s0  }
0xbd: {  	s0 =	sadd.s32 $0x8F2B, s0  }
0xbe: {  	[sflag:s0] =	ssyncadd.remote.s32 $0x1  }
0xbf: {  	_ =	sfence.sel $0xFFFF  }
0xc0: {  	[dreg:$0x0] =	wrdreg $0xFFFFFFFF;
	(pc) =	sbr.abs _section_cstart, $3  }
0xc1: {  	[dreg:$0x1] =	wrdreg $0xFFFFFFFF  }
0xc2: {  	_ =	task.clear_ibuf [dreg:s7], $0x2FFFF;
	_ =	strace $0x9FFFFFFF  }
0xc3: {  	(tm) =	ssettm $0x7FFFFFFF  }
tec
execute0_lowered:
.L_overlay_start_1:
0x0: {  	(tag) =	ssettag $0x1  }
0x1: {  	s0 =	rddreg [dreg:$0x0]  }
0x2: {  	s1 =	rddreg [dreg:$0x1]  }
0x3: {  	s2 =	rddreg [dreg:$0x2]  }
0x4: {  	s3 =	srdreg.scid;
	s8 =	stileid.u32;
	s7 =	simm.s32 $0x0  }
0x5: {  	s3 =	sand.u32 $0x1, s3;
	s4 =	smul.u32 $0x500, s8;
	[smem:$0x7FF] =	sst s7  }
0x6: {  	s9 =	sshrl.u32 s8, $0x3;
	s10 =	sshll.u32 s8, $0x7;
	s6 =	sshll.u32 s3, $0x4  }
0x7: {  	s5 =	sshll.u32 s3, $0x7;
	s3 =	ssub.s32 $0x2, s3;
	s25 =	sor.u32 s8, s6  }
0x8: {  	s4 =	sor.u32 s5, s4;
	s8 =	smul.u32 $0x5000, s8;
	s5 =	sshrl.u32 s25, $0x3  }
0x9: {  	_ =	strace $0x80000047;
	s11 =	sshrl.u32 s3, $0x1;
	s26 =	smul.u32 $0x14000, s5  }
0xa: {  	s6 =	sand.u32 $0x380, s10;
	s4 =	sshrl.u32 s4, $0x3;
	s5 =	smul.u32 $0x50000, s9  }
0xb: {  	s3 =	ssub.s32 s3, s11;
	s1 =	sadd.s32 s4, s1;
	s4 =	sor.u32 s6, s26  }
0xc: {  	s7 =	smax.u32 s3, $0x1;
	s5 =	sshrl.u32 s5, $0x2;
	s4 =	sshrl.u32 s4, $0x3  }
0xd: {  	[dreg:$0x16] =	wrdreg s7;
	s5 =	sadd.s32 s5, s2;
	s0 =	sadd.s32 s0, s4  }
0xe: {  	s12 =	sshrl.u32 s8, $0x2;
	s13 =	sadd.s32 s6, s5;
	[dreg:$0x4] =	wrdreg s0  }
0xf: {  	s5 =	sadd.s32 s12, s2;
	s6 =	sadd.s32 $0x3200, s1;
	[dreg:$0x5] =	wrdreg s13  }
0x10: {  	s14 =	sadd.s32 $0x80, s5;
	[dreg:$0x15] =	wrdreg s6  }
0x11: {  	s15 =	sadd.s32 $0x100, s5;
	[dreg:$0x6] =	wrdreg s14  }
0x12: {  	s16 =	sadd.s32 $0x180, s5;
	[dreg:$0x7] =	wrdreg s15  }
0x13: {  	s17 =	sadd.s32 $0x200, s5;
	[dreg:$0x8] =	wrdreg s16  }
0x14: {  	s18 =	sadd.s32 $0x280, s5;
	[dreg:$0x9] =	wrdreg s17  }
0x15: {  	s19 =	sadd.s32 $0x300, s5;
	[dreg:$0xa] =	wrdreg s18  }
0x16: {  	s20 =	sadd.s32 $0x380, s5;
	[dreg:$0xb] =	wrdreg s19  }
0x17: {  	s21 =	sadd.s32 $0x14000, s5;
	[dreg:$0xc] =	wrdreg s20  }
0x18: {  	s22 =	sadd.s32 $0x14080, s5;
	[dreg:$0xd] =	wrdreg s21  }
0x19: {  	s23 =	sadd.s32 $0x14100, s5;
	[dreg:$0xe] =	wrdreg s22  }
0x1a: {  	s24 =	sadd.s32 $0x14180, s5;
	[dreg:$0xf] =	wrdreg s23  }
0x1b: {  	s25 =	sadd.s32 $0x14200, s5;
	[dreg:$0x10] =	wrdreg s24  }
0x1c: {  	s26 =	sadd.s32 $0x14280, s5;
	[dreg:$0x11] =	wrdreg s25  }
0x1d: {  	s2 =	sadd.s32 $0x14300, s5;
	[dreg:$0x12] =	wrdreg s26  }
0x1e: {  	s4 =	sadd.s32 $0x14380, s5;
	[dreg:$0x13] =	wrdreg s2  }
0x1f: {  	s8 =	sadd.s32 $0x400, s5;
	[dreg:$0x14] =	wrdreg s4  }
0x20: {  	s9 =	sadd.s32 $0x800, s5;
	[dreg:$0x17] =	wrdreg s8  }
0x21: {  	s10 =	sadd.s32 $0xC00, s5;
	[dreg:$0x18] =	wrdreg s9  }
0x22: {  	s11 =	sadd.s32 $0x1000, s5;
	[dreg:$0x19] =	wrdreg s10  }
0x23: {  	s12 =	sadd.s32 $0x480, s5;
	[dreg:$0x1a] =	wrdreg s11  }
0x24: {  	s13 =	sadd.s32 $0x880, s5;
	[dreg:$0x1b] =	wrdreg s12  }
0x25: {  	s1 =	sadd.s32 $0x1200, s5;
	[dreg:$0x1c] =	wrdreg s13  }
0x26: {  	s3 =	sadd.s32 $0xA80, s5;
	[smem:$0x7E5] =	sst s1  }
0x27: {  	s6 =	sadd.s32 $0x1280, s5;
	[smem:$0x7E7] =	sst s3  }
0x28: {  	s7 =	sadd.s32 $0x700, s5;
	[smem:$0x7E9] =	sst s6  }
0x29: {  	s14 =	sadd.s32 $0xC80, s5;
	[smem:$0x7EA] =	sst s7  }
0x2a: {  	s15 =	sadd.s32 $0x1080, s5;
	[dreg:$0x1d] =	wrdreg s14  }
0x2b: {  	s16 =	sadd.s32 $0x500, s5;
	[dreg:$0x1e] =	wrdreg s15  }
0x2c: {  	s17 =	sadd.s32 $0x900, s5;
	[dreg:$0x1f] =	wrdreg s16  }
0x2d: {  	s18 =	sadd.s32 $0xD00, s5;
	[smem:$0x7DB] =	sst s17  }
0x2e: {  	s19 =	sadd.s32 $0x1100, s5;
	[smem:$0x7DC] =	sst s18  }
0x2f: {  	s20 =	sadd.s32 $0x580, s5;
	[smem:$0x7DD] =	sst s19  }
0x30: {  	s21 =	sadd.s32 $0x980, s5;
	[smem:$0x7DE] =	sst s20  }
0x31: {  	s22 =	sadd.s32 $0xD80, s5;
	[smem:$0x7DF] =	sst s21  }
0x32: {  	s23 =	sadd.s32 $0x1180, s5;
	[smem:$0x7E0] =	sst s22  }
0x33: {  	s24 =	sadd.s32 $0x600, s5;
	[smem:$0x7E1] =	sst s23  }
0x34: {  	s25 =	sadd.s32 $0xA00, s5;
	[smem:$0x7E2] =	sst s24  }
0x35: {  	s26 =	sadd.s32 $0xE00, s5;
	[smem:$0x7E3] =	sst s25  }
0x36: {  	s2 =	sadd.s32 $0x680, s5;
	[smem:$0x7E4] =	sst s26  }
0x37: {  	s4 =	sadd.s32 $0xE80, s5;
	[smem:$0x7E6] =	sst s2  }
0x38: {  	s8 =	sadd.s32 $0xB00, s5;
	[smem:$0x7E8] =	sst s4  }
0x39: {  	s9 =	sadd.s32 $0xF00, s5;
	[smem:$0x7EB] =	sst s8  }
0x3a: {  	s10 =	sadd.s32 $0x1300, s5;
	[smem:$0x7EC] =	sst s9  }
0x3b: {  	s11 =	sadd.s32 $0x780, s5;
	[smem:$0x7ED] =	sst s10  }
0x3c: {  	s12 =	sadd.s32 $0xB80, s5;
	[smem:$0x7EE] =	sst s11  }
0x3d: {  	s13 =	sadd.s32 $0xF80, s5;
	[smem:$0x7EF] =	sst s12  }
0x3e: {  	[smem:$0x7F0] =	sst s13;
	s14 =	sadd.s32 $0x1380, s5  }
0x3f: {  	s15 =	sadd.s32 $0x14400, s5;
	[smem:$0x7F1] =	sst s14  }
0x40: {  	s28 =	simm.s32 $0x80;
	s16 =	sadd.s32 $0x14800, s5;
	[smem:$0x7F2] =	sst s15  }
0x41: {  	s29 =	simm.s32 $0x400;
	s17 =	sadd.s32 $0x14C00, s5;
	[smem:$0x7F3] =	sst s16  }
0x42: {  	s30 =	simm.s32 $0x1;
	s18 =	sadd.s32 $0x15000, s5;
	[smem:$0x7F4] =	sst s17  }
0x43: {  	s31 =	simm.s32 $0x2800;
	s19 =	sadd.s32 $0x14480, s5;
	[smem:$0x7F5] =	sst s18  }
0x44: {  	s0 =	simm.s32 $0x0;
	s20 =	sadd.s32 $0x14880, s5;
	[smem:$0x7F6] =	sst s19  }
0x45: {  	s7 =	sadd.s32 $0x14580, s5;
	s21 =	sadd.s32 $0x14C80, s5;
	[smem:$0x7F7] =	sst s20  }
0x46: {  	s22 =	sadd.s32 $0x15080, s5;
	s23 =	sadd.s32 $0x14500, s5;
	[smem:$0x7F8] =	sst s21  }
0x47: {  	s24 =	sadd.s32 $0x14900, s5;
	s25 =	sadd.s32 $0x14D00, s5;
	[smem:$0x7F9] =	sst s22  }
0x48: {  	s26 =	sadd.s32 $0x15100, s5;
	s8 =	sadd.s32 $0x14980, s5;
	[smem:$0x7FA] =	sst s23  }
0x49: {  	s9 =	sadd.s32 $0x14D80, s5;
	s10 =	sadd.s32 $0x15180, s5;
	[smem:$0x7FB] =	sst s24  }
0x4a: {  	s11 =	sadd.s32 $0x14600, s5;
	s12 =	sadd.s32 $0x14A00, s5;
	[smem:$0x7FC] =	sst s25  }
0x4b: {  	s13 =	sadd.s32 $0x14E00, s5;
	[smem:$0x7FD] =	sst s26;
	s14 =	sadd.s32 $0x15200, s5  }
0x4c: {  	s15 =	sadd.s32 $0x14680, s5;
	s16 =	sadd.s32 $0x14A80, s5;
	s17 =	sadd.s32 $0x14E80, s5  }
0x4d: {  	s18 =	sadd.s32 $0x15280, s5;
	s19 =	sadd.s32 $0x14700, s5;
	s20 =	sadd.s32 $0x14B00, s5  }
0x4e: {  	s21 =	sadd.s32 $0x14F00, s5;
	s22 =	sadd.s32 $0x15300, s5;
	s23 =	sadd.s32 $0x14780, s5  }
0x4f: {  	v0 =	vimm.f32 $0.0e+00;
	v1 =	vimm.f32 $1.000000000e+00;
	s24 =	sadd.s32 $0x14B80, s5;
	s25 =	sadd.s32 $0x14F80, s5;
	s26 =	sadd.s32 $0x15380, s5  }
.LBB2_1:
0x50: {  	s1 =	simm.s32 $0x0;
	s2 =	rddreg [dreg:$0x4]  }
0x51: {  	[tilespmem:s1], [sflag:$0x1] =	stream.strided.gather [hbm4b:s2+s28], $0x2800, s29, s28, $0x38;
	[tilespmem:$0xA280] =	vst v63  }
0x52: {  	_ =	swait.ge [sflag:s30], $0x2800  }
0x53: {  	[sflag:s30] =	ssyncset.done $0x0  }
0x54: {  	s1 =	simm.s32 $0x0;
	[sflag:s30] =	ssyncadd.s32 $0xFFFFD800  }
.LBB2_2:
0x55: {  	p0 =	sne.s32 s1, $0x9FC0  }
.Ltmp0:
0x56: {  	_ = 	snop;
	(pc) =	sbr.rel @p0 .LBB2_2-.Ltmp0, $3  }
0x57: {  	_ =	sdelay $0x1  }
0x58: {  	s2 =	sshra.s32 s1, $0x2  }
0x59: {  	s1 =	sadd.s32 $0x40, s1;
	[tilespmem:s2+$0x2800] =	vst v0  }
0x5a: {  	s2 =	simm.s32 $0x0;
	s1 =	simm.s32 $0x40  }
.LBB2_4:
0x5b: {  	p0 =	sne.s32 s1, $0x9FC0;
	v2 =	vld [tilespmem:s2+$0x0];
	_ =	sdelay $0x3  }
.Ltmp1:
0x5c: {  	(pc) =	sbr.rel @p0 .LBB2_4-.Ltmp1, $2  }
0x5d: {  	_ =	sdelay $0x2  }
0x5e: {  	s2 =	sshra.s32 s1, $0x2;
	s1 =	sadd.s32 $0x40, s1;
	[tilespmem:v2+s31+$0x0] =	vst.idx.add.f32.msk $0xffff, v1  }
0x5f: {  	v2 =	vld [tilespmem:s2+$0x0];
	_ =	sdelay $0x7  }
0x60: {  	s1 =	rddreg [dreg:$0x5];
	[tilespmem:v2+s31+$0x0] =	vst.idx.add.f32.msk $0xffff, v1  }
0x61: {  	[spmem:s1] =	stream.strided.scatter [tilespmem:s31], [sflag:$0x1], $0x2800, s29, s28, $0x38;
	[tilespmem:$0xA280] =	vst v63  }
0x62: {  	_ =	swait.ge [sflag:s30], $0x2800  }
0x63: {  	[sflag:s30] =	ssyncset.done $0x0  }
0x64: {  	[sflag:s30] =	ssyncadd.s32 $0xFFFFD800  }
0x65: {  	s3 =	simm.s32 $0x5000;
	[bflag:$0x0] =	sbarrier.arrive $0xFFFF  }
0x66: {  	[tilespmem:s3], [sflag:$0x1] =	stream.linear.gather [spmem:s5], $0x80, $0x38;
	[tilespmem:$0xA280] =	vst v63  }
0x67: {  	s6 =	simm.s32 $0x5400;
	s4 =	rddreg [dreg:$0x17]  }
0x68: {  	[tilespmem:s6], [sflag:$0x1] =	stream.linear.gather [spmem:s4], $0x80, $0x38;
	[tilespmem:$0xA280] =	vst v63  }
0x69: {  	s2 =	rddreg [dreg:$0x18];
	s3 =	simm.s32 $0x5800  }
0x6a: {  	[tilespmem:s3], [sflag:$0x1] =	stream.linear.gather [spmem:s2], $0x80, $0x38;
	[tilespmem:$0xA280] =	vst v63  }
0x6b: {  	s4 =	rddreg [dreg:$0x19];
	s6 =	simm.s32 $0x5C00  }
0x6c: {  	[tilespmem:s6], [sflag:$0x1] =	stream.linear.gather [spmem:s4], $0x80, $0x38;
	[tilespmem:$0xA280] =	vst v63  }
0x6d: {  	s2 =	rddreg [dreg:$0x1a];
	s3 =	simm.s32 $0x6000  }
0x6e: {  	[tilespmem:s3], [sflag:$0x1] =	stream.linear.gather [spmem:s2], $0x80, $0x38;
	[tilespmem:$0xA280] =	vst v63  }
0x6f: {  	_ =	swait.ge [sflag:s30], $0x280  }
0x70: {  	[sflag:s30] =	ssyncset.done $0x0  }
0x71: {  	s6 =	simm.s32 $0x5080;
	s4 =	rddreg [dreg:$0x6];
	[sflag:s30] =	ssyncadd.s32 $0xFFFFFD80  }
0x72: {  	[tilespmem:s6], [sflag:$0x1] =	stream.linear.gather [spmem:s4], $0x80, $0x38;
	[tilespmem:$0xA280] =	vst v63  }
0x73: {  	s3 =	simm.s32 $0x5480;
	s2 =	rddreg [dreg:$0x1b]  }
0x74: {  	[tilespmem:s3], [sflag:$0x1] =	stream.linear.gather [spmem:s2], $0x80, $0x38;
	[tilespmem:$0xA280] =	vst v63  }
0x75: {  	s4 =	rddreg [dreg:$0x1c];
	s6 =	simm.s32 $0x5880  }
0x76: {  	[tilespmem:s6], [sflag:$0x1] =	stream.linear.gather [spmem:s4], $0x80, $0x38;
	[tilespmem:$0xA280] =	vst v63  }
0x77: {  	s2 =	rddreg [dreg:$0x1d];
	s3 =	simm.s32 $0x5C80  }
0x78: {  	[tilespmem:s3], [sflag:$0x1] =	stream.linear.gather [spmem:s2], $0x80, $0x38;
	[tilespmem:$0xA280] =	vst v63  }
0x79: {  	s4 =	rddreg [dreg:$0x1e];
	s6 =	simm.s32 $0x6080  }
0x7a: {  	[tilespmem:s6], [sflag:$0x1] =	stream.linear.gather [spmem:s4], $0x80, $0x38;
	[tilespmem:$0xA280] =	vst v63  }
0x7b: {  	_ =	swait.ge [sflag:s30], $0x280  }
0x7c: {  	[sflag:s30] =	ssyncset.done $0x0;
	s2 =	rddreg [dreg:$0x7]  }
0x7d: {  	s3 =	simm.s32 $0x5100;
	s4 =	rddreg [dreg:$0x1f];
	[sflag:s30] =	ssyncadd.s32 $0xFFFFFD80  }
0x7e: {  	[tilespmem:s3], [sflag:$0x1] =	stream.linear.gather [spmem:s2], $0x80, $0x38;
	[tilespmem:$0xA280] =	vst v63  }
0x7f: {  	s6 =	simm.s32 $0x5500;
	s2 =	sld [smem:$0x7DB]  }
0x80: {  	[tilespmem:s6], [sflag:$0x1] =	stream.linear.gather [spmem:s4], $0x80, $0x38;
	[tilespmem:$0xA280] =	vst v63  }
0x81: {  	s3 =	simm.s32 $0x5900;
	s4 =	sld [smem:$0x7DC]  }
0x82: {  	[tilespmem:s3], [sflag:$0x1] =	stream.linear.gather [spmem:s2], $0x80, $0x38;
	[tilespmem:$0xA280] =	vst v63  }
0x83: {  	s6 =	simm.s32 $0x5D00;
	s2 =	sld [smem:$0x7DD]  }
0x84: {  	[tilespmem:s6], [sflag:$0x1] =	stream.linear.gather [spmem:s4], $0x80, $0x38;
	[tilespmem:$0xA280] =	vst v63  }
0x85: {  	s3 =	simm.s32 $0x6100  }
0x86: {  	[tilespmem:s3], [sflag:$0x1] =	stream.linear.gather [spmem:s2], $0x80, $0x38;
	[tilespmem:$0xA280] =	vst v63  }
0x87: {  	_ =	swait.ge [sflag:s30], $0x280  }
0x88: {  	[sflag:s30] =	ssyncset.done $0x0;
	s4 =	rddreg [dreg:$0x8]  }
0x89: {  	s6 =	simm.s32 $0x5180;
	s2 =	sld [smem:$0x7DE];
	[sflag:s30] =	ssyncadd.s32 $0xFFFFFD80  }
0x8a: {  	[tilespmem:s6], [sflag:$0x1] =	stream.linear.gather [spmem:s4], $0x80, $0x38;
	[tilespmem:$0xA280] =	vst v63  }
0x8b: {  	s3 =	simm.s32 $0x5580;
	s4 =	sld [smem:$0x7DF]  }
0x8c: {  	[tilespmem:s3], [sflag:$0x1] =	stream.linear.gather [spmem:s2], $0x80, $0x38;
	[tilespmem:$0xA280] =	vst v63  }
0x8d: {  	s6 =	simm.s32 $0x5980;
	s2 =	sld [smem:$0x7E0]  }
0x8e: {  	[tilespmem:s6], [sflag:$0x1] =	stream.linear.gather [spmem:s4], $0x80, $0x38;
	[tilespmem:$0xA280] =	vst v63  }
0x8f: {  	s3 =	simm.s32 $0x5D80;
	s4 =	sld [smem:$0x7E1]  }
0x90: {  	[tilespmem:s3], [sflag:$0x1] =	stream.linear.gather [spmem:s2], $0x80, $0x38;
	[tilespmem:$0xA280] =	vst v63  }
0x91: {  	s6 =	simm.s32 $0x6180  }
0x92: {  	[tilespmem:s6], [sflag:$0x1] =	stream.linear.gather [spmem:s4], $0x80, $0x38;
	[tilespmem:$0xA280] =	vst v63  }
0x93: {  	_ =	swait.ge [sflag:s30], $0x280  }
0x94: {  	[sflag:s30] =	ssyncset.done $0x0;
	s2 =	rddreg [dreg:$0x9]  }
0x95: {  	s3 =	simm.s32 $0x5200;
	s4 =	sld [smem:$0x7E2];
	[sflag:s30] =	ssyncadd.s32 $0xFFFFFD80  }
0x96: {  	[tilespmem:s3], [sflag:$0x1] =	stream.linear.gather [spmem:s2], $0x80, $0x38;
	[tilespmem:$0xA280] =	vst v63  }
0x97: {  	s6 =	simm.s32 $0x5600;
	s2 =	sld [smem:$0x7E3]  }
0x98: {  	[tilespmem:s6], [sflag:$0x1] =	stream.linear.gather [spmem:s4], $0x80, $0x38;
	[tilespmem:$0xA280] =	vst v63  }
0x99: {  	s3 =	simm.s32 $0x5A00;
	s4 =	sld [smem:$0x7E4]  }
0x9a: {  	[tilespmem:s3], [sflag:$0x1] =	stream.linear.gather [spmem:s2], $0x80, $0x38;
	[tilespmem:$0xA280] =	vst v63  }
0x9b: {  	s6 =	simm.s32 $0x5E00;
	s2 =	sld [smem:$0x7E5]  }
0x9c: {  	[tilespmem:s6], [sflag:$0x1] =	stream.linear.gather [spmem:s4], $0x80, $0x38;
	[tilespmem:$0xA280] =	vst v63  }
0x9d: {  	s3 =	simm.s32 $0x6200  }
0x9e: {  	[tilespmem:s3], [sflag:$0x1] =	stream.linear.gather [spmem:s2], $0x80, $0x38;
	[tilespmem:$0xA280] =	vst v63  }
0x9f: {  	_ =	swait.ge [sflag:s30], $0x280  }
0xa0: {  	[sflag:s30] =	ssyncset.done $0x0;
	s4 =	rddreg [dreg:$0xa]  }
0xa1: {  	s6 =	simm.s32 $0x5280;
	s2 =	sld [smem:$0x7E6];
	[sflag:s30] =	ssyncadd.s32 $0xFFFFFD80  }
0xa2: {  	[tilespmem:s6], [sflag:$0x1] =	stream.linear.gather [spmem:s4], $0x80, $0x38;
	[tilespmem:$0xA280] =	vst v63  }
0xa3: {  	s3 =	simm.s32 $0x5680;
	s4 =	sld [smem:$0x7E7]  }
0xa4: {  	[tilespmem:s3], [sflag:$0x1] =	stream.linear.gather [spmem:s2], $0x80, $0x38;
	[tilespmem:$0xA280] =	vst v63  }
0xa5: {  	s6 =	simm.s32 $0x5A80;
	s2 =	sld [smem:$0x7E8]  }
0xa6: {  	[tilespmem:s6], [sflag:$0x1] =	stream.linear.gather [spmem:s4], $0x80, $0x38;
	[tilespmem:$0xA280] =	vst v63  }
0xa7: {  	s3 =	simm.s32 $0x5E80;
	s4 =	sld [smem:$0x7E9]  }
0xa8: {  	[tilespmem:s3], [sflag:$0x1] =	stream.linear.gather [spmem:s2], $0x80, $0x38;
	[tilespmem:$0xA280] =	vst v63  }
0xa9: {  	s6 =	simm.s32 $0x6280  }
0xaa: {  	[tilespmem:s6], [sflag:$0x1] =	stream.linear.gather [spmem:s4], $0x80, $0x38;
	[tilespmem:$0xA280] =	vst v63  }
0xab: {  	_ =	swait.ge [sflag:s30], $0x280  }
0xac: {  	[sflag:s30] =	ssyncset.done $0x0;
	s2 =	rddreg [dreg:$0xb]  }
0xad: {  	s3 =	simm.s32 $0x5300;
	s4 =	sld [smem:$0x7EA];
	[sflag:s30] =	ssyncadd.s32 $0xFFFFFD80  }
0xae: {  	[tilespmem:s3], [sflag:$0x1] =	stream.linear.gather [spmem:s2], $0x80, $0x38;
	[tilespmem:$0xA280] =	vst v63  }
0xaf: {  	s6 =	simm.s32 $0x5700;
	s2 =	sld [smem:$0x7EB]  }
0xb0: {  	[tilespmem:s6], [sflag:$0x1] =	stream.linear.gather [spmem:s4], $0x80, $0x38;
	[tilespmem:$0xA280] =	vst v63  }
0xb1: {  	s3 =	simm.s32 $0x5B00;
	s4 =	sld [smem:$0x7EC]  }
0xb2: {  	[tilespmem:s3], [sflag:$0x1] =	stream.linear.gather [spmem:s2], $0x80, $0x38;
	[tilespmem:$0xA280] =	vst v63  }
0xb3: {  	s6 =	simm.s32 $0x5F00;
	s2 =	sld [smem:$0x7ED]  }
0xb4: {  	[tilespmem:s6], [sflag:$0x1] =	stream.linear.gather [spmem:s4], $0x80, $0x38;
	[tilespmem:$0xA280] =	vst v63  }
0xb5: {  	s3 =	simm.s32 $0x6300  }
0xb6: {  	[tilespmem:s3], [sflag:$0x1] =	stream.linear.gather [spmem:s2], $0x80, $0x38;
	[tilespmem:$0xA280] =	vst v63  }
0xb7: {  	_ =	swait.ge [sflag:s30], $0x280  }
0xb8: {  	[sflag:s30] =	ssyncset.done $0x0;
	s4 =	rddreg [dreg:$0xc]  }
0xb9: {  	s6 =	simm.s32 $0x5380;
	s2 =	sld [smem:$0x7EE];
	[sflag:s30] =	ssyncadd.s32 $0xFFFFFD80  }
0xba: {  	[tilespmem:s6], [sflag:$0x1] =	stream.linear.gather [spmem:s4], $0x80, $0x38;
	[tilespmem:$0xA280] =	vst v63  }
0xbb: {  	s3 =	simm.s32 $0x5780;
	s4 =	sld [smem:$0x7EF]  }
0xbc: {  	[tilespmem:s3], [sflag:$0x1] =	stream.linear.gather [spmem:s2], $0x80, $0x38;
	[tilespmem:$0xA280] =	vst v63  }
0xbd: {  	s6 =	simm.s32 $0x5B80;
	s2 =	sld [smem:$0x7F0]  }
0xbe: {  	[tilespmem:s6], [sflag:$0x1] =	stream.linear.gather [spmem:s4], $0x80, $0x38;
	[tilespmem:$0xA280] =	vst v63  }
0xbf: {  	s3 =	simm.s32 $0x5F80;
	s4 =	sld [smem:$0x7F1]  }
0xc0: {  	[tilespmem:s3], [sflag:$0x1] =	stream.linear.gather [spmem:s2], $0x80, $0x38;
	[tilespmem:$0xA280] =	vst v63  }
0xc1: {  	s6 =	simm.s32 $0x6380  }
0xc2: {  	[tilespmem:s6], [sflag:$0x1] =	stream.linear.gather [spmem:s4], $0x80, $0x38;
	[tilespmem:$0xA280] =	vst v63  }
0xc3: {  	_ =	swait.ge [sflag:s30], $0x280  }
0xc4: {  	[sflag:s30] =	ssyncset.done $0x0;
	s2 =	rddreg [dreg:$0xd]  }
0xc5: {  	s3 =	simm.s32 $0x6400;
	s4 =	sld [smem:$0x7F2];
	[sflag:s30] =	ssyncadd.s32 $0xFFFFFD80  }
0xc6: {  	[tilespmem:s3], [sflag:$0x1] =	stream.linear.gather [spmem:s2], $0x80, $0x38;
	[tilespmem:$0xA280] =	vst v63  }
0xc7: {  	s6 =	simm.s32 $0x6800;
	s2 =	sld [smem:$0x7F3]  }
0xc8: {  	[tilespmem:s6], [sflag:$0x1] =	stream.linear.gather [spmem:s4], $0x80, $0x38;
	[tilespmem:$0xA280] =	vst v63  }
0xc9: {  	s3 =	simm.s32 $0x6C00;
	s4 =	sld [smem:$0x7F4]  }
0xca: {  	[tilespmem:s3], [sflag:$0x1] =	stream.linear.gather [spmem:s2], $0x80, $0x38;
	[tilespmem:$0xA280] =	vst v63  }
0xcb: {  	s6 =	simm.s32 $0x7000;
	s2 =	sld [smem:$0x7F5]  }
0xcc: {  	[tilespmem:s6], [sflag:$0x1] =	stream.linear.gather [spmem:s4], $0x80, $0x38;
	[tilespmem:$0xA280] =	vst v63  }
0xcd: {  	s3 =	simm.s32 $0x7400  }
0xce: {  	[tilespmem:s3], [sflag:$0x1] =	stream.linear.gather [spmem:s2], $0x80, $0x38;
	[tilespmem:$0xA280] =	vst v63  }
0xcf: {  	_ =	swait.ge [sflag:s30], $0x280  }
0xd0: {  	[sflag:s30] =	ssyncset.done $0x0;
	s4 =	rddreg [dreg:$0xe]  }
0xd1: {  	s6 =	simm.s32 $0x6480;
	s2 =	sld [smem:$0x7F6];
	[sflag:s30] =	ssyncadd.s32 $0xFFFFFD80  }
0xd2: {  	[tilespmem:s6], [sflag:$0x1] =	stream.linear.gather [spmem:s4], $0x80, $0x38;
	[tilespmem:$0xA280] =	vst v63  }
0xd3: {  	s3 =	simm.s32 $0x6880;
	s4 =	sld [smem:$0x7F7]  }
0xd4: {  	[tilespmem:s3], [sflag:$0x1] =	stream.linear.gather [spmem:s2], $0x80, $0x38;
	[tilespmem:$0xA280] =	vst v63  }
0xd5: {  	s6 =	simm.s32 $0x6C80;
	s2 =	sld [smem:$0x7F8]  }
0xd6: {  	[tilespmem:s6], [sflag:$0x1] =	stream.linear.gather [spmem:s4], $0x80, $0x38;
	[tilespmem:$0xA280] =	vst v63  }
0xd7: {  	s3 =	simm.s32 $0x7080;
	s4 =	sld [smem:$0x7F9]  }
0xd8: {  	[tilespmem:s3], [sflag:$0x1] =	stream.linear.gather [spmem:s2], $0x80, $0x38;
	[tilespmem:$0xA280] =	vst v63  }
0xd9: {  	s6 =	simm.s32 $0x7480  }
0xda: {  	[tilespmem:s6], [sflag:$0x1] =	stream.linear.gather [spmem:s4], $0x80, $0x38;
	[tilespmem:$0xA280] =	vst v63  }
0xdb: {  	_ =	swait.ge [sflag:s30], $0x280  }
0xdc: {  	[sflag:s30] =	ssyncset.done $0x0;
	s2 =	rddreg [dreg:$0xf]  }
0xdd: {  	s3 =	simm.s32 $0x6500;
	s4 =	sld [smem:$0x7FA];
	[sflag:s30] =	ssyncadd.s32 $0xFFFFFD80  }
0xde: {  	[tilespmem:s3], [sflag:$0x1] =	stream.linear.gather [spmem:s2], $0x80, $0x38;
	[tilespmem:$0xA280] =	vst v63  }
0xdf: {  	s6 =	simm.s32 $0x6900;
	s2 =	sld [smem:$0x7FB]  }
0xe0: {  	[tilespmem:s6], [sflag:$0x1] =	stream.linear.gather [spmem:s4], $0x80, $0x38;
	[tilespmem:$0xA280] =	vst v63  }
0xe1: {  	s3 =	simm.s32 $0x6D00;
	s4 =	sld [smem:$0x7FC]  }
0xe2: {  	[tilespmem:s3], [sflag:$0x1] =	stream.linear.gather [spmem:s2], $0x80, $0x38;
	[tilespmem:$0xA280] =	vst v63  }
0xe3: {  	s6 =	simm.s32 $0x7100;
	s2 =	sld [smem:$0x7FD]  }
0xe4: {  	[tilespmem:s6], [sflag:$0x1] =	stream.linear.gather [spmem:s4], $0x80, $0x38;
	[tilespmem:$0xA280] =	vst v63  }
0xe5: {  	s3 =	simm.s32 $0x7500  }
0xe6: {  	[tilespmem:s3], [sflag:$0x1] =	stream.linear.gather [spmem:s2], $0x80, $0x38;
	[tilespmem:$0xA280] =	vst v63  }
0xe7: {  	_ =	swait.ge [sflag:s30], $0x280  }
0xe8: {  	[sflag:s30] =	ssyncset.done $0x0  }
0xe9: {  	s6 =	simm.s32 $0x6580;
	s4 =	rddreg [dreg:$0x10];
	[sflag:s30] =	ssyncadd.s32 $0xFFFFFD80  }
0xea: {  	[tilespmem:s6], [sflag:$0x1] =	stream.linear.gather [spmem:s4], $0x80, $0x38;
	[tilespmem:$0xA280] =	vst v63  }
0xeb: {  	s2 =	simm.s32 $0x6980  }
0xec: {  	[tilespmem:s2], [sflag:$0x1] =	stream.linear.gather [spmem:s7], $0x80, $0x38;
	[tilespmem:$0xA280] =	vst v63  }
0xed: {  	s3 =	simm.s32 $0x6D80  }
0xee: {  	[tilespmem:s3], [sflag:$0x1] =	stream.linear.gather [spmem:s8], $0x80, $0x38;
	[tilespmem:$0xA280] =	vst v63  }
0xef: {  	s4 =	simm.s32 $0x7180  }
0xf0: {  	[tilespmem:s4], [sflag:$0x1] =	stream.linear.gather [spmem:s9], $0x80, $0x38;
	[tilespmem:$0xA280] =	vst v63  }
0xf1: {  	s6 =	simm.s32 $0x7580  }
0xf2: {  	[tilespmem:s6], [sflag:$0x1] =	stream.linear.gather [spmem:s10], $0x80, $0x38;
	[tilespmem:$0xA280] =	vst v63  }
0xf3: {  	_ =	swait.ge [sflag:s30], $0x280  }
0xf4: {  	[sflag:s30] =	ssyncset.done $0x0  }
0xf5: {  	s3 =	simm.s32 $0x6600;
	s2 =	rddreg [dreg:$0x11];
	[sflag:s30] =	ssyncadd.s32 $0xFFFFFD80  }
0xf6: {  	[tilespmem:s3], [sflag:$0x1] =	stream.linear.gather [spmem:s2], $0x80, $0x38;
	[tilespmem:$0xA280] =	vst v63  }
0xf7: {  	s4 =	simm.s32 $0x6A00  }
0xf8: {  	[tilespmem:s4], [sflag:$0x1] =	stream.linear.gather [spmem:s11], $0x80, $0x38;
	[tilespmem:$0xA280] =	vst v63  }
0xf9: {  	s6 =	simm.s32 $0x6E00  }
0xfa: {  	[tilespmem:s6], [sflag:$0x1] =	stream.linear.gather [spmem:s12], $0x80, $0x38;
	[tilespmem:$0xA280] =	vst v63  }
0xfb: {  	s2 =	simm.s32 $0x7200  }
0xfc: {  	[tilespmem:s2], [sflag:$0x1] =	stream.linear.gather [spmem:s13], $0x80, $0x38;
	[tilespmem:$0xA280] =	vst v63  }
0xfd: {  	s3 =	simm.s32 $0x7600  }
0xfe: {  	[tilespmem:s3], [sflag:$0x1] =	stream.linear.gather [spmem:s14], $0x80, $0x38;
	[tilespmem:$0xA280] =	vst v63  }
0xff: {  	_ =	swait.ge [sflag:s30], $0x280  }
0x100: {  	[sflag:s30] =	ssyncset.done $0x0  }
0x101: {  	s6 =	simm.s32 $0x6680;
	s4 =	rddreg [dreg:$0x12];
	[sflag:s30] =	ssyncadd.s32 $0xFFFFFD80  }
0x102: {  	[tilespmem:s6], [sflag:$0x1] =	stream.linear.gather [spmem:s4], $0x80, $0x38;
	[tilespmem:$0xA280] =	vst v63  }
0x103: {  	s2 =	simm.s32 $0x6A80  }
0x104: {  	[tilespmem:s2], [sflag:$0x1] =	stream.linear.gather [spmem:s15], $0x80, $0x38;
	[tilespmem:$0xA280] =	vst v63  }
0x105: {  	s3 =	simm.s32 $0x6E80  }
0x106: {  	[tilespmem:s3], [sflag:$0x1] =	stream.linear.gather [spmem:s16], $0x80, $0x38;
	[tilespmem:$0xA280] =	vst v63  }
0x107: {  	s4 =	simm.s32 $0x7280  }
0x108: {  	[tilespmem:s4], [sflag:$0x1] =	stream.linear.gather [spmem:s17], $0x80, $0x38;
	[tilespmem:$0xA280] =	vst v63  }
0x109: {  	s6 =	simm.s32 $0x7680  }
0x10a: {  	[tilespmem:s6], [sflag:$0x1] =	stream.linear.gather [spmem:s18], $0x80, $0x38;
	[tilespmem:$0xA280] =	vst v63  }
0x10b: {  	_ =	swait.ge [sflag:s30], $0x280  }
0x10c: {  	[sflag:s30] =	ssyncset.done $0x0  }
0x10d: {  	s3 =	simm.s32 $0x6700;
	s2 =	rddreg [dreg:$0x13];
	[sflag:s30] =	ssyncadd.s32 $0xFFFFFD80  }
0x10e: {  	[tilespmem:s3], [sflag:$0x1] =	stream.linear.gather [spmem:s2], $0x80, $0x38;
	[tilespmem:$0xA280] =	vst v63  }
0x10f: {  	s4 =	simm.s32 $0x6B00  }
0x110: {  	[tilespmem:s4], [sflag:$0x1] =	stream.linear.gather [spmem:s19], $0x80, $0x38;
	[tilespmem:$0xA280] =	vst v63  }
0x111: {  	s6 =	simm.s32 $0x6F00  }
0x112: {  	[tilespmem:s6], [sflag:$0x1] =	stream.linear.gather [spmem:s20], $0x80, $0x38;
	[tilespmem:$0xA280] =	vst v63  }
0x113: {  	s2 =	simm.s32 $0x7300  }
0x114: {  	[tilespmem:s2], [sflag:$0x1] =	stream.linear.gather [spmem:s21], $0x80, $0x38;
	[tilespmem:$0xA280] =	vst v63  }
0x115: {  	s3 =	simm.s32 $0x7700  }
0x116: {  	[tilespmem:s3], [sflag:$0x1] =	stream.linear.gather [spmem:s22], $0x80, $0x38;
	[tilespmem:$0xA280] =	vst v63  }
0x117: {  	_ =	swait.ge [sflag:s30], $0x280  }
0x118: {  	[sflag:s30] =	ssyncset.done $0x0  }
0x119: {  	s6 =	simm.s32 $0x6780;
	s4 =	rddreg [dreg:$0x14];
	[sflag:s30] =	ssyncadd.s32 $0xFFFFFD80  }
0x11a: {  	[tilespmem:s6], [sflag:$0x1] =	stream.linear.gather [spmem:s4], $0x80, $0x38;
	[tilespmem:$0xA280] =	vst v63  }
0x11b: {  	s3 =	simm.s32 $0x6B80  }
0x11c: {  	[tilespmem:s3], [sflag:$0x1] =	stream.linear.gather [spmem:s23], $0x80, $0x38;
	[tilespmem:$0xA280] =	vst v63  }
0x11d: {  	s4 =	simm.s32 $0x6F80  }
0x11e: {  	[tilespmem:s4], [sflag:$0x1] =	stream.linear.gather [spmem:s24], $0x80, $0x38;
	[tilespmem:$0xA280] =	vst v63  }
0x11f: {  	s6 =	simm.s32 $0x7380  }
0x120: {  	[tilespmem:s6], [sflag:$0x1] =	stream.linear.gather [spmem:s25], $0x80, $0x38;
	[tilespmem:$0xA280] =	vst v63  }
0x121: {  	s2 =	simm.s32 $0x7780  }
0x122: {  	[tilespmem:s2], [sflag:$0x1] =	stream.linear.gather [spmem:s26], $0x80, $0x38;
	[tilespmem:$0xA280] =	vst v63  }
0x123: {  	s3 =	simm.s32 $0x0;
	_ =	swait.ge [sflag:s30], $0x280  }
0x124: {  	s1 =	sand.u32 $0x1C00, s3;
	s4 =	sand.u32 $0x70, s3;
	[sflag:s30] =	ssyncset.done $0x0  }
0x125: {  	s1 =	sor.u32 s4, s1;
	[sflag:s30] =	ssyncadd.s32 $0xFFFFFD80  }
0x126: {  	v2 =	vld [tilespmem:s1+$0x5080]  }
0x127: {  	v3 =	vld [tilespmem:s1+$0x5000];
	_ =	sdelay $0x1  }
0x128: {  	v4 =	vld [tilespmem:s1+$0x5100];
	_ =	sdelay $0x1  }
0x129: {  	v5 =	vld [tilespmem:s1+$0x5180]  }
0x12a: {  	v2 =	vadd.f32 v2, v3  }
0x12b: {  	v3 =	vld [tilespmem:s1+$0x5200]  }
0x12c: {  	v2 =	vadd.f32 v4, v2  }
0x12d: {  	v56 =	vld [tilespmem:s1+$0x5280]  }
0x12e: {  	v2 =	vadd.f32 v5, v2  }
0x12f: {  	v57 =	vld [tilespmem:s1+$0x5300]  }
0x130: {  	v2 =	vadd.f32 v3, v2  }
0x131: {  	v3 =	vld [tilespmem:s1+$0x5380]  }
0x132: {  	v2 =	vadd.f32 v56, v2  }
0x133: {  	v58 =	vld [tilespmem:s1+$0x6400]  }
0x134: {  	v2 =	vadd.f32 v57, v2  }
0x135: {  	v59 =	vld [tilespmem:s1+$0x6480]  }
0x136: {  	v2 =	vadd.f32 v3, v2  }
0x137: {  	v3 =	vld [tilespmem:s1+$0x6500]  }
0x138: {  	v2 =	vadd.f32 v58, v2  }
0x139: {  	v60 =	vld [tilespmem:s1+$0x6580]  }
0x13a: {  	v2 =	vadd.f32 v59, v2  }
0x13b: {  	v61 =	vld [tilespmem:s1+$0x6600]  }
0x13c: {  	v2 =	vadd.f32 v3, v2  }
0x13d: {  	v3 =	vld [tilespmem:s1+$0x6680]  }
0x13e: {  	v2 =	vadd.f32 v60, v2  }
0x13f: {  	v62 =	vld [tilespmem:s1+$0x6700]  }
0x140: {  	v2 =	vadd.f32 v61, v2  }
0x141: {  	v63 =	vld [tilespmem:s1+$0x6780]  }
0x142: {  	v2 =	vadd.f32 v3, v2;
	_ =	sdelay $0x1  }
0x143: {  	v2 =	vadd.f32 v62, v2;
	_ =	sdelay $0x1  }
0x144: {  	s3 =	simm.s32 $0x80;
	s6 =	simm.s32 $0x10;
	v2 =	vadd.f32 v63, v2  }
0x145: {  	s4 =	sand.u32 $0x1C00, s3;
	s2 =	sand.u32 $0x70, s6;
	s1 =	simm.s32 $0x7800  }
0x146: {  	s2 =	sor.u32 s2, s4;
	s4 =	simm.s32 $0x20;
	[tilespmem:s1+$0x0] =	vst v2  }
.LBB2_6:
0x147: {  	p0 =	sne.s32 s4, $0x270;
	v2 =	vld [tilespmem:s2+$0x5080]  }
0x148: {  	v3 =	vld [tilespmem:s2+$0x5000];
	_ =	sdelay $0x1  }
0x149: {  	v4 =	vld [tilespmem:s2+$0x5100];
	_ =	sdelay $0x1  }
0x14a: {  	v5 =	vld [tilespmem:s2+$0x5180]  }
0x14b: {  	v2 =	vadd.f32 v2, v3  }
0x14c: {  	v3 =	vld [tilespmem:s2+$0x5200]  }
0x14d: {  	v2 =	vadd.f32 v4, v2  }
0x14e: {  	v4 =	vld [tilespmem:s2+$0x5280]  }
0x14f: {  	v2 =	vadd.f32 v5, v2  }
0x150: {  	v5 =	vld [tilespmem:s2+$0x5300]  }
0x151: {  	v2 =	vadd.f32 v3, v2  }
0x152: {  	v3 =	vld [tilespmem:s2+$0x5380]  }
0x153: {  	v2 =	vadd.f32 v4, v2  }
0x154: {  	v4 =	vld [tilespmem:s2+$0x6400]  }
0x155: {  	v2 =	vadd.f32 v5, v2  }
0x156: {  	v5 =	vld [tilespmem:s2+$0x6480]  }
0x157: {  	v2 =	vadd.f32 v3, v2  }
0x158: {  	v3 =	vld [tilespmem:s2+$0x6500]  }
0x159: {  	v2 =	vadd.f32 v4, v2  }
0x15a: {  	v4 =	vld [tilespmem:s2+$0x6580]  }
0x15b: {  	v2 =	vadd.f32 v5, v2  }
0x15c: {  	v5 =	vld [tilespmem:s2+$0x6600]  }
0x15d: {  	v2 =	vadd.f32 v3, v2  }
0x15e: {  	v3 =	vld [tilespmem:s2+$0x6680]  }
0x15f: {  	v2 =	vadd.f32 v4, v2  }
0x160: {  	v4 =	vld [tilespmem:s2+$0x6700]  }
0x161: {  	v2 =	vadd.f32 v5, v2  }
0x162: {  	v5 =	vld [tilespmem:s2+$0x6780]  }
0x163: {  	v2 =	vadd.f32 v3, v2;
	_ =	sdelay $0x1  }
.Ltmp2:
0x164: {  	v2 =	vadd.f32 v4, v2;
	(pc) =	sbr.rel @p0 .LBB2_6-.Ltmp2, $4  }
0x165: {  	_ = 	snop  }
0x166: {  	s3 =	sadd.s32 $0x80, s3;
	v2 =	vadd.f32 v5, v2  }
0x167: {  	s1 =	sadd.s32 $0x10, s1;
	s6 =	sand.u32 $0x1C00, s3;
	s2 =	sand.u32 $0x70, s4  }
0x168: {  	s4 =	sadd.s32 $0x10, s4;
	s2 =	sor.u32 s2, s6;
	[tilespmem:s1+$0x0] =	vst v2  }
0x169: {  	v2 =	vld [tilespmem:s2+$0x5080]  }
0x16a: {  	v3 =	vld [tilespmem:s2+$0x5000];
	_ =	sdelay $0x1  }
0x16b: {  	v4 =	vld [tilespmem:s2+$0x5100];
	_ =	sdelay $0x1  }
0x16c: {  	v5 =	vld [tilespmem:s2+$0x5180]  }
0x16d: {  	v2 =	vadd.f32 v2, v3  }
0x16e: {  	v3 =	vld [tilespmem:s2+$0x5200]  }
0x16f: {  	v2 =	vadd.f32 v4, v2  }
0x170: {  	v56 =	vld [tilespmem:s2+$0x5280]  }
0x171: {  	v2 =	vadd.f32 v5, v2  }
0x172: {  	v57 =	vld [tilespmem:s2+$0x5300]  }
0x173: {  	v2 =	vadd.f32 v3, v2  }
0x174: {  	v3 =	vld [tilespmem:s2+$0x5380]  }
0x175: {  	v2 =	vadd.f32 v56, v2  }
0x176: {  	v58 =	vld [tilespmem:s2+$0x6400]  }
0x177: {  	v2 =	vadd.f32 v57, v2  }
0x178: {  	v59 =	vld [tilespmem:s2+$0x6480]  }
0x179: {  	v2 =	vadd.f32 v3, v2  }
0x17a: {  	v3 =	vld [tilespmem:s2+$0x6500]  }
0x17b: {  	v2 =	vadd.f32 v58, v2  }
0x17c: {  	v60 =	vld [tilespmem:s2+$0x6580]  }
0x17d: {  	v2 =	vadd.f32 v59, v2  }
0x17e: {  	v61 =	vld [tilespmem:s2+$0x6600]  }
0x17f: {  	v2 =	vadd.f32 v3, v2  }
0x180: {  	v3 =	vld [tilespmem:s2+$0x6680]  }
0x181: {  	v2 =	vadd.f32 v60, v2  }
0x182: {  	v62 =	vld [tilespmem:s2+$0x6700]  }
0x183: {  	v2 =	vadd.f32 v61, v2  }
0x184: {  	v63 =	vld [tilespmem:s2+$0x6780]  }
0x185: {  	v2 =	vadd.f32 v3, v2;
	_ =	sdelay $0x1  }
0x186: {  	v2 =	vadd.f32 v62, v2;
	_ =	sdelay $0x1  }
0x187: {  	v2 =	vadd.f32 v63, v2  }
0x188: {  	s1 =	sadd.s32 $0x10, s1  }
0x189: {  	s4 =	simm.s32 $0x100;
	s3 =	simm.s32 $0x7800;
	s2 =	rddreg [dreg:$0x15];
	[tilespmem:s1+$0x0] =	vst v2  }
0x18a: {  	[hbm4b:s2+s28] =	stream.strided.scatter [tilespmem:s3], [sflag:$0x1], $0x280, s4, s28, $0x38;
	[tilespmem:$0xA280] =	vst v63  }
0x18b: {  	_ =	swait.ge [sflag:s30], $0x280  }
0x18c: {  	s0 =	sadd.s32 $0x1, s0;
	s6 =	rddreg [dreg:$0x16]  }
0x18d: {  	p0 =	sne.s32 s0, s6  }
.Ltmp3:
0x18e: {  	_ = 	snop;
	(pc) =	sbr.rel @p0 .LBB2_1-.Ltmp3, $3  }
0x18f: {  	_ =	sdelay $0x1  }
0x190: {  	[sflag:s30] =	ssyncset.done $0x0  }
0x191: {  	[sflag:s30] =	ssyncadd.s32 $0xFFFFFD80  }
0x192: {  	_ =	sfence.sel $0x180000  }
0x193: {  	[bflag:$0x0] =	sbarrier.arrive $0xFFFF  }
0x194: {  	_ =	strace $0x90000047  }
0x195: {  	s0 =	stileid.u32;
	[bflag:$0x2] =	sbarrier.arrive $0xFFFF  }
0x196: {  	p0 =	sne.s32 s0, $0x0;
	s0 =	rddreg [dreg:$0x3]  }
0x197: {  	s0 =	sadd.s32 @!p0 $0x100000, s0  }
0x198: {  	[sflag:s0] =	ssyncadd.tile.s32 @!p0 $0x1;
	_ =	shalt  }
.Lfunc_end2:
_tile_overlayer_lowered:
.L_overlay_start_2:
0x199: {  	(tag) =	ssettag $0x2  }
0x19a: {  	s0 =	rddreg [dreg:$0x0];
	s2 =	stileid.u32  }
0x19b: {  	s1 =	rddreg [dreg:$0x1];
	p0 =	sne.s32 s2, $0x0  }
0x19c: {  	s3 =	rddreg [dreg:$0x2];
	[bflag:$0x3] =	sbarrier.arrive $0xFFFF;
	s2 =	simm.s32 @!p0 $0x1C01  }
0x19d: {  	[timem:s3], [sflag:s2] =	dma.local @!p0 [hbm:s0], s1  }
0x19e: {  	s0 =	simm.s32 @!p0 $0x1  }
0x19f: {  	_ =	swait.ge @!p0 [sflag:s0], s1  }
0x1a0: {  	s1 =	ssub.s32 @!p0 $0x0, s1;
	[sflag:s0] =	ssyncset.done @!p0 $0x0  }
0x1a1: {  	[sflag:s0] =	ssyncadd.s32 @!p0 s1  }
0x1a2: {  	[bflag:$0x3] =	sbarrier.arrive $0xFFFF  }
0x1a3: {  	_ =	shalt  }

</sc_bundles>
